<compile_context>
chip_gen: v7x
topology: tpu7x:2x2x1
jax: 0.10.2.dev20260603
libtpu: 0.0.44.dev20260713+nightly
codegen_flags: <defaults>
</compile_context>

<pallas_src>
import functools

import jax
import jax.numpy as jnp
from jax import lax
from jax.experimental import pallas as pl
from jax.experimental.pallas import tpu as pltpu
from jax.experimental.pallas import tpu_sc as plsc

N = 10000
E = 320000
ND = 128
ED = 16
HD = 128
GW = HD

NC = 2
NS = 16
NW = NC * NS
NH = 2
EH = E // NH
EC = EH // NW
CH = 40
KCH = EC // CH
NPAD = 10240
NPT = NPAD // NS

RB = 2000
EB = 8000

_mesh = plsc.VectorSubcoreMesh(core_axis_name="c", subcore_axis_name="s")



def _node_pre_body(x_ref, nt_ref, w1, b1, w2, b2, gwx, gwt, out_ref):
    x = x_ref[...]
    h1 = jnp.maximum(jnp.dot(x, w1[...], preferred_element_type=jnp.float32)
                     + b1[...], 0.0)
    h_node = jnp.dot(h1, w2[...], preferred_element_type=jnp.float32) + b2[...]
    gp = (jnp.dot(x, gwx[...], preferred_element_type=jnp.float32)
          + nt_ref[...] * gwt[...])
    hu = jax.lax.bitcast_convert_type(h_node, jnp.uint32)
    gu = jax.lax.bitcast_convert_type(gp, jnp.uint32)
    rnd = lambda u: (u + jnp.uint32(0x7FFF) + ((u >> 16) & jnp.uint32(1))) >> 16
    packed = rnd(hu) | (rnd(gu) << 16)
    out_ref[...] = jax.lax.bitcast_convert_type(packed, jnp.float32)


def _edge_body(ea_ref, g_ref, ew1, eb1, ew2, eb2, gwe, gb1, gw2, gb2, mw, mb,
               out_ref):
    dot = functools.partial(jnp.dot, preferred_element_type=jnp.float32)
    ea8 = ea_ref[...]
    gu = jax.lax.bitcast_convert_type(g_ref[...], jnp.uint32)
    hn = jax.lax.bitcast_convert_type(gu << 16, jnp.float32)
    gp_node = jax.lax.bitcast_convert_type(gu & jnp.uint32(0xFFFF0000),
                                           jnp.float32)
    c1 = dot(ea8, ew1[...]).reshape(EB, HD)
    c2 = dot(ea8, gwe[...]).reshape(EB, HD)
    h1 = jnp.maximum(c1 + eb1[...], 0.0)
    he = dot(h1, ew2[...]) + eb2[...]
    gh = jnp.maximum(c2 + gp_node + gb1[...], 0.0)
    gate = dot(gh, gw2[...]) + gb2[...]
    m = dot(he * hn, mw[...]) + mb[...]
    out_ref[...] = m * jax.nn.sigmoid(gate)


def _final_body(x_ref, p0_ref, p1_ref, p2_ref, p3_ref, clw, clb, lng, lnb,
                ow, ob, out_ref):
    x = x_ref[...]
    o = (jnp.dot(x, clw[...], preferred_element_type=jnp.float32) + clb[...]
         + (p0_ref[0] + p1_ref[0]) + (p2_ref[0] + p3_ref[0]))
    mu = jnp.mean(o, axis=1, keepdims=True)
    var = jnp.mean((o - mu) * (o - mu), axis=1, keepdims=True)
    o = (o - mu) / jnp.sqrt(var + 1e-5) * lng[...] + lnb[...]
    o = jnp.maximum(o, 0.0)
    out_ref[...] = jnp.dot(o, ow[...], preferred_element_type=jnp.float32) + ob[...]



G = 5
GS = 5
CHS = 40
KCHS = EC // CHS


@functools.partial(
    pl.kernel,
    mesh=_mesh,
    out_type=jax.ShapeDtypeStruct((EH, GW), jnp.float32),
    scratch_types=[
        pltpu.VMEM((KCH, CH), jnp.int32),
        pltpu.VMEM((G, CH, GW), jnp.float32),
        pltpu.SemaphoreType.DMA,
    ],
)
def _sc_gather(table_hbm, idx_hbm, out_hbm, idx_v, rows_v, sem):
    c = lax.axis_index("c")
    s = lax.axis_index("s")
    t = c * NS + s
    pltpu.sync_copy(idx_hbm.at[t], idx_v)

    def group(g, carry):
        base = g * G
        handles = [
            pltpu.async_copy(table_hbm.at[idx_v.at[base + b]], rows_v.at[b],
                             sem)
            for b in range(G)
        ]
        for b in range(G):
            handles[b].wait()
            pltpu.sync_copy(rows_v.at[b],
                            out_hbm.at[pl.ds(t * EC + (base + b) * CH, CH)])
        return carry

    lax.fori_loop(0, KCH // G, group, 0)


@functools.partial(
    pl.kernel,
    mesh=_mesh,
    out_type=jax.ShapeDtypeStruct((NC * NPAD, HD), jnp.float32),
    scratch_types=[
        pltpu.VMEM((GS, CHS), jnp.int32),
        pltpu.VMEM((GS, CHS, HD), jnp.float32),
        pltpu.VMEM_SHARED((NPAD, HD), jnp.float32),
        pltpu.SemaphoreType.DMA,
        pltpu.SemaphoreType.DMA,
    ],
)
def _sc_scatter(msg_hbm, row_hbm, zero_hbm, out_hbm, idx_v, msg_v, acc_sh,
                sem, isem):
    c = lax.axis_index("c")
    s = lax.axis_index("s")
    t = c * NS + s
    pltpu.sync_copy(zero_hbm.at[pl.ds(s * NPT, NPT)],
                    acc_sh.at[pl.ds(s * NPT, NPT)])
    plsc.subcore_barrier()

    def group(g, carry):
        base = g * GS
        ih = pltpu.async_copy(row_hbm.at[t, g], idx_v, isem)
        handles = [
            pltpu.async_copy(
                msg_hbm.at[pl.ds(t * EC + (base + b) * CHS, CHS)],
                msg_v.at[b], sem)
            for b in range(GS)
        ]
        ih.wait()
        for b in range(GS):
            handles[b].wait()
            pltpu.sync_copy(msg_v.at[b], acc_sh.at[idx_v.at[b]],
                            add=True)
        return carry

    lax.fori_loop(0, KCHS // GS, group, 0)
    plsc.subcore_barrier()
    pltpu.sync_copy(acc_sh.at[pl.ds(s * NPT, NPT)],
                    out_hbm.at[pl.ds(c * NPAD + s * NPT, NPT)])



def kernel(x, edge_index, edge_attr, node_time,
           nn_W1, nn_b1, nn_W2, nn_b2,
           en_W1, en_b1, en_W2, en_b2,
           msg_W, msg_b,
           g_W1, g_b1, g_W2, g_b2,
           cl_W, cl_b, ln_g, ln_b, out_W, out_b):
    ea8 = edge_attr.reshape(E // 8, 8 * ED)

    row = edge_index[0].reshape(NH, NW, KCHS // GS, GS, CHS)
    col = edge_index[1].reshape(NH, NW, KCH, CH)

    g_W1e = g_W1[:ED]
    g_W1x = g_W1[ED:ED + ND]
    g_W1t = g_W1[ED + ND:]

    r2 = lambda v: v.reshape(1, -1)

    table = pl.pallas_call(
        _node_pre_body,
        grid=(N // RB,),
        in_specs=[
            pl.BlockSpec((RB, ND), lambda i: (i, 0)),
            pl.BlockSpec((RB, 1), lambda i: (i, 0)),
            pl.BlockSpec((ND, HD), lambda i: (0, 0)),
            pl.BlockSpec((1, HD), lambda i: (0, 0)),
            pl.BlockSpec((HD, HD), lambda i: (0, 0)),
            pl.BlockSpec((1, HD), lambda i: (0, 0)),
            pl.BlockSpec((ND, HD), lambda i: (0, 0)),
            pl.BlockSpec((1, HD), lambda i: (0, 0)),
        ],
        out_specs=pl.BlockSpec((RB, GW), lambda i: (i, 0)),
        out_shape=jax.ShapeDtypeStruct((N, GW), jnp.float32),
    )(x, node_time, nn_W1, r2(nn_b1), nn_W2, r2(nn_b2), g_W1x, g_W1t)

    zeros = jnp.zeros((NPAD, HD), jnp.float32)
    eblk = EH // EB
    eye8 = jnp.eye(8, dtype=jnp.float32)
    ew1_bd = jnp.einsum("ij,kl->ikjl", eye8, en_W1).reshape(8 * ED, 8 * HD)
    gwe_bd = jnp.einsum("ij,kl->ikjl", eye8, g_W1e).reshape(8 * ED, 8 * HD)
    gathered_halves = [_sc_gather(table, col[h]) for h in range(NH)]
    partials = []
    for h in range(NH):
        gathered = gathered_halves[h]
        msg = pl.pallas_call(
            _edge_body,
            grid=(eblk,),
            in_specs=[
                pl.BlockSpec((EB // 8, 8 * ED), lambda i, h=h: (i + h * eblk, 0)),
                pl.BlockSpec((EB, GW), lambda i: (i, 0)),
                pl.BlockSpec((8 * ED, 8 * HD), lambda i: (0, 0)),
                pl.BlockSpec((1, HD), lambda i: (0, 0)),
                pl.BlockSpec((HD, HD), lambda i: (0, 0)),
                pl.BlockSpec((1, HD), lambda i: (0, 0)),
                pl.BlockSpec((8 * ED, 8 * HD), lambda i: (0, 0)),
                pl.BlockSpec((1, HD), lambda i: (0, 0)),
                pl.BlockSpec((HD, HD), lambda i: (0, 0)),
                pl.BlockSpec((1, HD), lambda i: (0, 0)),
                pl.BlockSpec((HD, HD), lambda i: (0, 0)),
                pl.BlockSpec((1, HD), lambda i: (0, 0)),
            ],
            out_specs=pl.BlockSpec((EB, HD), lambda i: (i, 0)),
            out_shape=jax.ShapeDtypeStruct((EH, HD), jnp.float32),
        )(ea8, gathered, ew1_bd, r2(en_b1), en_W2, r2(en_b2),
          gwe_bd, r2(g_b1), g_W2, r2(g_b2), msg_W, r2(msg_b))
        partials.append(_sc_scatter(msg, row[h], zeros).reshape(NC, NPAD, HD))

    nblk = N // RB
    out = pl.pallas_call(
        _final_body,
        grid=(nblk,),
        in_specs=[
            pl.BlockSpec((RB, ND), lambda i: (i, 0)),
            pl.BlockSpec((1, RB, HD), lambda i: (0, i, 0)),
            pl.BlockSpec((1, RB, HD), lambda i: (1, i, 0)),
            pl.BlockSpec((1, RB, HD), lambda i: (0, i, 0)),
            pl.BlockSpec((1, RB, HD), lambda i: (1, i, 0)),
            pl.BlockSpec((ND, HD), lambda i: (0, 0)),
            pl.BlockSpec((1, HD), lambda i: (0, 0)),
            pl.BlockSpec((1, HD), lambda i: (0, 0)),
            pl.BlockSpec((1, HD), lambda i: (0, 0)),
            pl.BlockSpec((HD, ND), lambda i: (0, 0)),
            pl.BlockSpec((1, ND), lambda i: (0, 0)),
        ],
        out_specs=pl.BlockSpec((RB, ND), lambda i: (i, 0)),
        out_shape=jax.ShapeDtypeStruct((N, ND), jnp.float32),
    )(x, partials[0], partials[0], partials[1], partials[1],
      cl_W, r2(cl_b), r2(ln_g), r2(ln_b), out_W, r2(out_b))

    return out

# --- scband reference (transcript-rebuilt; emitter-appended) ---
"""Pipeline reference for scband-node-block-12017318494540 (READ-ONLY COPY).

The authoritative reference and input builder live on the scoring server;
editing this copy changes nothing except your own understanding.
"""

import jax, jax.numpy as jnp
import numpy as np

N = 10000
E = 320000
ND = 128
ED = 16
HD = 128


def _mlp(x, W1, b1, W2, b2):
    return jnp.maximum(x @ W1 + b1, 0.0) @ W2 + b2


def setup_inputs(seed: int = 0) -> dict:
    key = jax.random.key(seed)
    ks = jax.random.split(key, 16)

    def lin(k, fan_in, fan_out):
        return (jax.random.normal(k, (fan_in, fan_out), dtype=jnp.float32) / np.sqrt(fan_in)).astype(jnp.float32)

    inp = {}
    inp["x"] = jax.random.normal(ks[0], (N, ND), dtype=jnp.float32)
    inp["edge_index"] = jax.random.randint(ks[1], (2, E), 0, N, dtype=jnp.int32)
    inp["edge_attr"] = jax.random.normal(ks[2], (E, ED), dtype=jnp.float32)
    inp["node_time"] = jax.random.uniform(ks[3], (N, 1), dtype=jnp.float32)
    # node_net MLP(ND -> HD -> HD)
    inp["nn_W1"] = lin(ks[4], ND, HD); inp["nn_b1"] = jnp.zeros((HD,), jnp.float32)
    inp["nn_W2"] = lin(ks[5], HD, HD); inp["nn_b2"] = jnp.zeros((HD,), jnp.float32)
    # edge_net MLP(ED -> HD -> HD)
    inp["en_W1"] = lin(ks[6], ED, HD); inp["en_b1"] = jnp.zeros((HD,), jnp.float32)
    inp["en_W2"] = lin(ks[7], HD, HD); inp["en_b2"] = jnp.zeros((HD,), jnp.float32)
    # msg_net Linear(HD -> HD)
    inp["msg_W"] = lin(ks[8], HD, HD); inp["msg_b"] = jnp.zeros((HD,), jnp.float32)
    # gate MLP(ED + ND + 1 -> HD -> HD)
    GIN = ED + ND + 1
    inp["g_W1"] = lin(ks[9], GIN, HD); inp["g_b1"] = jnp.zeros((HD,), jnp.float32)
    inp["g_W2"] = lin(ks[10], HD, HD); inp["g_b2"] = jnp.zeros((HD,), jnp.float32)
    # centroid_lin Linear(ND -> HD)
    inp["cl_W"] = lin(ks[11], ND, HD); inp["cl_b"] = jnp.zeros((HD,), jnp.float32)
    # layer_norm params
    inp["ln_g"] = jnp.ones((HD,), jnp.float32); inp["ln_b"] = jnp.zeros((HD,), jnp.float32)
    # out_transform Linear(HD -> ND)
    inp["out_W"] = lin(ks[12], HD, ND); inp["out_b"] = jnp.zeros((ND,), jnp.float32)
    return inp


def reference(x, edge_index, edge_attr, node_time,
              nn_W1, nn_b1, nn_W2, nn_b2,
              en_W1, en_b1, en_W2, en_b2,
              msg_W, msg_b,
              g_W1, g_b1, g_W2, g_b2,
              cl_W, cl_b, ln_g, ln_b, out_W, out_b):
    row = edge_index[0]
    col = edge_index[1]
    h_node = _mlp(x, nn_W1, nn_b1, nn_W2, nn_b2)
    h_edge = _mlp(edge_attr, en_W1, en_b1, en_W2, en_b2)
    msg_j = (h_edge * h_node[col]) @ msg_W + msg_b
    gate_in = jnp.concatenate([edge_attr, x[col], node_time[col]], axis=-1)
    gate = _mlp(gate_in, g_W1, g_b1, g_W2, g_b2)
    msg_j = msg_j * jax.nn.sigmoid(gate)
    aggr_msg = jax.ops.segment_sum(msg_j, row, num_segments=N)
    out = (x @ cl_W + cl_b) + aggr_msg
    mu = jnp.mean(out, axis=-1, keepdims=True)
    var = jnp.var(out, axis=-1, keepdims=True)
    out = (out - mu) / jnp.sqrt(var + 1e-5) * ln_g + ln_b
    out = jnp.maximum(out, 0.0) @ out_W + out_b
    return out

if __name__ == "__main__":
    import jax
    _d = setup_inputs()
    print(jax.jit(kernel)(*tuple(_d.values())))

</pallas_src>

<mosaic_0001>
#map = affine_map<(d0, d1) -> (0, 0)>
#map1 = affine_map<(d0, d1) -> (0, 0, 0, 0)>
module attributes {stable_mosaic.version = 14 : i64} {
  func.func @_sc_scatter(%arg0: i32, %arg1: i32, %arg2: memref<160000x128xf32, #tpu.memory_space<hbm>>, %arg3: memref<32x25x5x40xi32, #tpu.memory_space<hbm>>, %arg4: memref<10240x128xf32, #tpu.memory_space<hbm>>, %arg5: memref<20480x128xf32, #tpu.memory_space<hbm>>, %arg6: memref<5x40xi32, #tpu.memory_space<vmem>>, %arg7: memref<5x40x128xf32, #tpu.memory_space<vmem>>, %arg8: memref<10240x128xf32, #tpu.memory_space<vmem_shared>>, %arg9: memref<!tpu.dma_semaphore, #tpu.memory_space<semaphore_mem>>, %arg10: memref<!tpu.dma_semaphore, #tpu.memory_space<semaphore_mem>>) attributes {dimension_semantics = [#tpu.dimension_semantics<core_parallel>, #tpu.dimension_semantics<subcore_parallel>], iteration_bounds = array<i64: 2, 16>, scalar_prefetch = 0 : i64, scratch_operands = 5 : i64, tpu.core_type = #tpu.core_type<sc_vector_subcore>, window_params = [{transform_indices = #map}, {transform_indices = #map1}, {transform_indices = #map}, {transform_indices = #map}]} {
    %mul3A = arith.constant 16 : i32
    %mul3A_0 = arith.muli %arg0, %mul3A : i32
    %add3A = arith.addi %mul3A_0, %arg1 : i32
    %mul3A_1 = arith.constant 640 : i32
    %mul3A_2 = arith.muli %arg1, %mul3A_1 : i32
    %mul3A_3 = arith.constant 640 : i32
    %mul3A_4 = arith.muli %arg1, %mul3A_3 : i32
    "tpu.region"() ({
      %run_scoped3A = tpu.sem_alloc : memref<!tpu.dma_semaphore, #tpu.memory_space<semaphore_mem>>
      %dma_start3A = arith.constant 0 : i32
      %dma_start3A_18 = tpu.memref_slice %arg8[%mul3A_4, %dma_start3A] : memref<10240x128xf32, #tpu.memory_space<vmem_shared>> -> memref<640x128xf32, #tpu.memory_space<vmem_shared>>
      %dma_start3A_19 = arith.constant 0 : i32
      %dma_start3A_20 = tpu.memref_slice %arg4[%mul3A_2, %dma_start3A_19] : memref<10240x128xf32, #tpu.memory_space<hbm>> -> memref<640x128xf32, #tpu.memory_space<hbm>>
      tpu.enqueue_dma source(%dma_start3A_20 : memref<640x128xf32, #tpu.memory_space<hbm>>) target(%dma_start3A_18 : memref<640x128xf32, #tpu.memory_space<vmem_shared>>) target_semaphore(%run_scoped3A : memref<!tpu.dma_semaphore, #tpu.memory_space<semaphore_mem>>)
      %dma_wait3A = arith.constant 0 : i32
      %dma_wait3A_21 = tpu.memref_slice %arg8[%mul3A_4, %dma_wait3A] : memref<10240x128xf32, #tpu.memory_space<vmem_shared>> -> memref<640x128xf32, #tpu.memory_space<vmem_shared>>
      %dma_wait3A_22 = arith.constant 0 : i32
      %dma_wait3A_23 = tpu.memref_slice %arg4[%mul3A_2, %dma_wait3A_22] : memref<10240x128xf32, #tpu.memory_space<hbm>> -> memref<640x128xf32, #tpu.memory_space<hbm>>
      tpu.wait_dma2 semaphore(%run_scoped3A : memref<!tpu.dma_semaphore, #tpu.memory_space<semaphore_mem>>) src(%dma_wait3A_23 : memref<640x128xf32, #tpu.memory_space<hbm>>) dst(%dma_wait3A_21 : memref<640x128xf32, #tpu.memory_space<vmem_shared>>)
      tpu.yield
    }) : () -> ()
    %barrier3A = arith.constant 0 : index
    tpu.barrier barrier_id(%barrier3A)
    %scan3A = arith.constant 0 : i32
    %scan3A_5 = arith.constant 0 : i32
    %scan3A_6 = arith.constant 25 : i32
    %scan3A_7 = arith.addi %scan3A_5, %scan3A_6 : i32
    %scan3A_8 = arith.constant 1 : i32
    scf.for %scan3A_18 = %scan3A_5 to %scan3A_7 step %scan3A_8  : i32 {
      %mul3A_19 = arith.constant 5 : i32
      %mul3A_20 = arith.muli %scan3A_18, %mul3A_19 : i32
      %dma_start3A = arith.constant 0 : i32
      %dma_start3A_21 = arith.constant 0 : i32
      %dma_start3A_22 = tpu.memref_slice %arg3[%add3A, %scan3A_18, %dma_start3A, %dma_start3A_21] : memref<32x25x5x40xi32, #tpu.memory_space<hbm>> -> memref<1x1x5x40xi32, #tpu.memory_space<hbm>>
      %dma_start3A_23 = tpu.memref_squeeze %dma_start3A_22 : memref<1x1x5x40xi32, #tpu.memory_space<hbm>> -> memref<5x40xi32, #tpu.memory_space<hbm>>
      %dma_start3A_24 = arith.constant 0 : i32
      %dma_start3A_25 = arith.constant 0 : i32
      %dma_start3A_26 = tpu.memref_slice %arg3[%add3A, %scan3A_18, %dma_start3A_24, %dma_start3A_25] : memref<32x25x5x40xi32, #tpu.memory_space<hbm>> -> memref<1x1x5x40xi32, #tpu.memory_space<hbm>>
      %dma_start3A_27 = tpu.memref_squeeze %dma_start3A_26 : memref<1x1x5x40xi32, #tpu.memory_space<hbm>> -> memref<5x40xi32, #tpu.memory_space<hbm>>
      tpu.enqueue_dma source(%dma_start3A_27 : memref<5x40xi32, #tpu.memory_space<hbm>>) target(%arg6 : memref<5x40xi32, #tpu.memory_space<vmem>>) target_semaphore(%arg10 : memref<!tpu.dma_semaphore, #tpu.memory_space<semaphore_mem>>)
      %mul3A_28 = arith.constant 5000 : i32
      %mul3A_29 = arith.muli %add3A, %mul3A_28 : i32
      %add3A_30 = arith.constant 0 : i32
      %add3A_31 = arith.addi %mul3A_20, %add3A_30 : i32
      %mul3A_32 = arith.constant 40 : i32
      %mul3A_33 = arith.muli %add3A_31, %mul3A_32 : i32
      %add3A_34 = arith.addi %mul3A_29, %mul3A_33 : i32
      %dma_start3A_35 = arith.constant 0 : i32
      %dma_start3A_36 = arith.constant 0 : i32
      %dma_start3A_37 = arith.constant 0 : i32
      %dma_start3A_38 = tpu.memref_slice %arg7[%dma_start3A_35, %dma_start3A_36, %dma_start3A_37] : memref<5x40x128xf32, #tpu.memory_space<vmem>> -> memref<1x40x128xf32, #tpu.memory_space<vmem>>
      %dma_start3A_39 = tpu.memref_squeeze %dma_start3A_38 : memref<1x40x128xf32, #tpu.memory_space<vmem>> -> memref<40x128xf32, #tpu.memory_space<vmem>>
      %dma_start3A_40 = arith.constant 0 : i32
      %dma_start3A_41 = tpu.memref_slice %arg2[%add3A_34, %dma_start3A_40] : memref<160000x128xf32, #tpu.memory_space<hbm>> -> memref<40x128xf32, #tpu.memory_space<hbm>>
      %dma_start3A_42 = arith.constant 0 : i32
      %dma_start3A_43 = arith.constant 0 : i32
      %dma_start3A_44 = tpu.memref_slice %arg7[%dma_start3A_35, %dma_start3A_42, %dma_start3A_43] : memref<5x40x128xf32, #tpu.memory_space<vmem>> -> memref<1x40x128xf32, #tpu.memory_space<vmem>>
      %dma_start3A_45 = tpu.memref_squeeze %dma_start3A_44 : memref<1x40x128xf32, #tpu.memory_space<vmem>> -> memref<40x128xf32, #tpu.memory_space<vmem>>
      %dma_start3A_46 = arith.constant 0 : i32
      %dma_start3A_47 = tpu.memref_slice %arg2[%add3A_34, %dma_start3A_46] : memref<160000x128xf32, #tpu.memory_space<hbm>> -> memref<40x128xf32, #tpu.memory_space<hbm>>
      tpu.enqueue_dma source(%dma_start3A_47 : memref<40x128xf32, #tpu.memory_space<hbm>>) target(%dma_start3A_45 : memref<40x128xf32, #tpu.memory_space<vmem>>) target_semaphore(%arg9 : memref<!tpu.dma_semaphore, #tpu.memory_space<semaphore_mem>>)
      %mul3A_48 = arith.constant 5000 : i32
      %mul3A_49 = arith.muli %add3A, %mul3A_48 : i32
      %add3A_50 = arith.constant 1 : i32
      %add3A_51 = arith.addi %mul3A_20, %add3A_50 : i32
      %mul3A_52 = arith.constant 40 : i32
      %mul3A_53 = arith.muli %add3A_51, %mul3A_52 : i32
      %add3A_54 = arith.addi %mul3A_49, %mul3A_53 : i32
      %dma_start3A_55 = arith.constant 1 : i32
      %dma_start3A_56 = arith.constant 0 : i32
      %dma_start3A_57 = arith.constant 0 : i32
      %dma_start3A_58 = tpu.memref_slice %arg7[%dma_start3A_55, %dma_start3A_56, %dma_start3A_57] : memref<5x40x128xf32, #tpu.memory_space<vmem>> -> memref<1x40x128xf32, #tpu.memory_space<vmem>>
      %dma_start3A_59 = tpu.memref_squeeze %dma_start3A_58 : memref<1x40x128xf32, #tpu.memory_space<vmem>> -> memref<40x128xf32, #tpu.memory_space<vmem>>
      %dma_start3A_60 = arith.constant 0 : i32
      %dma_start3A_61 = tpu.memref_slice %arg2[%add3A_54, %dma_start3A_60] : memref<160000x128xf32, #tpu.memory_space<hbm>> -> memref<40x128xf32, #tpu.memory_space<hbm>>
      %dma_start3A_62 = arith.constant 0 : i32
      %dma_start3A_63 = arith.constant 0 : i32
      %dma_start3A_64 = tpu.memref_slice %arg7[%dma_start3A_55, %dma_start3A_62, %dma_start3A_63] : memref<5x40x128xf32, #tpu.memory_space<vmem>> -> memref<1x40x128xf32, #tpu.memory_space<vmem>>
      %dma_start3A_65 = tpu.memref_squeeze %dma_start3A_64 : memref<1x40x128xf32, #tpu.memory_space<vmem>> -> memref<40x128xf32, #tpu.memory_space<vmem>>
      %dma_start3A_66 = arith.constant 0 : i32
      %dma_start3A_67 = tpu.memref_slice %arg2[%add3A_54, %dma_start3A_66] : memref<160000x128xf32, #tpu.memory_space<hbm>> -> memref<40x128xf32, #tpu.memory_space<hbm>>
      tpu.enqueue_dma source(%dma_start3A_67 : memref<40x128xf32, #tpu.memory_space<hbm>>) target(%dma_start3A_65 : memref<40x128xf32, #tpu.memory_space<vmem>>) target_semaphore(%arg9 : memref<!tpu.dma_semaphore, #tpu.memory_space<semaphore_mem>>)
      %mul3A_68 = arith.constant 5000 : i32
      %mul3A_69 = arith.muli %add3A, %mul3A_68 : i32
      %add3A_70 = arith.constant 2 : i32
      %add3A_71 = arith.addi %mul3A_20, %add3A_70 : i32
      %mul3A_72 = arith.constant 40 : i32
      %mul3A_73 = arith.muli %add3A_71, %mul3A_72 : i32
      %add3A_74 = arith.addi %mul3A_69, %mul3A_73 : i32
      %dma_start3A_75 = arith.constant 2 : i32
      %dma_start3A_76 = arith.constant 0 : i32
      %dma_start3A_77 = arith.constant 0 : i32
      %dma_start3A_78 = tpu.memref_slice %arg7[%dma_start3A_75, %dma_start3A_76, %dma_start3A_77] : memref<5x40x128xf32, #tpu.memory_space<vmem>> -> memref<1x40x128xf32, #tpu.memory_space<vmem>>
      %dma_start3A_79 = tpu.memref_squeeze %dma_start3A_78 : memref<1x40x128xf32, #tpu.memory_space<vmem>> -> memref<40x128xf32, #tpu.memory_space<vmem>>
      %dma_start3A_80 = arith.constant 0 : i32
      %dma_start3A_81 = tpu.memref_slice %arg2[%add3A_74, %dma_start3A_80] : memref<160000x128xf32, #tpu.memory_space<hbm>> -> memref<40x128xf32, #tpu.memory_space<hbm>>
      %dma_start3A_82 = arith.constant 0 : i32
      %dma_start3A_83 = arith.constant 0 : i32
      %dma_start3A_84 = tpu.memref_slice %arg7[%dma_start3A_75, %dma_start3A_82, %dma_start3A_83] : memref<5x40x128xf32, #tpu.memory_space<vmem>> -> memref<1x40x128xf32, #tpu.memory_space<vmem>>
      %dma_start3A_85 = tpu.memref_squeeze %dma_start3A_84 : memref<1x40x128xf32, #tpu.memory_space<vmem>> -> memref<40x128xf32, #tpu.memory_space<vmem>>
      %dma_start3A_86 = arith.constant 0 : i32
      %dma_start3A_87 = tpu.memref_slice %arg2[%add3A_74, %dma_start3A_86] : memref<160000x128xf32, #tpu.memory_space<hbm>> -> memref<40x128xf32, #tpu.memory_space<hbm>>
      tpu.enqueue_dma source(%dma_start3A_87 : memref<40x128xf32, #tpu.memory_space<hbm>>) target(%dma_start3A_85 : memref<40x128xf32, #tpu.memory_space<vmem>>) target_semaphore(%arg9 : memref<!tpu.dma_semaphore, #tpu.memory_space<semaphore_mem>>)
      %mul3A_88 = arith.constant 5000 : i32
      %mul3A_89 = arith.muli %add3A, %mul3A_88 : i32
      %add3A_90 = arith.constant 3 : i32
      %add3A_91 = arith.addi %mul3A_20, %add3A_90 : i32
      %mul3A_92 = arith.constant 40 : i32
      %mul3A_93 = arith.muli %add3A_91, %mul3A_92 : i32
      %add3A_94 = arith.addi %mul3A_89, %mul3A_93 : i32
      %dma_start3A_95 = arith.constant 3 : i32
      %dma_start3A_96 = arith.constant 0 : i32
      %dma_start3A_97 = arith.constant 0 : i32
      %dma_start3A_98 = tpu.memref_slice %arg7[%dma_start3A_95, %dma_start3A_96, %dma_start3A_97] : memref<5x40x128xf32, #tpu.memory_space<vmem>> -> memref<1x40x128xf32, #tpu.memory_space<vmem>>
      %dma_start3A_99 = tpu.memref_squeeze %dma_start3A_98 : memref<1x40x128xf32, #tpu.memory_space<vmem>> -> memref<40x128xf32, #tpu.memory_space<vmem>>
      %dma_start3A_100 = arith.constant 0 : i32
      %dma_start3A_101 = tpu.memref_slice %arg2[%add3A_94, %dma_start3A_100] : memref<160000x128xf32, #tpu.memory_space<hbm>> -> memref<40x128xf32, #tpu.memory_space<hbm>>
      %dma_start3A_102 = arith.constant 0 : i32
      %dma_start3A_103 = arith.constant 0 : i32
      %dma_start3A_104 = tpu.memref_slice %arg7[%dma_start3A_95, %dma_start3A_102, %dma_start3A_103] : memref<5x40x128xf32, #tpu.memory_space<vmem>> -> memref<1x40x128xf32, #tpu.memory_space<vmem>>
      %dma_start3A_105 = tpu.memref_squeeze %dma_start3A_104 : memref<1x40x128xf32, #tpu.memory_space<vmem>> -> memref<40x128xf32, #tpu.memory_space<vmem>>
      %dma_start3A_106 = arith.constant 0 : i32
      %dma_start3A_107 = tpu.memref_slice %arg2[%add3A_94, %dma_start3A_106] : memref<160000x128xf32, #tpu.memory_space<hbm>> -> memref<40x128xf32, #tpu.memory_space<hbm>>
      tpu.enqueue_dma source(%dma_start3A_107 : memref<40x128xf32, #tpu.memory_space<hbm>>) target(%dma_start3A_105 : memref<40x128xf32, #tpu.memory_space<vmem>>) target_semaphore(%arg9 : memref<!tpu.dma_semaphore, #tpu.memory_space<semaphore_mem>>)
      %mul3A_108 = arith.constant 5000 : i32
      %mul3A_109 = arith.muli %add3A, %mul3A_108 : i32
      %add3A_110 = arith.constant 4 : i32
      %add3A_111 = arith.addi %mul3A_20, %add3A_110 : i32
      %mul3A_112 = arith.constant 40 : i32
      %mul3A_113 = arith.muli %add3A_111, %mul3A_112 : i32
      %add3A_114 = arith.addi %mul3A_109, %mul3A_113 : i32
      %dma_start3A_115 = arith.constant 4 : i32
      %dma_start3A_116 = arith.constant 0 : i32
      %dma_start3A_117 = arith.constant 0 : i32
      %dma_start3A_118 = tpu.memref_slice %arg7[%dma_start3A_115, %dma_start3A_116, %dma_start3A_117] : memref<5x40x128xf32, #tpu.memory_space<vmem>> -> memref<1x40x128xf32, #tpu.memory_space<vmem>>
      %dma_start3A_119 = tpu.memref_squeeze %dma_start3A_118 : memref<1x40x128xf32, #tpu.memory_space<vmem>> -> memref<40x128xf32, #tpu.memory_space<vmem>>
      %dma_start3A_120 = arith.constant 0 : i32
      %dma_start3A_121 = tpu.memref_slice %arg2[%add3A_114, %dma_start3A_120] : memref<160000x128xf32, #tpu.memory_space<hbm>> -> memref<40x128xf32, #tpu.memory_space<hbm>>
      %dma_start3A_122 = arith.constant 0 : i32
      %dma_start3A_123 = arith.constant 0 : i32
      %dma_start3A_124 = tpu.memref_slice %arg7[%dma_start3A_115, %dma_start3A_122, %dma_start3A_123] : memref<5x40x128xf32, #tpu.memory_space<vmem>> -> memref<1x40x128xf32, #tpu.memory_space<vmem>>
      %dma_start3A_125 = tpu.memref_squeeze %dma_start3A_124 : memref<1x40x128xf32, #tpu.memory_space<vmem>> -> memref<40x128xf32, #tpu.memory_space<vmem>>
      %dma_start3A_126 = arith.constant 0 : i32
      %dma_start3A_127 = tpu.memref_slice %arg2[%add3A_114, %dma_start3A_126] : memref<160000x128xf32, #tpu.memory_space<hbm>> -> memref<40x128xf32, #tpu.memory_space<hbm>>
      tpu.enqueue_dma source(%dma_start3A_127 : memref<40x128xf32, #tpu.memory_space<hbm>>) target(%dma_start3A_125 : memref<40x128xf32, #tpu.memory_space<vmem>>) target_semaphore(%arg9 : memref<!tpu.dma_semaphore, #tpu.memory_space<semaphore_mem>>)
      %dma_wait3A = arith.constant 0 : i32
      %dma_wait3A_128 = arith.constant 0 : i32
      %dma_wait3A_129 = tpu.memref_slice %arg3[%add3A, %scan3A_18, %dma_wait3A, %dma_wait3A_128] : memref<32x25x5x40xi32, #tpu.memory_space<hbm>> -> memref<1x1x5x40xi32, #tpu.memory_space<hbm>>
      %dma_wait3A_130 = tpu.memref_squeeze %dma_wait3A_129 : memref<1x1x5x40xi32, #tpu.memory_space<hbm>> -> memref<5x40xi32, #tpu.memory_space<hbm>>
      %dma_wait3A_131 = arith.constant 0 : i32
      %dma_wait3A_132 = arith.constant 0 : i32
      %dma_wait3A_133 = tpu.memref_slice %arg3[%add3A, %scan3A_18, %dma_wait3A_131, %dma_wait3A_132] : memref<32x25x5x40xi32, #tpu.memory_space<hbm>> -> memref<1x1x5x40xi32, #tpu.memory_space<hbm>>
      %dma_wait3A_134 = tpu.memref_squeeze %dma_wait3A_133 : memref<1x1x5x40xi32, #tpu.memory_space<hbm>> -> memref<5x40xi32, #tpu.memory_space<hbm>>
      tpu.wait_dma2 semaphore(%arg10 : memref<!tpu.dma_semaphore, #tpu.memory_space<semaphore_mem>>) src(%dma_wait3A_134 : memref<5x40xi32, #tpu.memory_space<hbm>>) dst(%arg6 : memref<5x40xi32, #tpu.memory_space<vmem>>)
      %dma_wait3A_135 = arith.constant 0 : i32
      %dma_wait3A_136 = arith.constant 0 : i32
      %dma_wait3A_137 = arith.constant 0 : i32
      %dma_wait3A_138 = tpu.memref_slice %arg7[%dma_wait3A_135, %dma_wait3A_136, %dma_wait3A_137] : memref<5x40x128xf32, #tpu.memory_space<vmem>> -> memref<1x40x128xf32, #tpu.memory_space<vmem>>
      %dma_wait3A_139 = tpu.memref_squeeze %dma_wait3A_138 : memref<1x40x128xf32, #tpu.memory_space<vmem>> -> memref<40x128xf32, #tpu.memory_space<vmem>>
      %dma_wait3A_140 = arith.constant 0 : i32
      %dma_wait3A_141 = tpu.memref_slice %arg2[%add3A_34, %dma_wait3A_140] : memref<160000x128xf32, #tpu.memory_space<hbm>> -> memref<40x128xf32, #tpu.memory_space<hbm>>
      %dma_wait3A_142 = arith.constant 0 : i32
      %dma_wait3A_143 = arith.constant 0 : i32
      %dma_wait3A_144 = tpu.memref_slice %arg7[%dma_wait3A_135, %dma_wait3A_142, %dma_wait3A_143] : memref<5x40x128xf32, #tpu.memory_space<vmem>> -> memref<1x40x128xf32, #tpu.memory_space<vmem>>
      %dma_wait3A_145 = tpu.memref_squeeze %dma_wait3A_144 : memref<1x40x128xf32, #tpu.memory_space<vmem>> -> memref<40x128xf32, #tpu.memory_space<vmem>>
      %dma_wait3A_146 = arith.constant 0 : i32
      %dma_wait3A_147 = tpu.memref_slice %arg2[%add3A_34, %dma_wait3A_146] : memref<160000x128xf32, #tpu.memory_space<hbm>> -> memref<40x128xf32, #tpu.memory_space<hbm>>
      tpu.wait_dma2 semaphore(%arg9 : memref<!tpu.dma_semaphore, #tpu.memory_space<semaphore_mem>>) src(%dma_wait3A_147 : memref<40x128xf32, #tpu.memory_space<hbm>>) dst(%dma_wait3A_145 : memref<40x128xf32, #tpu.memory_space<vmem>>)
      %run_scoped3A = arith.constant 0 : i32
      %run_scoped3A_148 = arith.constant 0 : i32
      "tpu.region"() ({
        %run_scoped3A_209 = tpu.sem_alloc : memref<!tpu.dma_semaphore, #tpu.memory_space<semaphore_mem>>
        %dma_start3A_210 = arith.constant 0 : i32
        %dma_start3A_211 = arith.constant 0 : i32
        %dma_start3A_212 = tpu.memref_slice %arg7[%run_scoped3A, %dma_start3A_210, %dma_start3A_211] : memref<5x40x128xf32, #tpu.memory_space<vmem>> -> memref<1x40x128xf32, #tpu.memory_space<vmem>>
        %dma_start3A_213 = tpu.memref_squeeze %dma_start3A_212 : memref<1x40x128xf32, #tpu.memory_space<vmem>> -> memref<40x128xf32, #tpu.memory_space<vmem>>
        %dma_start3A_214 = arith.constant 0 : i32
        %dma_start3A_215 = tpu.memref_slice %arg6[%run_scoped3A_148, %dma_start3A_214] : memref<5x40xi32, #tpu.memory_space<vmem>> -> memref<1x40xi32, #tpu.memory_space<vmem>>
        %dma_start3A_216 = tpu.memref_squeeze %dma_start3A_215 : memref<1x40xi32, #tpu.memory_space<vmem>> -> memref<40xi32, #tpu.memory_space<vmem>>
        %dma_start3A_217 = arith.constant 0 : i32
        %dma_start3A_218 = arith.constant 0 : i32
        %dma_start3A_219 = tpu.memref_slice %arg8[%dma_start3A_217, %dma_start3A_218] : memref<10240x128xf32, #tpu.memory_space<vmem_shared>> -> memref<10240x128xf32, #tpu.memory_space<vmem_shared>>
        tpu.enqueue_indirect_dma source(%dma_start3A_213 : memref<40x128xf32, #tpu.memory_space<vmem>>) target(%dma_start3A_219 : memref<10240x128xf32, #tpu.memory_space<vmem_shared>>) offsets(%dma_start3A_216 : memref<40xi32, #tpu.memory_space<vmem>>) semaphore(%run_scoped3A_209 : memref<!tpu.dma_semaphore, #tpu.memory_space<semaphore_mem>>) {add = true}
        %dma_wait3A_220 = arith.constant 0 : i32
        %dma_wait3A_221 = arith.constant 0 : i32
        %dma_wait3A_222 = tpu.memref_slice %arg7[%run_scoped3A, %dma_wait3A_220, %dma_wait3A_221] : memref<5x40x128xf32, #tpu.memory_space<vmem>> -> memref<1x40x128xf32, #tpu.memory_space<vmem>>
        %dma_wait3A_223 = tpu.memref_squeeze %dma_wait3A_222 : memref<1x40x128xf32, #tpu.memory_space<vmem>> -> memref<40x128xf32, #tpu.memory_space<vmem>>
        %dma_wait3A_224 = arith.constant 0 : i32
        %dma_wait3A_225 = tpu.memref_slice %arg6[%run_scoped3A_148, %dma_wait3A_224] : memref<5x40xi32, #tpu.memory_space<vmem>> -> memref<1x40xi32, #tpu.memory_space<vmem>>
        %dma_wait3A_226 = tpu.memref_squeeze %dma_wait3A_225 : memref<1x40xi32, #tpu.memory_space<vmem>> -> memref<40xi32, #tpu.memory_space<vmem>>
        %dma_wait3A_227 = arith.constant 0 : i32
        %dma_wait3A_228 = arith.constant 0 : i32
        %dma_wait3A_229 = tpu.memref_slice %arg8[%dma_wait3A_227, %dma_wait3A_228] : memref<10240x128xf32, #tpu.memory_space<vmem_shared>> -> memref<10240x128xf32, #tpu.memory_space<vmem_shared>>
        tpu.wait_indirect_dma semaphore(%run_scoped3A_209 : memref<!tpu.dma_semaphore, #tpu.memory_space<semaphore_mem>>) src(%dma_wait3A_223 : memref<40x128xf32, #tpu.memory_space<vmem>>) dst(%dma_wait3A_229 : memref<10240x128xf32, #tpu.memory_space<vmem_shared>>)
        tpu.yield
      }) : () -> ()
      %dma_wait3A_149 = arith.constant 1 : i32
      %dma_wait3A_150 = arith.constant 0 : i32
      %dma_wait3A_151 = arith.constant 0 : i32
      %dma_wait3A_152 = tpu.memref_slice %arg7[%dma_wait3A_149, %dma_wait3A_150, %dma_wait3A_151] : memref<5x40x128xf32, #tpu.memory_space<vmem>> -> memref<1x40x128xf32, #tpu.memory_space<vmem>>
      %dma_wait3A_153 = tpu.memref_squeeze %dma_wait3A_152 : memref<1x40x128xf32, #tpu.memory_space<vmem>> -> memref<40x128xf32, #tpu.memory_space<vmem>>
      %dma_wait3A_154 = arith.constant 0 : i32
      %dma_wait3A_155 = tpu.memref_slice %arg2[%add3A_54, %dma_wait3A_154] : memref<160000x128xf32, #tpu.memory_space<hbm>> -> memref<40x128xf32, #tpu.memory_space<hbm>>
      %dma_wait3A_156 = arith.constant 0 : i32
      %dma_wait3A_157 = arith.constant 0 : i32
      %dma_wait3A_158 = tpu.memref_slice %arg7[%dma_wait3A_149, %dma_wait3A_156, %dma_wait3A_157] : memref<5x40x128xf32, #tpu.memory_space<vmem>> -> memref<1x40x128xf32, #tpu.memory_space<vmem>>
      %dma_wait3A_159 = tpu.memref_squeeze %dma_wait3A_158 : memref<1x40x128xf32, #tpu.memory_space<vmem>> -> memref<40x128xf32, #tpu.memory_space<vmem>>
      %dma_wait3A_160 = arith.constant 0 : i32
      %dma_wait3A_161 = tpu.memref_slice %arg2[%add3A_54, %dma_wait3A_160] : memref<160000x128xf32, #tpu.memory_space<hbm>> -> memref<40x128xf32, #tpu.memory_space<hbm>>
      tpu.wait_dma2 semaphore(%arg9 : memref<!tpu.dma_semaphore, #tpu.memory_space<semaphore_mem>>) src(%dma_wait3A_161 : memref<40x128xf32, #tpu.memory_space<hbm>>) dst(%dma_wait3A_159 : memref<40x128xf32, #tpu.memory_space<vmem>>)
      %run_scoped3A_162 = arith.constant 1 : i32
      %run_scoped3A_163 = arith.constant 1 : i32
      "tpu.region"() ({
        %run_scoped3A_209 = tpu.sem_alloc : memref<!tpu.dma_semaphore, #tpu.memory_space<semaphore_mem>>
        %dma_start3A_210 = arith.constant 0 : i32
        %dma_start3A_211 = arith.constant 0 : i32
        %dma_start3A_212 = tpu.memref_slice %arg7[%run_scoped3A_162, %dma_start3A_210, %dma_start3A_211] : memref<5x40x128xf32, #tpu.memory_space<vmem>> -> memref<1x40x128xf32, #tpu.memory_space<vmem>>
        %dma_start3A_213 = tpu.memref_squeeze %dma_start3A_212 : memref<1x40x128xf32, #tpu.memory_space<vmem>> -> memref<40x128xf32, #tpu.memory_space<vmem>>
        %dma_start3A_214 = arith.constant 0 : i32
        %dma_start3A_215 = tpu.memref_slice %arg6[%run_scoped3A_163, %dma_start3A_214] : memref<5x40xi32, #tpu.memory_space<vmem>> -> memref<1x40xi32, #tpu.memory_space<vmem>>
        %dma_start3A_216 = tpu.memref_squeeze %dma_start3A_215 : memref<1x40xi32, #tpu.memory_space<vmem>> -> memref<40xi32, #tpu.memory_space<vmem>>
        %dma_start3A_217 = arith.constant 0 : i32
        %dma_start3A_218 = arith.constant 0 : i32
        %dma_start3A_219 = tpu.memref_slice %arg8[%dma_start3A_217, %dma_start3A_218] : memref<10240x128xf32, #tpu.memory_space<vmem_shared>> -> memref<10240x128xf32, #tpu.memory_space<vmem_shared>>
        tpu.enqueue_indirect_dma source(%dma_start3A_213 : memref<40x128xf32, #tpu.memory_space<vmem>>) target(%dma_start3A_219 : memref<10240x128xf32, #tpu.memory_space<vmem_shared>>) offsets(%dma_start3A_216 : memref<40xi32, #tpu.memory_space<vmem>>) semaphore(%run_scoped3A_209 : memref<!tpu.dma_semaphore, #tpu.memory_space<semaphore_mem>>) {add = true}
        %dma_wait3A_220 = arith.constant 0 : i32
        %dma_wait3A_221 = arith.constant 0 : i32
        %dma_wait3A_222 = tpu.memref_slice %arg7[%run_scoped3A_162, %dma_wait3A_220, %dma_wait3A_221] : memref<5x40x128xf32, #tpu.memory_space<vmem>> -> memref<1x40x128xf32, #tpu.memory_space<vmem>>
        %dma_wait3A_223 = tpu.memref_squeeze %dma_wait3A_222 : memref<1x40x128xf32, #tpu.memory_space<vmem>> -> memref<40x128xf32, #tpu.memory_space<vmem>>
        %dma_wait3A_224 = arith.constant 0 : i32
        %dma_wait3A_225 = tpu.memref_slice %arg6[%run_scoped3A_163, %dma_wait3A_224] : memref<5x40xi32, #tpu.memory_space<vmem>> -> memref<1x40xi32, #tpu.memory_space<vmem>>
        %dma_wait3A_226 = tpu.memref_squeeze %dma_wait3A_225 : memref<1x40xi32, #tpu.memory_space<vmem>> -> memref<40xi32, #tpu.memory_space<vmem>>
        %dma_wait3A_227 = arith.constant 0 : i32
        %dma_wait3A_228 = arith.constant 0 : i32
        %dma_wait3A_229 = tpu.memref_slice %arg8[%dma_wait3A_227, %dma_wait3A_228] : memref<10240x128xf32, #tpu.memory_space<vmem_shared>> -> memref<10240x128xf32, #tpu.memory_space<vmem_shared>>
        tpu.wait_indirect_dma semaphore(%run_scoped3A_209 : memref<!tpu.dma_semaphore, #tpu.memory_space<semaphore_mem>>) src(%dma_wait3A_223 : memref<40x128xf32, #tpu.memory_space<vmem>>) dst(%dma_wait3A_229 : memref<10240x128xf32, #tpu.memory_space<vmem_shared>>)
        tpu.yield
      }) : () -> ()
      %dma_wait3A_164 = arith.constant 2 : i32
      %dma_wait3A_165 = arith.constant 0 : i32
      %dma_wait3A_166 = arith.constant 0 : i32
      %dma_wait3A_167 = tpu.memref_slice %arg7[%dma_wait3A_164, %dma_wait3A_165, %dma_wait3A_166] : memref<5x40x128xf32, #tpu.memory_space<vmem>> -> memref<1x40x128xf32, #tpu.memory_space<vmem>>
      %dma_wait3A_168 = tpu.memref_squeeze %dma_wait3A_167 : memref<1x40x128xf32, #tpu.memory_space<vmem>> -> memref<40x128xf32, #tpu.memory_space<vmem>>
      %dma_wait3A_169 = arith.constant 0 : i32
      %dma_wait3A_170 = tpu.memref_slice %arg2[%add3A_74, %dma_wait3A_169] : memref<160000x128xf32, #tpu.memory_space<hbm>> -> memref<40x128xf32, #tpu.memory_space<hbm>>
      %dma_wait3A_171 = arith.constant 0 : i32
      %dma_wait3A_172 = arith.constant 0 : i32
      %dma_wait3A_173 = tpu.memref_slice %arg7[%dma_wait3A_164, %dma_wait3A_171, %dma_wait3A_172] : memref<5x40x128xf32, #tpu.memory_space<vmem>> -> memref<1x40x128xf32, #tpu.memory_space<vmem>>
      %dma_wait3A_174 = tpu.memref_squeeze %dma_wait3A_173 : memref<1x40x128xf32, #tpu.memory_space<vmem>> -> memref<40x128xf32, #tpu.memory_space<vmem>>
      %dma_wait3A_175 = arith.constant 0 : i32
      %dma_wait3A_176 = tpu.memref_slice %arg2[%add3A_74, %dma_wait3A_175] : memref<160000x128xf32, #tpu.memory_space<hbm>> -> memref<40x128xf32, #tpu.memory_space<hbm>>
      tpu.wait_dma2 semaphore(%arg9 : memref<!tpu.dma_semaphore, #tpu.memory_space<semaphore_mem>>) src(%dma_wait3A_176 : memref<40x128xf32, #tpu.memory_space<hbm>>) dst(%dma_wait3A_174 : memref<40x128xf32, #tpu.memory_space<vmem>>)
      %run_scoped3A_177 = arith.constant 2 : i32
      %run_scoped3A_178 = arith.constant 2 : i32
      "tpu.region"() ({
        %run_scoped3A_209 = tpu.sem_alloc : memref<!tpu.dma_semaphore, #tpu.memory_space<semaphore_mem>>
        %dma_start3A_210 = arith.constant 0 : i32
        %dma_start3A_211 = arith.constant 0 : i32
        %dma_start3A_212 = tpu.memref_slice %arg7[%run_scoped3A_177, %dma_start3A_210, %dma_start3A_211] : memref<5x40x128xf32, #tpu.memory_space<vmem>> -> memref<1x40x128xf32, #tpu.memory_space<vmem>>
        %dma_start3A_213 = tpu.memref_squeeze %dma_start3A_212 : memref<1x40x128xf32, #tpu.memory_space<vmem>> -> memref<40x128xf32, #tpu.memory_space<vmem>>
        %dma_start3A_214 = arith.constant 0 : i32
        %dma_start3A_215 = tpu.memref_slice %arg6[%run_scoped3A_178, %dma_start3A_214] : memref<5x40xi32, #tpu.memory_space<vmem>> -> memref<1x40xi32, #tpu.memory_space<vmem>>
        %dma_start3A_216 = tpu.memref_squeeze %dma_start3A_215 : memref<1x40xi32, #tpu.memory_space<vmem>> -> memref<40xi32, #tpu.memory_space<vmem>>
        %dma_start3A_217 = arith.constant 0 : i32
        %dma_start3A_218 = arith.constant 0 : i32
        %dma_start3A_219 = tpu.memref_slice %arg8[%dma_start3A_217, %dma_start3A_218] : memref<10240x128xf32, #tpu.memory_space<vmem_shared>> -> memref<10240x128xf32, #tpu.memory_space<vmem_shared>>
        tpu.enqueue_indirect_dma source(%dma_start3A_213 : memref<40x128xf32, #tpu.memory_space<vmem>>) target(%dma_start3A_219 : memref<10240x128xf32, #tpu.memory_space<vmem_shared>>) offsets(%dma_start3A_216 : memref<40xi32, #tpu.memory_space<vmem>>) semaphore(%run_scoped3A_209 : memref<!tpu.dma_semaphore, #tpu.memory_space<semaphore_mem>>) {add = true}
        %dma_wait3A_220 = arith.constant 0 : i32
        %dma_wait3A_221 = arith.constant 0 : i32
        %dma_wait3A_222 = tpu.memref_slice %arg7[%run_scoped3A_177, %dma_wait3A_220, %dma_wait3A_221] : memref<5x40x128xf32, #tpu.memory_space<vmem>> -> memref<1x40x128xf32, #tpu.memory_space<vmem>>
        %dma_wait3A_223 = tpu.memref_squeeze %dma_wait3A_222 : memref<1x40x128xf32, #tpu.memory_space<vmem>> -> memref<40x128xf32, #tpu.memory_space<vmem>>
        %dma_wait3A_224 = arith.constant 0 : i32
        %dma_wait3A_225 = tpu.memref_slice %arg6[%run_scoped3A_178, %dma_wait3A_224] : memref<5x40xi32, #tpu.memory_space<vmem>> -> memref<1x40xi32, #tpu.memory_space<vmem>>
        %dma_wait3A_226 = tpu.memref_squeeze %dma_wait3A_225 : memref<1x40xi32, #tpu.memory_space<vmem>> -> memref<40xi32, #tpu.memory_space<vmem>>
        %dma_wait3A_227 = arith.constant 0 : i32
        %dma_wait3A_228 = arith.constant 0 : i32
        %dma_wait3A_229 = tpu.memref_slice %arg8[%dma_wait3A_227, %dma_wait3A_228] : memref<10240x128xf32, #tpu.memory_space<vmem_shared>> -> memref<10240x128xf32, #tpu.memory_space<vmem_shared>>
        tpu.wait_indirect_dma semaphore(%run_scoped3A_209 : memref<!tpu.dma_semaphore, #tpu.memory_space<semaphore_mem>>) src(%dma_wait3A_223 : memref<40x128xf32, #tpu.memory_space<vmem>>) dst(%dma_wait3A_229 : memref<10240x128xf32, #tpu.memory_space<vmem_shared>>)
        tpu.yield
      }) : () -> ()
      %dma_wait3A_179 = arith.constant 3 : i32
      %dma_wait3A_180 = arith.constant 0 : i32
      %dma_wait3A_181 = arith.constant 0 : i32
      %dma_wait3A_182 = tpu.memref_slice %arg7[%dma_wait3A_179, %dma_wait3A_180, %dma_wait3A_181] : memref<5x40x128xf32, #tpu.memory_space<vmem>> -> memref<1x40x128xf32, #tpu.memory_space<vmem>>
      %dma_wait3A_183 = tpu.memref_squeeze %dma_wait3A_182 : memref<1x40x128xf32, #tpu.memory_space<vmem>> -> memref<40x128xf32, #tpu.memory_space<vmem>>
      %dma_wait3A_184 = arith.constant 0 : i32
      %dma_wait3A_185 = tpu.memref_slice %arg2[%add3A_94, %dma_wait3A_184] : memref<160000x128xf32, #tpu.memory_space<hbm>> -> memref<40x128xf32, #tpu.memory_space<hbm>>
      %dma_wait3A_186 = arith.constant 0 : i32
      %dma_wait3A_187 = arith.constant 0 : i32
      %dma_wait3A_188 = tpu.memref_slice %arg7[%dma_wait3A_179, %dma_wait3A_186, %dma_wait3A_187] : memref<5x40x128xf32, #tpu.memory_space<vmem>> -> memref<1x40x128xf32, #tpu.memory_space<vmem>>
      %dma_wait3A_189 = tpu.memref_squeeze %dma_wait3A_188 : memref<1x40x128xf32, #tpu.memory_space<vmem>> -> memref<40x128xf32, #tpu.memory_space<vmem>>
      %dma_wait3A_190 = arith.constant 0 : i32
      %dma_wait3A_191 = tpu.memref_slice %arg2[%add3A_94, %dma_wait3A_190] : memref<160000x128xf32, #tpu.memory_space<hbm>> -> memref<40x128xf32, #tpu.memory_space<hbm>>
      tpu.wait_dma2 semaphore(%arg9 : memref<!tpu.dma_semaphore, #tpu.memory_space<semaphore_mem>>) src(%dma_wait3A_191 : memref<40x128xf32, #tpu.memory_space<hbm>>) dst(%dma_wait3A_189 : memref<40x128xf32, #tpu.memory_space<vmem>>)
      %run_scoped3A_192 = arith.constant 3 : i32
      %run_scoped3A_193 = arith.constant 3 : i32
      "tpu.region"() ({
        %run_scoped3A_209 = tpu.sem_alloc : memref<!tpu.dma_semaphore, #tpu.memory_space<semaphore_mem>>
        %dma_start3A_210 = arith.constant 0 : i32
        %dma_start3A_211 = arith.constant 0 : i32
        %dma_start3A_212 = tpu.memref_slice %arg7[%run_scoped3A_192, %dma_start3A_210, %dma_start3A_211] : memref<5x40x128xf32, #tpu.memory_space<vmem>> -> memref<1x40x128xf32, #tpu.memory_space<vmem>>
        %dma_start3A_213 = tpu.memref_squeeze %dma_start3A_212 : memref<1x40x128xf32, #tpu.memory_space<vmem>> -> memref<40x128xf32, #tpu.memory_space<vmem>>
        %dma_start3A_214 = arith.constant 0 : i32
        %dma_start3A_215 = tpu.memref_slice %arg6[%run_scoped3A_193, %dma_start3A_214] : memref<5x40xi32, #tpu.memory_space<vmem>> -> memref<1x40xi32, #tpu.memory_space<vmem>>
        %dma_start3A_216 = tpu.memref_squeeze %dma_start3A_215 : memref<1x40xi32, #tpu.memory_space<vmem>> -> memref<40xi32, #tpu.memory_space<vmem>>
        %dma_start3A_217 = arith.constant 0 : i32
        %dma_start3A_218 = arith.constant 0 : i32
        %dma_start3A_219 = tpu.memref_slice %arg8[%dma_start3A_217, %dma_start3A_218] : memref<10240x128xf32, #tpu.memory_space<vmem_shared>> -> memref<10240x128xf32, #tpu.memory_space<vmem_shared>>
        tpu.enqueue_indirect_dma source(%dma_start3A_213 : memref<40x128xf32, #tpu.memory_space<vmem>>) target(%dma_start3A_219 : memref<10240x128xf32, #tpu.memory_space<vmem_shared>>) offsets(%dma_start3A_216 : memref<40xi32, #tpu.memory_space<vmem>>) semaphore(%run_scoped3A_209 : memref<!tpu.dma_semaphore, #tpu.memory_space<semaphore_mem>>) {add = true}
        %dma_wait3A_220 = arith.constant 0 : i32
        %dma_wait3A_221 = arith.constant 0 : i32
        %dma_wait3A_222 = tpu.memref_slice %arg7[%run_scoped3A_192, %dma_wait3A_220, %dma_wait3A_221] : memref<5x40x128xf32, #tpu.memory_space<vmem>> -> memref<1x40x128xf32, #tpu.memory_space<vmem>>
        %dma_wait3A_223 = tpu.memref_squeeze %dma_wait3A_222 : memref<1x40x128xf32, #tpu.memory_space<vmem>> -> memref<40x128xf32, #tpu.memory_space<vmem>>
        %dma_wait3A_224 = arith.constant 0 : i32
        %dma_wait3A_225 = tpu.memref_slice %arg6[%run_scoped3A_193, %dma_wait3A_224] : memref<5x40xi32, #tpu.memory_space<vmem>> -> memref<1x40xi32, #tpu.memory_space<vmem>>
        %dma_wait3A_226 = tpu.memref_squeeze %dma_wait3A_225 : memref<1x40xi32, #tpu.memory_space<vmem>> -> memref<40xi32, #tpu.memory_space<vmem>>
        %dma_wait3A_227 = arith.constant 0 : i32
        %dma_wait3A_228 = arith.constant 0 : i32
        %dma_wait3A_229 = tpu.memref_slice %arg8[%dma_wait3A_227, %dma_wait3A_228] : memref<10240x128xf32, #tpu.memory_space<vmem_shared>> -> memref<10240x128xf32, #tpu.memory_space<vmem_shared>>
        tpu.wait_indirect_dma semaphore(%run_scoped3A_209 : memref<!tpu.dma_semaphore, #tpu.memory_space<semaphore_mem>>) src(%dma_wait3A_223 : memref<40x128xf32, #tpu.memory_space<vmem>>) dst(%dma_wait3A_229 : memref<10240x128xf32, #tpu.memory_space<vmem_shared>>)
        tpu.yield
      }) : () -> ()
      %dma_wait3A_194 = arith.constant 4 : i32
      %dma_wait3A_195 = arith.constant 0 : i32
      %dma_wait3A_196 = arith.constant 0 : i32
      %dma_wait3A_197 = tpu.memref_slice %arg7[%dma_wait3A_194, %dma_wait3A_195, %dma_wait3A_196] : memref<5x40x128xf32, #tpu.memory_space<vmem>> -> memref<1x40x128xf32, #tpu.memory_space<vmem>>
      %dma_wait3A_198 = tpu.memref_squeeze %dma_wait3A_197 : memref<1x40x128xf32, #tpu.memory_space<vmem>> -> memref<40x128xf32, #tpu.memory_space<vmem>>
      %dma_wait3A_199 = arith.constant 0 : i32
      %dma_wait3A_200 = tpu.memref_slice %arg2[%add3A_114, %dma_wait3A_199] : memref<160000x128xf32, #tpu.memory_space<hbm>> -> memref<40x128xf32, #tpu.memory_space<hbm>>
      %dma_wait3A_201 = arith.constant 0 : i32
      %dma_wait3A_202 = arith.constant 0 : i32
      %dma_wait3A_203 = tpu.memref_slice %arg7[%dma_wait3A_194, %dma_wait3A_201, %dma_wait3A_202] : memref<5x40x128xf32, #tpu.memory_space<vmem>> -> memref<1x40x128xf32, #tpu.memory_space<vmem>>
      %dma_wait3A_204 = tpu.memref_squeeze %dma_wait3A_203 : memref<1x40x128xf32, #tpu.memory_space<vmem>> -> memref<40x128xf32, #tpu.memory_space<vmem>>
      %dma_wait3A_205 = arith.constant 0 : i32
      %dma_wait3A_206 = tpu.memref_slice %arg2[%add3A_114, %dma_wait3A_205] : memref<160000x128xf32, #tpu.memory_space<hbm>> -> memref<40x128xf32, #tpu.memory_space<hbm>>
      tpu.wait_dma2 semaphore(%arg9 : memref<!tpu.dma_semaphore, #tpu.memory_space<semaphore_mem>>) src(%dma_wait3A_206 : memref<40x128xf32, #tpu.memory_space<hbm>>) dst(%dma_wait3A_204 : memref<40x128xf32, #tpu.memory_space<vmem>>)
      %run_scoped3A_207 = arith.constant 4 : i32
      %run_scoped3A_208 = arith.constant 4 : i32
      "tpu.region"() ({
        %run_scoped3A_209 = tpu.sem_alloc : memref<!tpu.dma_semaphore, #tpu.memory_space<semaphore_mem>>
        %dma_start3A_210 = arith.constant 0 : i32
        %dma_start3A_211 = arith.constant 0 : i32
        %dma_start3A_212 = tpu.memref_slice %arg7[%run_scoped3A_207, %dma_start3A_210, %dma_start3A_211] : memref<5x40x128xf32, #tpu.memory_space<vmem>> -> memref<1x40x128xf32, #tpu.memory_space<vmem>>
        %dma_start3A_213 = tpu.memref_squeeze %dma_start3A_212 : memref<1x40x128xf32, #tpu.memory_space<vmem>> -> memref<40x128xf32, #tpu.memory_space<vmem>>
        %dma_start3A_214 = arith.constant 0 : i32
        %dma_start3A_215 = tpu.memref_slice %arg6[%run_scoped3A_208, %dma_start3A_214] : memref<5x40xi32, #tpu.memory_space<vmem>> -> memref<1x40xi32, #tpu.memory_space<vmem>>
        %dma_start3A_216 = tpu.memref_squeeze %dma_start3A_215 : memref<1x40xi32, #tpu.memory_space<vmem>> -> memref<40xi32, #tpu.memory_space<vmem>>
        %dma_start3A_217 = arith.constant 0 : i32
        %dma_start3A_218 = arith.constant 0 : i32
        %dma_start3A_219 = tpu.memref_slice %arg8[%dma_start3A_217, %dma_start3A_218] : memref<10240x128xf32, #tpu.memory_space<vmem_shared>> -> memref<10240x128xf32, #tpu.memory_space<vmem_shared>>
        tpu.enqueue_indirect_dma source(%dma_start3A_213 : memref<40x128xf32, #tpu.memory_space<vmem>>) target(%dma_start3A_219 : memref<10240x128xf32, #tpu.memory_space<vmem_shared>>) offsets(%dma_start3A_216 : memref<40xi32, #tpu.memory_space<vmem>>) semaphore(%run_scoped3A_209 : memref<!tpu.dma_semaphore, #tpu.memory_space<semaphore_mem>>) {add = true}
        %dma_wait3A_220 = arith.constant 0 : i32
        %dma_wait3A_221 = arith.constant 0 : i32
        %dma_wait3A_222 = tpu.memref_slice %arg7[%run_scoped3A_207, %dma_wait3A_220, %dma_wait3A_221] : memref<5x40x128xf32, #tpu.memory_space<vmem>> -> memref<1x40x128xf32, #tpu.memory_space<vmem>>
        %dma_wait3A_223 = tpu.memref_squeeze %dma_wait3A_222 : memref<1x40x128xf32, #tpu.memory_space<vmem>> -> memref<40x128xf32, #tpu.memory_space<vmem>>
        %dma_wait3A_224 = arith.constant 0 : i32
        %dma_wait3A_225 = tpu.memref_slice %arg6[%run_scoped3A_208, %dma_wait3A_224] : memref<5x40xi32, #tpu.memory_space<vmem>> -> memref<1x40xi32, #tpu.memory_space<vmem>>
        %dma_wait3A_226 = tpu.memref_squeeze %dma_wait3A_225 : memref<1x40xi32, #tpu.memory_space<vmem>> -> memref<40xi32, #tpu.memory_space<vmem>>
        %dma_wait3A_227 = arith.constant 0 : i32
        %dma_wait3A_228 = arith.constant 0 : i32
        %dma_wait3A_229 = tpu.memref_slice %arg8[%dma_wait3A_227, %dma_wait3A_228] : memref<10240x128xf32, #tpu.memory_space<vmem_shared>> -> memref<10240x128xf32, #tpu.memory_space<vmem_shared>>
        tpu.wait_indirect_dma semaphore(%run_scoped3A_209 : memref<!tpu.dma_semaphore, #tpu.memory_space<semaphore_mem>>) src(%dma_wait3A_223 : memref<40x128xf32, #tpu.memory_space<vmem>>) dst(%dma_wait3A_229 : memref<10240x128xf32, #tpu.memory_space<vmem_shared>>)
        tpu.yield
      }) : () -> ()
    }
    %scan3A_9 = arith.constant 25 : i32
    %barrier3A_10 = arith.constant 0 : index
    tpu.barrier barrier_id(%barrier3A_10)
    %mul3A_11 = arith.constant 640 : i32
    %mul3A_12 = arith.muli %arg1, %mul3A_11 : i32
    %mul3A_13 = arith.constant 10240 : i32
    %mul3A_14 = arith.muli %arg0, %mul3A_13 : i32
    %mul3A_15 = arith.constant 640 : i32
    %mul3A_16 = arith.muli %arg1, %mul3A_15 : i32
    %add3A_17 = arith.addi %mul3A_14, %mul3A_16 : i32
    "tpu.region"() ({
      %run_scoped3A = tpu.sem_alloc : memref<!tpu.dma_semaphore, #tpu.memory_space<semaphore_mem>>
      %dma_start3A = arith.constant 0 : i32
      %dma_start3A_18 = tpu.memref_slice %arg5[%add3A_17, %dma_start3A] : memref<20480x128xf32, #tpu.memory_space<hbm>> -> memref<640x128xf32, #tpu.memory_space<hbm>>
      %dma_start3A_19 = arith.constant 0 : i32
      %dma_start3A_20 = tpu.memref_slice %arg8[%mul3A_12, %dma_start3A_19] : memref<10240x128xf32, #tpu.memory_space<vmem_shared>> -> memref<640x128xf32, #tpu.memory_space<vmem_shared>>
      tpu.enqueue_dma source(%dma_start3A_20 : memref<640x128xf32, #tpu.memory_space<vmem_shared>>) target(%dma_start3A_18 : memref<640x128xf32, #tpu.memory_space<hbm>>) target_semaphore(%run_scoped3A : memref<!tpu.dma_semaphore, #tpu.memory_space<semaphore_mem>>)
      %dma_wait3A = arith.constant 0 : i32
      %dma_wait3A_21 = tpu.memref_slice %arg5[%add3A_17, %dma_wait3A] : memref<20480x128xf32, #tpu.memory_space<hbm>> -> memref<640x128xf32, #tpu.memory_space<hbm>>
      %dma_wait3A_22 = arith.constant 0 : i32
      %dma_wait3A_23 = tpu.memref_slice %arg8[%mul3A_12, %dma_wait3A_22] : memref<10240x128xf32, #tpu.memory_space<vmem_shared>> -> memref<640x128xf32, #tpu.memory_space<vmem_shared>>
      tpu.wait_dma2 semaphore(%run_scoped3A : memref<!tpu.dma_semaphore, #tpu.memory_space<semaphore_mem>>) src(%dma_wait3A_23 : memref<640x128xf32, #tpu.memory_space<vmem_shared>>) dst(%dma_wait3A_21 : memref<640x128xf32, #tpu.memory_space<hbm>>)
      tpu.yield
    }) : () -> ()
    return
  }
}

#map = affine_map<(d0, d1) -> (0, 0)>
#map1 = affine_map<(d0, d1) -> (0, 0, 0)>
module attributes {stable_mosaic.version = 14 : i64} {
  func.func @_sc_gather(%arg0: i32, %arg1: i32, %arg2: memref<10000x128xf32, #tpu.memory_space<hbm>>, %arg3: memref<32x125x40xi32, #tpu.memory_space<hbm>>, %arg4: memref<160000x128xf32, #tpu.memory_space<hbm>>, %arg5: memref<125x40xi32, #tpu.memory_space<vmem>>, %arg6: memref<5x40x128xf32, #tpu.memory_space<vmem>>, %arg7: memref<!tpu.dma_semaphore, #tpu.memory_space<semaphore_mem>>) attributes {dimension_semantics = [#tpu.dimension_semantics<core_parallel>, #tpu.dimension_semantics<subcore_parallel>], iteration_bounds = array<i64: 2, 16>, scalar_prefetch = 0 : i64, scratch_operands = 3 : i64, tpu.core_type = #tpu.core_type<sc_vector_subcore>, window_params = [{transform_indices = #map}, {transform_indices = #map1}, {transform_indices = #map}]} {
    %mul3A = arith.constant 16 : i32
    %mul3A_0 = arith.muli %arg0, %mul3A : i32
    %add3A = arith.addi %mul3A_0, %arg1 : i32
    "tpu.region"() ({
      %run_scoped3A = tpu.sem_alloc : memref<!tpu.dma_semaphore, #tpu.memory_space<semaphore_mem>>
      %dma_start3A = arith.constant 0 : i32
      %dma_start3A_6 = arith.constant 0 : i32
      %dma_start3A_7 = tpu.memref_slice %arg3[%add3A, %dma_start3A, %dma_start3A_6] : memref<32x125x40xi32, #tpu.memory_space<hbm>> -> memref<1x125x40xi32, #tpu.memory_space<hbm>>
      %dma_start3A_8 = tpu.memref_squeeze %dma_start3A_7 : memref<1x125x40xi32, #tpu.memory_space<hbm>> -> memref<125x40xi32, #tpu.memory_space<hbm>>
      %dma_start3A_9 = arith.constant 0 : i32
      %dma_start3A_10 = arith.constant 0 : i32
      %dma_start3A_11 = tpu.memref_slice %arg3[%add3A, %dma_start3A_9, %dma_start3A_10] : memref<32x125x40xi32, #tpu.memory_space<hbm>> -> memref<1x125x40xi32, #tpu.memory_space<hbm>>
      %dma_start3A_12 = tpu.memref_squeeze %dma_start3A_11 : memref<1x125x40xi32, #tpu.memory_space<hbm>> -> memref<125x40xi32, #tpu.memory_space<hbm>>
      tpu.enqueue_dma source(%dma_start3A_12 : memref<125x40xi32, #tpu.memory_space<hbm>>) target(%arg5 : memref<125x40xi32, #tpu.memory_space<vmem>>) target_semaphore(%run_scoped3A : memref<!tpu.dma_semaphore, #tpu.memory_space<semaphore_mem>>)
      %dma_wait3A = arith.constant 0 : i32
      %dma_wait3A_13 = arith.constant 0 : i32
      %dma_wait3A_14 = tpu.memref_slice %arg3[%add3A, %dma_wait3A, %dma_wait3A_13] : memref<32x125x40xi32, #tpu.memory_space<hbm>> -> memref<1x125x40xi32, #tpu.memory_space<hbm>>
      %dma_wait3A_15 = tpu.memref_squeeze %dma_wait3A_14 : memref<1x125x40xi32, #tpu.memory_space<hbm>> -> memref<125x40xi32, #tpu.memory_space<hbm>>
      %dma_wait3A_16 = arith.constant 0 : i32
      %dma_wait3A_17 = arith.constant 0 : i32
      %dma_wait3A_18 = tpu.memref_slice %arg3[%add3A, %dma_wait3A_16, %dma_wait3A_17] : memref<32x125x40xi32, #tpu.memory_space<hbm>> -> memref<1x125x40xi32, #tpu.memory_space<hbm>>
      %dma_wait3A_19 = tpu.memref_squeeze %dma_wait3A_18 : memref<1x125x40xi32, #tpu.memory_space<hbm>> -> memref<125x40xi32, #tpu.memory_space<hbm>>
      tpu.wait_dma2 semaphore(%run_scoped3A : memref<!tpu.dma_semaphore, #tpu.memory_space<semaphore_mem>>) src(%dma_wait3A_19 : memref<125x40xi32, #tpu.memory_space<hbm>>) dst(%arg5 : memref<125x40xi32, #tpu.memory_space<vmem>>)
      tpu.yield
    }) : () -> ()
    %scan3A = arith.constant 0 : i32
    %scan3A_1 = arith.constant 0 : i32
    %scan3A_2 = arith.constant 25 : i32
    %scan3A_3 = arith.addi %scan3A_1, %scan3A_2 : i32
    %scan3A_4 = arith.constant 1 : i32
    scf.for %scan3A_6 = %scan3A_1 to %scan3A_3 step %scan3A_4  : i32 {
      %mul3A_7 = arith.constant 5 : i32
      %mul3A_8 = arith.muli %scan3A_6, %mul3A_7 : i32
      %add3A_9 = arith.constant 0 : i32
      %add3A_10 = arith.addi %mul3A_8, %add3A_9 : i32
      %dma_start3A = arith.constant 0 : i32
      %dma_start3A_11 = arith.constant 0 : i32
      %dma_start3A_12 = arith.constant 0 : i32
      %dma_start3A_13 = tpu.memref_slice %arg6[%dma_start3A, %dma_start3A_11, %dma_start3A_12] : memref<5x40x128xf32, #tpu.memory_space<vmem>> -> memref<1x40x128xf32, #tpu.memory_space<vmem>>
      %dma_start3A_14 = tpu.memref_squeeze %dma_start3A_13 : memref<1x40x128xf32, #tpu.memory_space<vmem>> -> memref<40x128xf32, #tpu.memory_space<vmem>>
      %dma_start3A_15 = arith.constant 0 : i32
      %dma_start3A_16 = tpu.memref_slice %arg5[%add3A_10, %dma_start3A_15] : memref<125x40xi32, #tpu.memory_space<vmem>> -> memref<1x40xi32, #tpu.memory_space<vmem>>
      %dma_start3A_17 = tpu.memref_squeeze %dma_start3A_16 : memref<1x40xi32, #tpu.memory_space<vmem>> -> memref<40xi32, #tpu.memory_space<vmem>>
      %dma_start3A_18 = arith.constant 0 : i32
      %dma_start3A_19 = arith.constant 0 : i32
      %dma_start3A_20 = tpu.memref_slice %arg2[%dma_start3A_18, %dma_start3A_19] : memref<10000x128xf32, #tpu.memory_space<hbm>> -> memref<10000x128xf32, #tpu.memory_space<hbm>>
      tpu.enqueue_indirect_dma source(%dma_start3A_20 : memref<10000x128xf32, #tpu.memory_space<hbm>>) target(%dma_start3A_14 : memref<40x128xf32, #tpu.memory_space<vmem>>) offsets(%dma_start3A_17 : memref<40xi32, #tpu.memory_space<vmem>>) semaphore(%arg7 : memref<!tpu.dma_semaphore, #tpu.memory_space<semaphore_mem>>)
      %add3A_21 = arith.constant 1 : i32
      %add3A_22 = arith.addi %mul3A_8, %add3A_21 : i32
      %dma_start3A_23 = arith.constant 1 : i32
      %dma_start3A_24 = arith.constant 0 : i32
      %dma_start3A_25 = arith.constant 0 : i32
      %dma_start3A_26 = tpu.memref_slice %arg6[%dma_start3A_23, %dma_start3A_24, %dma_start3A_25] : memref<5x40x128xf32, #tpu.memory_space<vmem>> -> memref<1x40x128xf32, #tpu.memory_space<vmem>>
      %dma_start3A_27 = tpu.memref_squeeze %dma_start3A_26 : memref<1x40x128xf32, #tpu.memory_space<vmem>> -> memref<40x128xf32, #tpu.memory_space<vmem>>
      %dma_start3A_28 = arith.constant 0 : i32
      %dma_start3A_29 = tpu.memref_slice %arg5[%add3A_22, %dma_start3A_28] : memref<125x40xi32, #tpu.memory_space<vmem>> -> memref<1x40xi32, #tpu.memory_space<vmem>>
      %dma_start3A_30 = tpu.memref_squeeze %dma_start3A_29 : memref<1x40xi32, #tpu.memory_space<vmem>> -> memref<40xi32, #tpu.memory_space<vmem>>
      %dma_start3A_31 = arith.constant 0 : i32
      %dma_start3A_32 = arith.constant 0 : i32
      %dma_start3A_33 = tpu.memref_slice %arg2[%dma_start3A_31, %dma_start3A_32] : memref<10000x128xf32, #tpu.memory_space<hbm>> -> memref<10000x128xf32, #tpu.memory_space<hbm>>
      tpu.enqueue_indirect_dma source(%dma_start3A_33 : memref<10000x128xf32, #tpu.memory_space<hbm>>) target(%dma_start3A_27 : memref<40x128xf32, #tpu.memory_space<vmem>>) offsets(%dma_start3A_30 : memref<40xi32, #tpu.memory_space<vmem>>) semaphore(%arg7 : memref<!tpu.dma_semaphore, #tpu.memory_space<semaphore_mem>>)
      %add3A_34 = arith.constant 2 : i32
      %add3A_35 = arith.addi %mul3A_8, %add3A_34 : i32
      %dma_start3A_36 = arith.constant 2 : i32
      %dma_start3A_37 = arith.constant 0 : i32
      %dma_start3A_38 = arith.constant 0 : i32
      %dma_start3A_39 = tpu.memref_slice %arg6[%dma_start3A_36, %dma_start3A_37, %dma_start3A_38] : memref<5x40x128xf32, #tpu.memory_space<vmem>> -> memref<1x40x128xf32, #tpu.memory_space<vmem>>
      %dma_start3A_40 = tpu.memref_squeeze %dma_start3A_39 : memref<1x40x128xf32, #tpu.memory_space<vmem>> -> memref<40x128xf32, #tpu.memory_space<vmem>>
      %dma_start3A_41 = arith.constant 0 : i32
      %dma_start3A_42 = tpu.memref_slice %arg5[%add3A_35, %dma_start3A_41] : memref<125x40xi32, #tpu.memory_space<vmem>> -> memref<1x40xi32, #tpu.memory_space<vmem>>
      %dma_start3A_43 = tpu.memref_squeeze %dma_start3A_42 : memref<1x40xi32, #tpu.memory_space<vmem>> -> memref<40xi32, #tpu.memory_space<vmem>>
      %dma_start3A_44 = arith.constant 0 : i32
      %dma_start3A_45 = arith.constant 0 : i32
      %dma_start3A_46 = tpu.memref_slice %arg2[%dma_start3A_44, %dma_start3A_45] : memref<10000x128xf32, #tpu.memory_space<hbm>> -> memref<10000x128xf32, #tpu.memory_space<hbm>>
      tpu.enqueue_indirect_dma source(%dma_start3A_46 : memref<10000x128xf32, #tpu.memory_space<hbm>>) target(%dma_start3A_40 : memref<40x128xf32, #tpu.memory_space<vmem>>) offsets(%dma_start3A_43 : memref<40xi32, #tpu.memory_space<vmem>>) semaphore(%arg7 : memref<!tpu.dma_semaphore, #tpu.memory_space<semaphore_mem>>)
      %add3A_47 = arith.constant 3 : i32
      %add3A_48 = arith.addi %mul3A_8, %add3A_47 : i32
      %dma_start3A_49 = arith.constant 3 : i32
      %dma_start3A_50 = arith.constant 0 : i32
      %dma_start3A_51 = arith.constant 0 : i32
      %dma_start3A_52 = tpu.memref_slice %arg6[%dma_start3A_49, %dma_start3A_50, %dma_start3A_51] : memref<5x40x128xf32, #tpu.memory_space<vmem>> -> memref<1x40x128xf32, #tpu.memory_space<vmem>>
      %dma_start3A_53 = tpu.memref_squeeze %dma_start3A_52 : memref<1x40x128xf32, #tpu.memory_space<vmem>> -> memref<40x128xf32, #tpu.memory_space<vmem>>
      %dma_start3A_54 = arith.constant 0 : i32
      %dma_start3A_55 = tpu.memref_slice %arg5[%add3A_48, %dma_start3A_54] : memref<125x40xi32, #tpu.memory_space<vmem>> -> memref<1x40xi32, #tpu.memory_space<vmem>>
      %dma_start3A_56 = tpu.memref_squeeze %dma_start3A_55 : memref<1x40xi32, #tpu.memory_space<vmem>> -> memref<40xi32, #tpu.memory_space<vmem>>
      %dma_start3A_57 = arith.constant 0 : i32
      %dma_start3A_58 = arith.constant 0 : i32
      %dma_start3A_59 = tpu.memref_slice %arg2[%dma_start3A_57, %dma_start3A_58] : memref<10000x128xf32, #tpu.memory_space<hbm>> -> memref<10000x128xf32, #tpu.memory_space<hbm>>
      tpu.enqueue_indirect_dma source(%dma_start3A_59 : memref<10000x128xf32, #tpu.memory_space<hbm>>) target(%dma_start3A_53 : memref<40x128xf32, #tpu.memory_space<vmem>>) offsets(%dma_start3A_56 : memref<40xi32, #tpu.memory_space<vmem>>) semaphore(%arg7 : memref<!tpu.dma_semaphore, #tpu.memory_space<semaphore_mem>>)
      %add3A_60 = arith.constant 4 : i32
      %add3A_61 = arith.addi %mul3A_8, %add3A_60 : i32
      %dma_start3A_62 = arith.constant 4 : i32
      %dma_start3A_63 = arith.constant 0 : i32
      %dma_start3A_64 = arith.constant 0 : i32
      %dma_start3A_65 = tpu.memref_slice %arg6[%dma_start3A_62, %dma_start3A_63, %dma_start3A_64] : memref<5x40x128xf32, #tpu.memory_space<vmem>> -> memref<1x40x128xf32, #tpu.memory_space<vmem>>
      %dma_start3A_66 = tpu.memref_squeeze %dma_start3A_65 : memref<1x40x128xf32, #tpu.memory_space<vmem>> -> memref<40x128xf32, #tpu.memory_space<vmem>>
      %dma_start3A_67 = arith.constant 0 : i32
      %dma_start3A_68 = tpu.memref_slice %arg5[%add3A_61, %dma_start3A_67] : memref<125x40xi32, #tpu.memory_space<vmem>> -> memref<1x40xi32, #tpu.memory_space<vmem>>
      %dma_start3A_69 = tpu.memref_squeeze %dma_start3A_68 : memref<1x40xi32, #tpu.memory_space<vmem>> -> memref<40xi32, #tpu.memory_space<vmem>>
      %dma_start3A_70 = arith.constant 0 : i32
      %dma_start3A_71 = arith.constant 0 : i32
      %dma_start3A_72 = tpu.memref_slice %arg2[%dma_start3A_70, %dma_start3A_71] : memref<10000x128xf32, #tpu.memory_space<hbm>> -> memref<10000x128xf32, #tpu.memory_space<hbm>>
      tpu.enqueue_indirect_dma source(%dma_start3A_72 : memref<10000x128xf32, #tpu.memory_space<hbm>>) target(%dma_start3A_66 : memref<40x128xf32, #tpu.memory_space<vmem>>) offsets(%dma_start3A_69 : memref<40xi32, #tpu.memory_space<vmem>>) semaphore(%arg7 : memref<!tpu.dma_semaphore, #tpu.memory_space<semaphore_mem>>)
      %dma_wait3A = arith.constant 0 : i32
      %dma_wait3A_73 = arith.constant 0 : i32
      %dma_wait3A_74 = arith.constant 0 : i32
      %dma_wait3A_75 = tpu.memref_slice %arg6[%dma_wait3A, %dma_wait3A_73, %dma_wait3A_74] : memref<5x40x128xf32, #tpu.memory_space<vmem>> -> memref<1x40x128xf32, #tpu.memory_space<vmem>>
      %dma_wait3A_76 = tpu.memref_squeeze %dma_wait3A_75 : memref<1x40x128xf32, #tpu.memory_space<vmem>> -> memref<40x128xf32, #tpu.memory_space<vmem>>
      %dma_wait3A_77 = arith.constant 0 : i32
      %dma_wait3A_78 = tpu.memref_slice %arg5[%add3A_10, %dma_wait3A_77] : memref<125x40xi32, #tpu.memory_space<vmem>> -> memref<1x40xi32, #tpu.memory_space<vmem>>
      %dma_wait3A_79 = tpu.memref_squeeze %dma_wait3A_78 : memref<1x40xi32, #tpu.memory_space<vmem>> -> memref<40xi32, #tpu.memory_space<vmem>>
      %dma_wait3A_80 = arith.constant 0 : i32
      %dma_wait3A_81 = arith.constant 0 : i32
      %dma_wait3A_82 = tpu.memref_slice %arg2[%dma_wait3A_80, %dma_wait3A_81] : memref<10000x128xf32, #tpu.memory_space<hbm>> -> memref<10000x128xf32, #tpu.memory_space<hbm>>
      tpu.wait_indirect_dma semaphore(%arg7 : memref<!tpu.dma_semaphore, #tpu.memory_space<semaphore_mem>>) src(%dma_wait3A_82 : memref<10000x128xf32, #tpu.memory_space<hbm>>) dst(%dma_wait3A_76 : memref<40x128xf32, #tpu.memory_space<vmem>>)
      %mul3A_83 = arith.constant 5000 : i32
      %mul3A_84 = arith.muli %add3A, %mul3A_83 : i32
      %add3A_85 = arith.constant 0 : i32
      %add3A_86 = arith.addi %mul3A_8, %add3A_85 : i32
      %mul3A_87 = arith.constant 40 : i32
      %mul3A_88 = arith.muli %add3A_86, %mul3A_87 : i32
      %add3A_89 = arith.addi %mul3A_84, %mul3A_88 : i32
      %run_scoped3A = arith.constant 0 : i32
      "tpu.region"() ({
        %run_scoped3A_166 = tpu.sem_alloc : memref<!tpu.dma_semaphore, #tpu.memory_space<semaphore_mem>>
        %dma_start3A_167 = arith.constant 0 : i32
        %dma_start3A_168 = arith.constant 0 : i32
        %dma_start3A_169 = tpu.memref_slice %arg6[%run_scoped3A, %dma_start3A_167, %dma_start3A_168] : memref<5x40x128xf32, #tpu.memory_space<vmem>> -> memref<1x40x128xf32, #tpu.memory_space<vmem>>
        %dma_start3A_170 = tpu.memref_squeeze %dma_start3A_169 : memref<1x40x128xf32, #tpu.memory_space<vmem>> -> memref<40x128xf32, #tpu.memory_space<vmem>>
        %dma_start3A_171 = arith.constant 0 : i32
        %dma_start3A_172 = tpu.memref_slice %arg4[%add3A_89, %dma_start3A_171] : memref<160000x128xf32, #tpu.memory_space<hbm>> -> memref<40x128xf32, #tpu.memory_space<hbm>>
        %dma_start3A_173 = arith.constant 0 : i32
        %dma_start3A_174 = tpu.memref_slice %arg4[%add3A_89, %dma_start3A_173] : memref<160000x128xf32, #tpu.memory_space<hbm>> -> memref<40x128xf32, #tpu.memory_space<hbm>>
        %dma_start3A_175 = arith.constant 0 : i32
        %dma_start3A_176 = arith.constant 0 : i32
        %dma_start3A_177 = tpu.memref_slice %arg6[%run_scoped3A, %dma_start3A_175, %dma_start3A_176] : memref<5x40x128xf32, #tpu.memory_space<vmem>> -> memref<1x40x128xf32, #tpu.memory_space<vmem>>
        %dma_start3A_178 = tpu.memref_squeeze %dma_start3A_177 : memref<1x40x128xf32, #tpu.memory_space<vmem>> -> memref<40x128xf32, #tpu.memory_space<vmem>>
        tpu.enqueue_dma source(%dma_start3A_178 : memref<40x128xf32, #tpu.memory_space<vmem>>) target(%dma_start3A_174 : memref<40x128xf32, #tpu.memory_space<hbm>>) target_semaphore(%run_scoped3A_166 : memref<!tpu.dma_semaphore, #tpu.memory_space<semaphore_mem>>)
        %dma_wait3A_179 = arith.constant 0 : i32
        %dma_wait3A_180 = arith.constant 0 : i32
        %dma_wait3A_181 = tpu.memref_slice %arg6[%run_scoped3A, %dma_wait3A_179, %dma_wait3A_180] : memref<5x40x128xf32, #tpu.memory_space<vmem>> -> memref<1x40x128xf32, #tpu.memory_space<vmem>>
        %dma_wait3A_182 = tpu.memref_squeeze %dma_wait3A_181 : memref<1x40x128xf32, #tpu.memory_space<vmem>> -> memref<40x128xf32, #tpu.memory_space<vmem>>
        %dma_wait3A_183 = arith.constant 0 : i32
        %dma_wait3A_184 = tpu.memref_slice %arg4[%add3A_89, %dma_wait3A_183] : memref<160000x128xf32, #tpu.memory_space<hbm>> -> memref<40x128xf32, #tpu.memory_space<hbm>>
        %dma_wait3A_185 = arith.constant 0 : i32
        %dma_wait3A_186 = tpu.memref_slice %arg4[%add3A_89, %dma_wait3A_185] : memref<160000x128xf32, #tpu.memory_space<hbm>> -> memref<40x128xf32, #tpu.memory_space<hbm>>
        %dma_wait3A_187 = arith.constant 0 : i32
        %dma_wait3A_188 = arith.constant 0 : i32
        %dma_wait3A_189 = tpu.memref_slice %arg6[%run_scoped3A, %dma_wait3A_187, %dma_wait3A_188] : memref<5x40x128xf32, #tpu.memory_space<vmem>> -> memref<1x40x128xf32, #tpu.memory_space<vmem>>
        %dma_wait3A_190 = tpu.memref_squeeze %dma_wait3A_189 : memref<1x40x128xf32, #tpu.memory_space<vmem>> -> memref<40x128xf32, #tpu.memory_space<vmem>>
        tpu.wait_dma2 semaphore(%run_scoped3A_166 : memref<!tpu.dma_semaphore, #tpu.memory_space<semaphore_mem>>) src(%dma_wait3A_190 : memref<40x128xf32, #tpu.memory_space<vmem>>) dst(%dma_wait3A_186 : memref<40x128xf32, #tpu.memory_space<hbm>>)
        tpu.yield
      }) : () -> ()
      %dma_wait3A_90 = arith.constant 1 : i32
      %dma_wait3A_91 = arith.constant 0 : i32
      %dma_wait3A_92 = arith.constant 0 : i32
      %dma_wait3A_93 = tpu.memref_slice %arg6[%dma_wait3A_90, %dma_wait3A_91, %dma_wait3A_92] : memref<5x40x128xf32, #tpu.memory_space<vmem>> -> memref<1x40x128xf32, #tpu.memory_space<vmem>>
      %dma_wait3A_94 = tpu.memref_squeeze %dma_wait3A_93 : memref<1x40x128xf32, #tpu.memory_space<vmem>> -> memref<40x128xf32, #tpu.memory_space<vmem>>
      %dma_wait3A_95 = arith.constant 0 : i32
      %dma_wait3A_96 = tpu.memref_slice %arg5[%add3A_22, %dma_wait3A_95] : memref<125x40xi32, #tpu.memory_space<vmem>> -> memref<1x40xi32, #tpu.memory_space<vmem>>
      %dma_wait3A_97 = tpu.memref_squeeze %dma_wait3A_96 : memref<1x40xi32, #tpu.memory_space<vmem>> -> memref<40xi32, #tpu.memory_space<vmem>>
      %dma_wait3A_98 = arith.constant 0 : i32
      %dma_wait3A_99 = arith.constant 0 : i32
      %dma_wait3A_100 = tpu.memref_slice %arg2[%dma_wait3A_98, %dma_wait3A_99] : memref<10000x128xf32, #tpu.memory_space<hbm>> -> memref<10000x128xf32, #tpu.memory_space<hbm>>
      tpu.wait_indirect_dma semaphore(%arg7 : memref<!tpu.dma_semaphore, #tpu.memory_space<semaphore_mem>>) src(%dma_wait3A_100 : memref<10000x128xf32, #tpu.memory_space<hbm>>) dst(%dma_wait3A_94 : memref<40x128xf32, #tpu.memory_space<vmem>>)
      %mul3A_101 = arith.constant 5000 : i32
      %mul3A_102 = arith.muli %add3A, %mul3A_101 : i32
      %add3A_103 = arith.constant 1 : i32
      %add3A_104 = arith.addi %mul3A_8, %add3A_103 : i32
      %mul3A_105 = arith.constant 40 : i32
      %mul3A_106 = arith.muli %add3A_104, %mul3A_105 : i32
      %add3A_107 = arith.addi %mul3A_102, %mul3A_106 : i32
      %run_scoped3A_108 = arith.constant 1 : i32
      "tpu.region"() ({
        %run_scoped3A_166 = tpu.sem_alloc : memref<!tpu.dma_semaphore, #tpu.memory_space<semaphore_mem>>
        %dma_start3A_167 = arith.constant 0 : i32
        %dma_start3A_168 = arith.constant 0 : i32
        %dma_start3A_169 = tpu.memref_slice %arg6[%run_scoped3A_108, %dma_start3A_167, %dma_start3A_168] : memref<5x40x128xf32, #tpu.memory_space<vmem>> -> memref<1x40x128xf32, #tpu.memory_space<vmem>>
        %dma_start3A_170 = tpu.memref_squeeze %dma_start3A_169 : memref<1x40x128xf32, #tpu.memory_space<vmem>> -> memref<40x128xf32, #tpu.memory_space<vmem>>
        %dma_start3A_171 = arith.constant 0 : i32
        %dma_start3A_172 = tpu.memref_slice %arg4[%add3A_107, %dma_start3A_171] : memref<160000x128xf32, #tpu.memory_space<hbm>> -> memref<40x128xf32, #tpu.memory_space<hbm>>
        %dma_start3A_173 = arith.constant 0 : i32
        %dma_start3A_174 = tpu.memref_slice %arg4[%add3A_107, %dma_start3A_173] : memref<160000x128xf32, #tpu.memory_space<hbm>> -> memref<40x128xf32, #tpu.memory_space<hbm>>
        %dma_start3A_175 = arith.constant 0 : i32
        %dma_start3A_176 = arith.constant 0 : i32
        %dma_start3A_177 = tpu.memref_slice %arg6[%run_scoped3A_108, %dma_start3A_175, %dma_start3A_176] : memref<5x40x128xf32, #tpu.memory_space<vmem>> -> memref<1x40x128xf32, #tpu.memory_space<vmem>>
        %dma_start3A_178 = tpu.memref_squeeze %dma_start3A_177 : memref<1x40x128xf32, #tpu.memory_space<vmem>> -> memref<40x128xf32, #tpu.memory_space<vmem>>
        tpu.enqueue_dma source(%dma_start3A_178 : memref<40x128xf32, #tpu.memory_space<vmem>>) target(%dma_start3A_174 : memref<40x128xf32, #tpu.memory_space<hbm>>) target_semaphore(%run_scoped3A_166 : memref<!tpu.dma_semaphore, #tpu.memory_space<semaphore_mem>>)
        %dma_wait3A_179 = arith.constant 0 : i32
        %dma_wait3A_180 = arith.constant 0 : i32
        %dma_wait3A_181 = tpu.memref_slice %arg6[%run_scoped3A_108, %dma_wait3A_179, %dma_wait3A_180] : memref<5x40x128xf32, #tpu.memory_space<vmem>> -> memref<1x40x128xf32, #tpu.memory_space<vmem>>
        %dma_wait3A_182 = tpu.memref_squeeze %dma_wait3A_181 : memref<1x40x128xf32, #tpu.memory_space<vmem>> -> memref<40x128xf32, #tpu.memory_space<vmem>>
        %dma_wait3A_183 = arith.constant 0 : i32
        %dma_wait3A_184 = tpu.memref_slice %arg4[%add3A_107, %dma_wait3A_183] : memref<160000x128xf32, #tpu.memory_space<hbm>> -> memref<40x128xf32, #tpu.memory_space<hbm>>
        %dma_wait3A_185 = arith.constant 0 : i32
        %dma_wait3A_186 = tpu.memref_slice %arg4[%add3A_107, %dma_wait3A_185] : memref<160000x128xf32, #tpu.memory_space<hbm>> -> memref<40x128xf32, #tpu.memory_space<hbm>>
        %dma_wait3A_187 = arith.constant 0 : i32
        %dma_wait3A_188 = arith.constant 0 : i32
        %dma_wait3A_189 = tpu.memref_slice %arg6[%run_scoped3A_108, %dma_wait3A_187, %dma_wait3A_188] : memref<5x40x128xf32, #tpu.memory_space<vmem>> -> memref<1x40x128xf32, #tpu.memory_space<vmem>>
        %dma_wait3A_190 = tpu.memref_squeeze %dma_wait3A_189 : memref<1x40x128xf32, #tpu.memory_space<vmem>> -> memref<40x128xf32, #tpu.memory_space<vmem>>
        tpu.wait_dma2 semaphore(%run_scoped3A_166 : memref<!tpu.dma_semaphore, #tpu.memory_space<semaphore_mem>>) src(%dma_wait3A_190 : memref<40x128xf32, #tpu.memory_space<vmem>>) dst(%dma_wait3A_186 : memref<40x128xf32, #tpu.memory_space<hbm>>)
        tpu.yield
      }) : () -> ()
      %dma_wait3A_109 = arith.constant 2 : i32
      %dma_wait3A_110 = arith.constant 0 : i32
      %dma_wait3A_111 = arith.constant 0 : i32
      %dma_wait3A_112 = tpu.memref_slice %arg6[%dma_wait3A_109, %dma_wait3A_110, %dma_wait3A_111] : memref<5x40x128xf32, #tpu.memory_space<vmem>> -> memref<1x40x128xf32, #tpu.memory_space<vmem>>
      %dma_wait3A_113 = tpu.memref_squeeze %dma_wait3A_112 : memref<1x40x128xf32, #tpu.memory_space<vmem>> -> memref<40x128xf32, #tpu.memory_space<vmem>>
      %dma_wait3A_114 = arith.constant 0 : i32
      %dma_wait3A_115 = tpu.memref_slice %arg5[%add3A_35, %dma_wait3A_114] : memref<125x40xi32, #tpu.memory_space<vmem>> -> memref<1x40xi32, #tpu.memory_space<vmem>>
      %dma_wait3A_116 = tpu.memref_squeeze %dma_wait3A_115 : memref<1x40xi32, #tpu.memory_space<vmem>> -> memref<40xi32, #tpu.memory_space<vmem>>
      %dma_wait3A_117 = arith.constant 0 : i32
      %dma_wait3A_118 = arith.constant 0 : i32
      %dma_wait3A_119 = tpu.memref_slice %arg2[%dma_wait3A_117, %dma_wait3A_118] : memref<10000x128xf32, #tpu.memory_space<hbm>> -> memref<10000x128xf32, #tpu.memory_space<hbm>>
      tpu.wait_indirect_dma semaphore(%arg7 : memref<!tpu.dma_semaphore, #tpu.memory_space<semaphore_mem>>) src(%dma_wait3A_119 : memref<10000x128xf32, #tpu.memory_space<hbm>>) dst(%dma_wait3A_113 : memref<40x128xf32, #tpu.memory_space<vmem>>)
      %mul3A_120 = arith.constant 5000 : i32
      %mul3A_121 = arith.muli %add3A, %mul3A_120 : i32
      %add3A_122 = arith.constant 2 : i32
      %add3A_123 = arith.addi %mul3A_8, %add3A_122 : i32
      %mul3A_124 = arith.constant 40 : i32
      %mul3A_125 = arith.muli %add3A_123, %mul3A_124 : i32
      %add3A_126 = arith.addi %mul3A_121, %mul3A_125 : i32
      %run_scoped3A_127 = arith.constant 2 : i32
      "tpu.region"() ({
        %run_scoped3A_166 = tpu.sem_alloc : memref<!tpu.dma_semaphore, #tpu.memory_space<semaphore_mem>>
        %dma_start3A_167 = arith.constant 0 : i32
        %dma_start3A_168 = arith.constant 0 : i32
        %dma_start3A_169 = tpu.memref_slice %arg6[%run_scoped3A_127, %dma_start3A_167, %dma_start3A_168] : memref<5x40x128xf32, #tpu.memory_space<vmem>> -> memref<1x40x128xf32, #tpu.memory_space<vmem>>
        %dma_start3A_170 = tpu.memref_squeeze %dma_start3A_169 : memref<1x40x128xf32, #tpu.memory_space<vmem>> -> memref<40x128xf32, #tpu.memory_space<vmem>>
        %dma_start3A_171 = arith.constant 0 : i32
        %dma_start3A_172 = tpu.memref_slice %arg4[%add3A_126, %dma_start3A_171] : memref<160000x128xf32, #tpu.memory_space<hbm>> -> memref<40x128xf32, #tpu.memory_space<hbm>>
        %dma_start3A_173 = arith.constant 0 : i32
        %dma_start3A_174 = tpu.memref_slice %arg4[%add3A_126, %dma_start3A_173] : memref<160000x128xf32, #tpu.memory_space<hbm>> -> memref<40x128xf32, #tpu.memory_space<hbm>>
        %dma_start3A_175 = arith.constant 0 : i32
        %dma_start3A_176 = arith.constant 0 : i32
        %dma_start3A_177 = tpu.memref_slice %arg6[%run_scoped3A_127, %dma_start3A_175, %dma_start3A_176] : memref<5x40x128xf32, #tpu.memory_space<vmem>> -> memref<1x40x128xf32, #tpu.memory_space<vmem>>
        %dma_start3A_178 = tpu.memref_squeeze %dma_start3A_177 : memref<1x40x128xf32, #tpu.memory_space<vmem>> -> memref<40x128xf32, #tpu.memory_space<vmem>>
        tpu.enqueue_dma source(%dma_start3A_178 : memref<40x128xf32, #tpu.memory_space<vmem>>) target(%dma_start3A_174 : memref<40x128xf32, #tpu.memory_space<hbm>>) target_semaphore(%run_scoped3A_166 : memref<!tpu.dma_semaphore, #tpu.memory_space<semaphore_mem>>)
        %dma_wait3A_179 = arith.constant 0 : i32
        %dma_wait3A_180 = arith.constant 0 : i32
        %dma_wait3A_181 = tpu.memref_slice %arg6[%run_scoped3A_127, %dma_wait3A_179, %dma_wait3A_180] : memref<5x40x128xf32, #tpu.memory_space<vmem>> -> memref<1x40x128xf32, #tpu.memory_space<vmem>>
        %dma_wait3A_182 = tpu.memref_squeeze %dma_wait3A_181 : memref<1x40x128xf32, #tpu.memory_space<vmem>> -> memref<40x128xf32, #tpu.memory_space<vmem>>
        %dma_wait3A_183 = arith.constant 0 : i32
        %dma_wait3A_184 = tpu.memref_slice %arg4[%add3A_126, %dma_wait3A_183] : memref<160000x128xf32, #tpu.memory_space<hbm>> -> memref<40x128xf32, #tpu.memory_space<hbm>>
        %dma_wait3A_185 = arith.constant 0 : i32
        %dma_wait3A_186 = tpu.memref_slice %arg4[%add3A_126, %dma_wait3A_185] : memref<160000x128xf32, #tpu.memory_space<hbm>> -> memref<40x128xf32, #tpu.memory_space<hbm>>
        %dma_wait3A_187 = arith.constant 0 : i32
        %dma_wait3A_188 = arith.constant 0 : i32
        %dma_wait3A_189 = tpu.memref_slice %arg6[%run_scoped3A_127, %dma_wait3A_187, %dma_wait3A_188] : memref<5x40x128xf32, #tpu.memory_space<vmem>> -> memref<1x40x128xf32, #tpu.memory_space<vmem>>
        %dma_wait3A_190 = tpu.memref_squeeze %dma_wait3A_189 : memref<1x40x128xf32, #tpu.memory_space<vmem>> -> memref<40x128xf32, #tpu.memory_space<vmem>>
        tpu.wait_dma2 semaphore(%run_scoped3A_166 : memref<!tpu.dma_semaphore, #tpu.memory_space<semaphore_mem>>) src(%dma_wait3A_190 : memref<40x128xf32, #tpu.memory_space<vmem>>) dst(%dma_wait3A_186 : memref<40x128xf32, #tpu.memory_space<hbm>>)
        tpu.yield
      }) : () -> ()
      %dma_wait3A_128 = arith.constant 3 : i32
      %dma_wait3A_129 = arith.constant 0 : i32
      %dma_wait3A_130 = arith.constant 0 : i32
      %dma_wait3A_131 = tpu.memref_slice %arg6[%dma_wait3A_128, %dma_wait3A_129, %dma_wait3A_130] : memref<5x40x128xf32, #tpu.memory_space<vmem>> -> memref<1x40x128xf32, #tpu.memory_space<vmem>>
      %dma_wait3A_132 = tpu.memref_squeeze %dma_wait3A_131 : memref<1x40x128xf32, #tpu.memory_space<vmem>> -> memref<40x128xf32, #tpu.memory_space<vmem>>
      %dma_wait3A_133 = arith.constant 0 : i32
      %dma_wait3A_134 = tpu.memref_slice %arg5[%add3A_48, %dma_wait3A_133] : memref<125x40xi32, #tpu.memory_space<vmem>> -> memref<1x40xi32, #tpu.memory_space<vmem>>
      %dma_wait3A_135 = tpu.memref_squeeze %dma_wait3A_134 : memref<1x40xi32, #tpu.memory_space<vmem>> -> memref<40xi32, #tpu.memory_space<vmem>>
      %dma_wait3A_136 = arith.constant 0 : i32
      %dma_wait3A_137 = arith.constant 0 : i32
      %dma_wait3A_138 = tpu.memref_slice %arg2[%dma_wait3A_136, %dma_wait3A_137] : memref<10000x128xf32, #tpu.memory_space<hbm>> -> memref<10000x128xf32, #tpu.memory_space<hbm>>
      tpu.wait_indirect_dma semaphore(%arg7 : memref<!tpu.dma_semaphore, #tpu.memory_space<semaphore_mem>>) src(%dma_wait3A_138 : memref<10000x128xf32, #tpu.memory_space<hbm>>) dst(%dma_wait3A_132 : memref<40x128xf32, #tpu.memory_space<vmem>>)
      %mul3A_139 = arith.constant 5000 : i32
      %mul3A_140 = arith.muli %add3A, %mul3A_139 : i32
      %add3A_141 = arith.constant 3 : i32
      %add3A_142 = arith.addi %mul3A_8, %add3A_141 : i32
      %mul3A_143 = arith.constant 40 : i32
      %mul3A_144 = arith.muli %add3A_142, %mul3A_143 : i32
      %add3A_145 = arith.addi %mul3A_140, %mul3A_144 : i32
      %run_scoped3A_146 = arith.constant 3 : i32
      "tpu.region"() ({
        %run_scoped3A_166 = tpu.sem_alloc : memref<!tpu.dma_semaphore, #tpu.memory_space<semaphore_mem>>
        %dma_start3A_167 = arith.constant 0 : i32
        %dma_start3A_168 = arith.constant 0 : i32
        %dma_start3A_169 = tpu.memref_slice %arg6[%run_scoped3A_146, %dma_start3A_167, %dma_start3A_168] : memref<5x40x128xf32, #tpu.memory_space<vmem>> -> memref<1x40x128xf32, #tpu.memory_space<vmem>>
        %dma_start3A_170 = tpu.memref_squeeze %dma_start3A_169 : memref<1x40x128xf32, #tpu.memory_space<vmem>> -> memref<40x128xf32, #tpu.memory_space<vmem>>
        %dma_start3A_171 = arith.constant 0 : i32
        %dma_start3A_172 = tpu.memref_slice %arg4[%add3A_145, %dma_start3A_171] : memref<160000x128xf32, #tpu.memory_space<hbm>> -> memref<40x128xf32, #tpu.memory_space<hbm>>
        %dma_start3A_173 = arith.constant 0 : i32
        %dma_start3A_174 = tpu.memref_slice %arg4[%add3A_145, %dma_start3A_173] : memref<160000x128xf32, #tpu.memory_space<hbm>> -> memref<40x128xf32, #tpu.memory_space<hbm>>
        %dma_start3A_175 = arith.constant 0 : i32
        %dma_start3A_176 = arith.constant 0 : i32
        %dma_start3A_177 = tpu.memref_slice %arg6[%run_scoped3A_146, %dma_start3A_175, %dma_start3A_176] : memref<5x40x128xf32, #tpu.memory_space<vmem>> -> memref<1x40x128xf32, #tpu.memory_space<vmem>>
        %dma_start3A_178 = tpu.memref_squeeze %dma_start3A_177 : memref<1x40x128xf32, #tpu.memory_space<vmem>> -> memref<40x128xf32, #tpu.memory_space<vmem>>
        tpu.enqueue_dma source(%dma_start3A_178 : memref<40x128xf32, #tpu.memory_space<vmem>>) target(%dma_start3A_174 : memref<40x128xf32, #tpu.memory_space<hbm>>) target_semaphore(%run_scoped3A_166 : memref<!tpu.dma_semaphore, #tpu.memory_space<semaphore_mem>>)
        %dma_wait3A_179 = arith.constant 0 : i32
        %dma_wait3A_180 = arith.constant 0 : i32
        %dma_wait3A_181 = tpu.memref_slice %arg6[%run_scoped3A_146, %dma_wait3A_179, %dma_wait3A_180] : memref<5x40x128xf32, #tpu.memory_space<vmem>> -> memref<1x40x128xf32, #tpu.memory_space<vmem>>
        %dma_wait3A_182 = tpu.memref_squeeze %dma_wait3A_181 : memref<1x40x128xf32, #tpu.memory_space<vmem>> -> memref<40x128xf32, #tpu.memory_space<vmem>>
        %dma_wait3A_183 = arith.constant 0 : i32
        %dma_wait3A_184 = tpu.memref_slice %arg4[%add3A_145, %dma_wait3A_183] : memref<160000x128xf32, #tpu.memory_space<hbm>> -> memref<40x128xf32, #tpu.memory_space<hbm>>
        %dma_wait3A_185 = arith.constant 0 : i32
        %dma_wait3A_186 = tpu.memref_slice %arg4[%add3A_145, %dma_wait3A_185] : memref<160000x128xf32, #tpu.memory_space<hbm>> -> memref<40x128xf32, #tpu.memory_space<hbm>>
        %dma_wait3A_187 = arith.constant 0 : i32
        %dma_wait3A_188 = arith.constant 0 : i32
        %dma_wait3A_189 = tpu.memref_slice %arg6[%run_scoped3A_146, %dma_wait3A_187, %dma_wait3A_188] : memref<5x40x128xf32, #tpu.memory_space<vmem>> -> memref<1x40x128xf32, #tpu.memory_space<vmem>>
        %dma_wait3A_190 = tpu.memref_squeeze %dma_wait3A_189 : memref<1x40x128xf32, #tpu.memory_space<vmem>> -> memref<40x128xf32, #tpu.memory_space<vmem>>
        tpu.wait_dma2 semaphore(%run_scoped3A_166 : memref<!tpu.dma_semaphore, #tpu.memory_space<semaphore_mem>>) src(%dma_wait3A_190 : memref<40x128xf32, #tpu.memory_space<vmem>>) dst(%dma_wait3A_186 : memref<40x128xf32, #tpu.memory_space<hbm>>)
        tpu.yield
      }) : () -> ()
      %dma_wait3A_147 = arith.constant 4 : i32
      %dma_wait3A_148 = arith.constant 0 : i32
      %dma_wait3A_149 = arith.constant 0 : i32
      %dma_wait3A_150 = tpu.memref_slice %arg6[%dma_wait3A_147, %dma_wait3A_148, %dma_wait3A_149] : memref<5x40x128xf32, #tpu.memory_space<vmem>> -> memref<1x40x128xf32, #tpu.memory_space<vmem>>
      %dma_wait3A_151 = tpu.memref_squeeze %dma_wait3A_150 : memref<1x40x128xf32, #tpu.memory_space<vmem>> -> memref<40x128xf32, #tpu.memory_space<vmem>>
      %dma_wait3A_152 = arith.constant 0 : i32
      %dma_wait3A_153 = tpu.memref_slice %arg5[%add3A_61, %dma_wait3A_152] : memref<125x40xi32, #tpu.memory_space<vmem>> -> memref<1x40xi32, #tpu.memory_space<vmem>>
      %dma_wait3A_154 = tpu.memref_squeeze %dma_wait3A_153 : memref<1x40xi32, #tpu.memory_space<vmem>> -> memref<40xi32, #tpu.memory_space<vmem>>
      %dma_wait3A_155 = arith.constant 0 : i32
      %dma_wait3A_156 = arith.constant 0 : i32
      %dma_wait3A_157 = tpu.memref_slice %arg2[%dma_wait3A_155, %dma_wait3A_156] : memref<10000x128xf32, #tpu.memory_space<hbm>> -> memref<10000x128xf32, #tpu.memory_space<hbm>>
      tpu.wait_indirect_dma semaphore(%arg7 : memref<!tpu.dma_semaphore, #tpu.memory_space<semaphore_mem>>) src(%dma_wait3A_157 : memref<10000x128xf32, #tpu.memory_space<hbm>>) dst(%dma_wait3A_151 : memref<40x128xf32, #tpu.memory_space<vmem>>)
      %mul3A_158 = arith.constant 5000 : i32
      %mul3A_159 = arith.muli %add3A, %mul3A_158 : i32
      %add3A_160 = arith.constant 4 : i32
      %add3A_161 = arith.addi %mul3A_8, %add3A_160 : i32
      %mul3A_162 = arith.constant 40 : i32
      %mul3A_163 = arith.muli %add3A_161, %mul3A_162 : i32
      %add3A_164 = arith.addi %mul3A_159, %mul3A_163 : i32
      %run_scoped3A_165 = arith.constant 4 : i32
      "tpu.region"() ({
        %run_scoped3A_166 = tpu.sem_alloc : memref<!tpu.dma_semaphore, #tpu.memory_space<semaphore_mem>>
        %dma_start3A_167 = arith.constant 0 : i32
        %dma_start3A_168 = arith.constant 0 : i32
        %dma_start3A_169 = tpu.memref_slice %arg6[%run_scoped3A_165, %dma_start3A_167, %dma_start3A_168] : memref<5x40x128xf32, #tpu.memory_space<vmem>> -> memref<1x40x128xf32, #tpu.memory_space<vmem>>
        %dma_start3A_170 = tpu.memref_squeeze %dma_start3A_169 : memref<1x40x128xf32, #tpu.memory_space<vmem>> -> memref<40x128xf32, #tpu.memory_space<vmem>>
        %dma_start3A_171 = arith.constant 0 : i32
        %dma_start3A_172 = tpu.memref_slice %arg4[%add3A_164, %dma_start3A_171] : memref<160000x128xf32, #tpu.memory_space<hbm>> -> memref<40x128xf32, #tpu.memory_space<hbm>>
        %dma_start3A_173 = arith.constant 0 : i32
        %dma_start3A_174 = tpu.memref_slice %arg4[%add3A_164, %dma_start3A_173] : memref<160000x128xf32, #tpu.memory_space<hbm>> -> memref<40x128xf32, #tpu.memory_space<hbm>>
        %dma_start3A_175 = arith.constant 0 : i32
        %dma_start3A_176 = arith.constant 0 : i32
        %dma_start3A_177 = tpu.memref_slice %arg6[%run_scoped3A_165, %dma_start3A_175, %dma_start3A_176] : memref<5x40x128xf32, #tpu.memory_space<vmem>> -> memref<1x40x128xf32, #tpu.memory_space<vmem>>
        %dma_start3A_178 = tpu.memref_squeeze %dma_start3A_177 : memref<1x40x128xf32, #tpu.memory_space<vmem>> -> memref<40x128xf32, #tpu.memory_space<vmem>>
        tpu.enqueue_dma source(%dma_start3A_178 : memref<40x128xf32, #tpu.memory_space<vmem>>) target(%dma_start3A_174 : memref<40x128xf32, #tpu.memory_space<hbm>>) target_semaphore(%run_scoped3A_166 : memref<!tpu.dma_semaphore, #tpu.memory_space<semaphore_mem>>)
        %dma_wait3A_179 = arith.constant 0 : i32
        %dma_wait3A_180 = arith.constant 0 : i32
        %dma_wait3A_181 = tpu.memref_slice %arg6[%run_scoped3A_165, %dma_wait3A_179, %dma_wait3A_180] : memref<5x40x128xf32, #tpu.memory_space<vmem>> -> memref<1x40x128xf32, #tpu.memory_space<vmem>>
        %dma_wait3A_182 = tpu.memref_squeeze %dma_wait3A_181 : memref<1x40x128xf32, #tpu.memory_space<vmem>> -> memref<40x128xf32, #tpu.memory_space<vmem>>
        %dma_wait3A_183 = arith.constant 0 : i32
        %dma_wait3A_184 = tpu.memref_slice %arg4[%add3A_164, %dma_wait3A_183] : memref<160000x128xf32, #tpu.memory_space<hbm>> -> memref<40x128xf32, #tpu.memory_space<hbm>>
        %dma_wait3A_185 = arith.constant 0 : i32
        %dma_wait3A_186 = tpu.memref_slice %arg4[%add3A_164, %dma_wait3A_185] : memref<160000x128xf32, #tpu.memory_space<hbm>> -> memref<40x128xf32, #tpu.memory_space<hbm>>
        %dma_wait3A_187 = arith.constant 0 : i32
        %dma_wait3A_188 = arith.constant 0 : i32
        %dma_wait3A_189 = tpu.memref_slice %arg6[%run_scoped3A_165, %dma_wait3A_187, %dma_wait3A_188] : memref<5x40x128xf32, #tpu.memory_space<vmem>> -> memref<1x40x128xf32, #tpu.memory_space<vmem>>
        %dma_wait3A_190 = tpu.memref_squeeze %dma_wait3A_189 : memref<1x40x128xf32, #tpu.memory_space<vmem>> -> memref<40x128xf32, #tpu.memory_space<vmem>>
        tpu.wait_dma2 semaphore(%run_scoped3A_166 : memref<!tpu.dma_semaphore, #tpu.memory_space<semaphore_mem>>) src(%dma_wait3A_190 : memref<40x128xf32, #tpu.memory_space<vmem>>) dst(%dma_wait3A_186 : memref<40x128xf32, #tpu.memory_space<hbm>>)
        tpu.yield
      }) : () -> ()
    }
    %scan3A_5 = arith.constant 25 : i32
    return
  }
}

#map = affine_map<(d0, d1) -> (0, 0)>
#map1 = affine_map<(d0, d1) -> (0, 0, 0)>
module attributes {stable_mosaic.version = 14 : i64} {
  func.func @_sc_gather(%arg0: i32, %arg1: i32, %arg2: memref<10000x128xf32, #tpu.memory_space<hbm>>, %arg3: memref<32x125x40xi32, #tpu.memory_space<hbm>>, %arg4: memref<160000x128xf32, #tpu.memory_space<hbm>>, %arg5: memref<125x40xi32, #tpu.memory_space<vmem>>, %arg6: memref<5x40x128xf32, #tpu.memory_space<vmem>>, %arg7: memref<!tpu.dma_semaphore, #tpu.memory_space<semaphore_mem>>) attributes {dimension_semantics = [#tpu.dimension_semantics<core_parallel>, #tpu.dimension_semantics<subcore_parallel>], iteration_bounds = array<i64: 2, 16>, scalar_prefetch = 0 : i64, scratch_operands = 3 : i64, tpu.core_type = #tpu.core_type<sc_vector_subcore>, window_params = [{transform_indices = #map}, {transform_indices = #map1}, {transform_indices = #map}]} {
    %mul3A = arith.constant 16 : i32
    %mul3A_0 = arith.muli %arg0, %mul3A : i32
    %add3A = arith.addi %mul3A_0, %arg1 : i32
    "tpu.region"() ({
      %run_scoped3A = tpu.sem_alloc : memref<!tpu.dma_semaphore, #tpu.memory_space<semaphore_mem>>
      %dma_start3A = arith.constant 0 : i32
      %dma_start3A_6 = arith.constant 0 : i32
      %dma_start3A_7 = tpu.memref_slice %arg3[%add3A, %dma_start3A, %dma_start3A_6] : memref<32x125x40xi32, #tpu.memory_space<hbm>> -> memref<1x125x40xi32, #tpu.memory_space<hbm>>
      %dma_start3A_8 = tpu.memref_squeeze %dma_start3A_7 : memref<1x125x40xi32, #tpu.memory_space<hbm>> -> memref<125x40xi32, #tpu.memory_space<hbm>>
      %dma_start3A_9 = arith.constant 0 : i32
      %dma_start3A_10 = arith.constant 0 : i32
      %dma_start3A_11 = tpu.memref_slice %arg3[%add3A, %dma_start3A_9, %dma_start3A_10] : memref<32x125x40xi32, #tpu.memory_space<hbm>> -> memref<1x125x40xi32, #tpu.memory_space<hbm>>
      %dma_start3A_12 = tpu.memref_squeeze %dma_start3A_11 : memref<1x125x40xi32, #tpu.memory_space<hbm>> -> memref<125x40xi32, #tpu.memory_space<hbm>>
      tpu.enqueue_dma source(%dma_start3A_12 : memref<125x40xi32, #tpu.memory_space<hbm>>) target(%arg5 : memref<125x40xi32, #tpu.memory_space<vmem>>) target_semaphore(%run_scoped3A : memref<!tpu.dma_semaphore, #tpu.memory_space<semaphore_mem>>)
      %dma_wait3A = arith.constant 0 : i32
      %dma_wait3A_13 = arith.constant 0 : i32
      %dma_wait3A_14 = tpu.memref_slice %arg3[%add3A, %dma_wait3A, %dma_wait3A_13] : memref<32x125x40xi32, #tpu.memory_space<hbm>> -> memref<1x125x40xi32, #tpu.memory_space<hbm>>
      %dma_wait3A_15 = tpu.memref_squeeze %dma_wait3A_14 : memref<1x125x40xi32, #tpu.memory_space<hbm>> -> memref<125x40xi32, #tpu.memory_space<hbm>>
      %dma_wait3A_16 = arith.constant 0 : i32
      %dma_wait3A_17 = arith.constant 0 : i32
      %dma_wait3A_18 = tpu.memref_slice %arg3[%add3A, %dma_wait3A_16, %dma_wait3A_17] : memref<32x125x40xi32, #tpu.memory_space<hbm>> -> memref<1x125x40xi32, #tpu.memory_space<hbm>>
      %dma_wait3A_19 = tpu.memref_squeeze %dma_wait3A_18 : memref<1x125x40xi32, #tpu.memory_space<hbm>> -> memref<125x40xi32, #tpu.memory_space<hbm>>
      tpu.wait_dma2 semaphore(%run_scoped3A : memref<!tpu.dma_semaphore, #tpu.memory_space<semaphore_mem>>) src(%dma_wait3A_19 : memref<125x40xi32, #tpu.memory_space<hbm>>) dst(%arg5 : memref<125x40xi32, #tpu.memory_space<vmem>>)
      tpu.yield
    }) : () -> ()
    %scan3A = arith.constant 0 : i32
    %scan3A_1 = arith.constant 0 : i32
    %scan3A_2 = arith.constant 25 : i32
    %scan3A_3 = arith.addi %scan3A_1, %scan3A_2 : i32
    %scan3A_4 = arith.constant 1 : i32
    scf.for %scan3A_6 = %scan3A_1 to %scan3A_3 step %scan3A_4  : i32 {
      %mul3A_7 = arith.constant 5 : i32
      %mul3A_8 = arith.muli %scan3A_6, %mul3A_7 : i32
      %add3A_9 = arith.constant 0 : i32
      %add3A_10 = arith.addi %mul3A_8, %add3A_9 : i32
      %dma_start3A = arith.constant 0 : i32
      %dma_start3A_11 = arith.constant 0 : i32
      %dma_start3A_12 = arith.constant 0 : i32
      %dma_start3A_13 = tpu.memref_slice %arg6[%dma_start3A, %dma_start3A_11, %dma_start3A_12] : memref<5x40x128xf32, #tpu.memory_space<vmem>> -> memref<1x40x128xf32, #tpu.memory_space<vmem>>
      %dma_start3A_14 = tpu.memref_squeeze %dma_start3A_13 : memref<1x40x128xf32, #tpu.memory_space<vmem>> -> memref<40x128xf32, #tpu.memory_space<vmem>>
      %dma_start3A_15 = arith.constant 0 : i32
      %dma_start3A_16 = tpu.memref_slice %arg5[%add3A_10, %dma_start3A_15] : memref<125x40xi32, #tpu.memory_space<vmem>> -> memref<1x40xi32, #tpu.memory_space<vmem>>
      %dma_start3A_17 = tpu.memref_squeeze %dma_start3A_16 : memref<1x40xi32, #tpu.memory_space<vmem>> -> memref<40xi32, #tpu.memory_space<vmem>>
      %dma_start3A_18 = arith.constant 0 : i32
      %dma_start3A_19 = arith.constant 0 : i32
      %dma_start3A_20 = tpu.memref_slice %arg2[%dma_start3A_18, %dma_start3A_19] : memref<10000x128xf32, #tpu.memory_space<hbm>> -> memref<10000x128xf32, #tpu.memory_space<hbm>>
      tpu.enqueue_indirect_dma source(%dma_start3A_20 : memref<10000x128xf32, #tpu.memory_space<hbm>>) target(%dma_start3A_14 : memref<40x128xf32, #tpu.memory_space<vmem>>) offsets(%dma_start3A_17 : memref<40xi32, #tpu.memory_space<vmem>>) semaphore(%arg7 : memref<!tpu.dma_semaphore, #tpu.memory_space<semaphore_mem>>)
      %add3A_21 = arith.constant 1 : i32
      %add3A_22 = arith.addi %mul3A_8, %add3A_21 : i32
      %dma_start3A_23 = arith.constant 1 : i32
      %dma_start3A_24 = arith.constant 0 : i32
      %dma_start3A_25 = arith.constant 0 : i32
      %dma_start3A_26 = tpu.memref_slice %arg6[%dma_start3A_23, %dma_start3A_24, %dma_start3A_25] : memref<5x40x128xf32, #tpu.memory_space<vmem>> -> memref<1x40x128xf32, #tpu.memory_space<vmem>>
      %dma_start3A_27 = tpu.memref_squeeze %dma_start3A_26 : memref<1x40x128xf32, #tpu.memory_space<vmem>> -> memref<40x128xf32, #tpu.memory_space<vmem>>
      %dma_start3A_28 = arith.constant 0 : i32
      %dma_start3A_29 = tpu.memref_slice %arg5[%add3A_22, %dma_start3A_28] : memref<125x40xi32, #tpu.memory_space<vmem>> -> memref<1x40xi32, #tpu.memory_space<vmem>>
      %dma_start3A_30 = tpu.memref_squeeze %dma_start3A_29 : memref<1x40xi32, #tpu.memory_space<vmem>> -> memref<40xi32, #tpu.memory_space<vmem>>
      %dma_start3A_31 = arith.constant 0 : i32
      %dma_start3A_32 = arith.constant 0 : i32
      %dma_start3A_33 = tpu.memref_slice %arg2[%dma_start3A_31, %dma_start3A_32] : memref<10000x128xf32, #tpu.memory_space<hbm>> -> memref<10000x128xf32, #tpu.memory_space<hbm>>
      tpu.enqueue_indirect_dma source(%dma_start3A_33 : memref<10000x128xf32, #tpu.memory_space<hbm>>) target(%dma_start3A_27 : memref<40x128xf32, #tpu.memory_space<vmem>>) offsets(%dma_start3A_30 : memref<40xi32, #tpu.memory_space<vmem>>) semaphore(%arg7 : memref<!tpu.dma_semaphore, #tpu.memory_space<semaphore_mem>>)
      %add3A_34 = arith.constant 2 : i32
      %add3A_35 = arith.addi %mul3A_8, %add3A_34 : i32
      %dma_start3A_36 = arith.constant 2 : i32
      %dma_start3A_37 = arith.constant 0 : i32
      %dma_start3A_38 = arith.constant 0 : i32
      %dma_start3A_39 = tpu.memref_slice %arg6[%dma_start3A_36, %dma_start3A_37, %dma_start3A_38] : memref<5x40x128xf32, #tpu.memory_space<vmem>> -> memref<1x40x128xf32, #tpu.memory_space<vmem>>
      %dma_start3A_40 = tpu.memref_squeeze %dma_start3A_39 : memref<1x40x128xf32, #tpu.memory_space<vmem>> -> memref<40x128xf32, #tpu.memory_space<vmem>>
      %dma_start3A_41 = arith.constant 0 : i32
      %dma_start3A_42 = tpu.memref_slice %arg5[%add3A_35, %dma_start3A_41] : memref<125x40xi32, #tpu.memory_space<vmem>> -> memref<1x40xi32, #tpu.memory_space<vmem>>
      %dma_start3A_43 = tpu.memref_squeeze %dma_start3A_42 : memref<1x40xi32, #tpu.memory_space<vmem>> -> memref<40xi32, #tpu.memory_space<vmem>>
      %dma_start3A_44 = arith.constant 0 : i32
      %dma_start3A_45 = arith.constant 0 : i32
      %dma_start3A_46 = tpu.memref_slice %arg2[%dma_start3A_44, %dma_start3A_45] : memref<10000x128xf32, #tpu.memory_space<hbm>> -> memref<10000x128xf32, #tpu.memory_space<hbm>>
      tpu.enqueue_indirect_dma source(%dma_start3A_46 : memref<10000x128xf32, #tpu.memory_space<hbm>>) target(%dma_start3A_40 : memref<40x128xf32, #tpu.memory_space<vmem>>) offsets(%dma_start3A_43 : memref<40xi32, #tpu.memory_space<vmem>>) semaphore(%arg7 : memref<!tpu.dma_semaphore, #tpu.memory_space<semaphore_mem>>)
      %add3A_47 = arith.constant 3 : i32
      %add3A_48 = arith.addi %mul3A_8, %add3A_47 : i32
      %dma_start3A_49 = arith.constant 3 : i32
      %dma_start3A_50 = arith.constant 0 : i32
      %dma_start3A_51 = arith.constant 0 : i32
      %dma_start3A_52 = tpu.memref_slice %arg6[%dma_start3A_49, %dma_start3A_50, %dma_start3A_51] : memref<5x40x128xf32, #tpu.memory_space<vmem>> -> memref<1x40x128xf32, #tpu.memory_space<vmem>>
      %dma_start3A_53 = tpu.memref_squeeze %dma_start3A_52 : memref<1x40x128xf32, #tpu.memory_space<vmem>> -> memref<40x128xf32, #tpu.memory_space<vmem>>
      %dma_start3A_54 = arith.constant 0 : i32
      %dma_start3A_55 = tpu.memref_slice %arg5[%add3A_48, %dma_start3A_54] : memref<125x40xi32, #tpu.memory_space<vmem>> -> memref<1x40xi32, #tpu.memory_space<vmem>>
      %dma_start3A_56 = tpu.memref_squeeze %dma_start3A_55 : memref<1x40xi32, #tpu.memory_space<vmem>> -> memref<40xi32, #tpu.memory_space<vmem>>
      %dma_start3A_57 = arith.constant 0 : i32
      %dma_start3A_58 = arith.constant 0 : i32
      %dma_start3A_59 = tpu.memref_slice %arg2[%dma_start3A_57, %dma_start3A_58] : memref<10000x128xf32, #tpu.memory_space<hbm>> -> memref<10000x128xf32, #tpu.memory_space<hbm>>
      tpu.enqueue_indirect_dma source(%dma_start3A_59 : memref<10000x128xf32, #tpu.memory_space<hbm>>) target(%dma_start3A_53 : memref<40x128xf32, #tpu.memory_space<vmem>>) offsets(%dma_start3A_56 : memref<40xi32, #tpu.memory_space<vmem>>) semaphore(%arg7 : memref<!tpu.dma_semaphore, #tpu.memory_space<semaphore_mem>>)
      %add3A_60 = arith.constant 4 : i32
      %add3A_61 = arith.addi %mul3A_8, %add3A_60 : i32
      %dma_start3A_62 = arith.constant 4 : i32
      %dma_start3A_63 = arith.constant 0 : i32
      %dma_start3A_64 = arith.constant 0 : i32
      %dma_start3A_65 = tpu.memref_slice %arg6[%dma_start3A_62, %dma_start3A_63, %dma_start3A_64] : memref<5x40x128xf32, #tpu.memory_space<vmem>> -> memref<1x40x128xf32, #tpu.memory_space<vmem>>
      %dma_start3A_66 = tpu.memref_squeeze %dma_start3A_65 : memref<1x40x128xf32, #tpu.memory_space<vmem>> -> memref<40x128xf32, #tpu.memory_space<vmem>>
      %dma_start3A_67 = arith.constant 0 : i32
      %dma_start3A_68 = tpu.memref_slice %arg5[%add3A_61, %dma_start3A_67] : memref<125x40xi32, #tpu.memory_space<vmem>> -> memref<1x40xi32, #tpu.memory_space<vmem>>
      %dma_start3A_69 = tpu.memref_squeeze %dma_start3A_68 : memref<1x40xi32, #tpu.memory_space<vmem>> -> memref<40xi32, #tpu.memory_space<vmem>>
      %dma_start3A_70 = arith.constant 0 : i32
      %dma_start3A_71 = arith.constant 0 : i32
      %dma_start3A_72 = tpu.memref_slice %arg2[%dma_start3A_70, %dma_start3A_71] : memref<10000x128xf32, #tpu.memory_space<hbm>> -> memref<10000x128xf32, #tpu.memory_space<hbm>>
      tpu.enqueue_indirect_dma source(%dma_start3A_72 : memref<10000x128xf32, #tpu.memory_space<hbm>>) target(%dma_start3A_66 : memref<40x128xf32, #tpu.memory_space<vmem>>) offsets(%dma_start3A_69 : memref<40xi32, #tpu.memory_space<vmem>>) semaphore(%arg7 : memref<!tpu.dma_semaphore, #tpu.memory_space<semaphore_mem>>)
      %dma_wait3A = arith.constant 0 : i32
      %dma_wait3A_73 = arith.constant 0 : i32
      %dma_wait3A_74 = arith.constant 0 : i32
      %dma_wait3A_75 = tpu.memref_slice %arg6[%dma_wait3A, %dma_wait3A_73, %dma_wait3A_74] : memref<5x40x128xf32, #tpu.memory_space<vmem>> -> memref<1x40x128xf32, #tpu.memory_space<vmem>>
      %dma_wait3A_76 = tpu.memref_squeeze %dma_wait3A_75 : memref<1x40x128xf32, #tpu.memory_space<vmem>> -> memref<40x128xf32, #tpu.memory_space<vmem>>
      %dma_wait3A_77 = arith.constant 0 : i32
      %dma_wait3A_78 = tpu.memref_slice %arg5[%add3A_10, %dma_wait3A_77] : memref<125x40xi32, #tpu.memory_space<vmem>> -> memref<1x40xi32, #tpu.memory_space<vmem>>
      %dma_wait3A_79 = tpu.memref_squeeze %dma_wait3A_78 : memref<1x40xi32, #tpu.memory_space<vmem>> -> memref<40xi32, #tpu.memory_space<vmem>>
      %dma_wait3A_80 = arith.constant 0 : i32
      %dma_wait3A_81 = arith.constant 0 : i32
      %dma_wait3A_82 = tpu.memref_slice %arg2[%dma_wait3A_80, %dma_wait3A_81] : memref<10000x128xf32, #tpu.memory_space<hbm>> -> memref<10000x128xf32, #tpu.memory_space<hbm>>
      tpu.wait_indirect_dma semaphore(%arg7 : memref<!tpu.dma_semaphore, #tpu.memory_space<semaphore_mem>>) src(%dma_wait3A_82 : memref<10000x128xf32, #tpu.memory_space<hbm>>) dst(%dma_wait3A_76 : memref<40x128xf32, #tpu.memory_space<vmem>>)
      %mul3A_83 = arith.constant 5000 : i32
      %mul3A_84 = arith.muli %add3A, %mul3A_83 : i32
      %add3A_85 = arith.constant 0 : i32
      %add3A_86 = arith.addi %mul3A_8, %add3A_85 : i32
      %mul3A_87 = arith.constant 40 : i32
      %mul3A_88 = arith.muli %add3A_86, %mul3A_87 : i32
      %add3A_89 = arith.addi %mul3A_84, %mul3A_88 : i32
      %run_scoped3A = arith.constant 0 : i32
      "tpu.region"() ({
        %run_scoped3A_166 = tpu.sem_alloc : memref<!tpu.dma_semaphore, #tpu.memory_space<semaphore_mem>>
        %dma_start3A_167 = arith.constant 0 : i32
        %dma_start3A_168 = arith.constant 0 : i32
        %dma_start3A_169 = tpu.memref_slice %arg6[%run_scoped3A, %dma_start3A_167, %dma_start3A_168] : memref<5x40x128xf32, #tpu.memory_space<vmem>> -> memref<1x40x128xf32, #tpu.memory_space<vmem>>
        %dma_start3A_170 = tpu.memref_squeeze %dma_start3A_169 : memref<1x40x128xf32, #tpu.memory_space<vmem>> -> memref<40x128xf32, #tpu.memory_space<vmem>>
        %dma_start3A_171 = arith.constant 0 : i32
        %dma_start3A_172 = tpu.memref_slice %arg4[%add3A_89, %dma_start3A_171] : memref<160000x128xf32, #tpu.memory_space<hbm>> -> memref<40x128xf32, #tpu.memory_space<hbm>>
        %dma_start3A_173 = arith.constant 0 : i32
        %dma_start3A_174 = tpu.memref_slice %arg4[%add3A_89, %dma_start3A_173] : memref<160000x128xf32, #tpu.memory_space<hbm>> -> memref<40x128xf32, #tpu.memory_space<hbm>>
        %dma_start3A_175 = arith.constant 0 : i32
        %dma_start3A_176 = arith.constant 0 : i32
        %dma_start3A_177 = tpu.memref_slice %arg6[%run_scoped3A, %dma_start3A_175, %dma_start3A_176] : memref<5x40x128xf32, #tpu.memory_space<vmem>> -> memref<1x40x128xf32, #tpu.memory_space<vmem>>
        %dma_start3A_178 = tpu.memref_squeeze %dma_start3A_177 : memref<1x40x128xf32, #tpu.memory_space<vmem>> -> memref<40x128xf32, #tpu.memory_space<vmem>>
        tpu.enqueue_dma source(%dma_start3A_178 : memref<40x128xf32, #tpu.memory_space<vmem>>) target(%dma_start3A_174 : memref<40x128xf32, #tpu.memory_space<hbm>>) target_semaphore(%run_scoped3A_166 : memref<!tpu.dma_semaphore, #tpu.memory_space<semaphore_mem>>)
        %dma_wait3A_179 = arith.constant 0 : i32
        %dma_wait3A_180 = arith.constant 0 : i32
        %dma_wait3A_181 = tpu.memref_slice %arg6[%run_scoped3A, %dma_wait3A_179, %dma_wait3A_180] : memref<5x40x128xf32, #tpu.memory_space<vmem>> -> memref<1x40x128xf32, #tpu.memory_space<vmem>>
        %dma_wait3A_182 = tpu.memref_squeeze %dma_wait3A_181 : memref<1x40x128xf32, #tpu.memory_space<vmem>> -> memref<40x128xf32, #tpu.memory_space<vmem>>
        %dma_wait3A_183 = arith.constant 0 : i32
        %dma_wait3A_184 = tpu.memref_slice %arg4[%add3A_89, %dma_wait3A_183] : memref<160000x128xf32, #tpu.memory_space<hbm>> -> memref<40x128xf32, #tpu.memory_space<hbm>>
        %dma_wait3A_185 = arith.constant 0 : i32
        %dma_wait3A_186 = tpu.memref_slice %arg4[%add3A_89, %dma_wait3A_185] : memref<160000x128xf32, #tpu.memory_space<hbm>> -> memref<40x128xf32, #tpu.memory_space<hbm>>
        %dma_wait3A_187 = arith.constant 0 : i32
        %dma_wait3A_188 = arith.constant 0 : i32
        %dma_wait3A_189 = tpu.memref_slice %arg6[%run_scoped3A, %dma_wait3A_187, %dma_wait3A_188] : memref<5x40x128xf32, #tpu.memory_space<vmem>> -> memref<1x40x128xf32, #tpu.memory_space<vmem>>
        %dma_wait3A_190 = tpu.memref_squeeze %dma_wait3A_189 : memref<1x40x128xf32, #tpu.memory_space<vmem>> -> memref<40x128xf32, #tpu.memory_space<vmem>>
        tpu.wait_dma2 semaphore(%run_scoped3A_166 : memref<!tpu.dma_semaphore, #tpu.memory_space<semaphore_mem>>) src(%dma_wait3A_190 : memref<40x128xf32, #tpu.memory_space<vmem>>) dst(%dma_wait3A_186 : memref<40x128xf32, #tpu.memory_space<hbm>>)
        tpu.yield
      }) : () -> ()
      %dma_wait3A_90 = arith.constant 1 : i32
      %dma_wait3A_91 = arith.constant 0 : i32
      %dma_wait3A_92 = arith.constant 0 : i32
      %dma_wait3A_93 = tpu.memref_slice %arg6[%dma_wait3A_90, %dma_wait3A_91, %dma_wait3A_92] : memref<5x40x128xf32, #tpu.memory_space<vmem>> -> memref<1x40x128xf32, #tpu.memory_space<vmem>>
      %dma_wait3A_94 = tpu.memref_squeeze %dma_wait3A_93 : memref<1x40x128xf32, #tpu.memory_space<vmem>> -> memref<40x128xf32, #tpu.memory_space<vmem>>
      %dma_wait3A_95 = arith.constant 0 : i32
      %dma_wait3A_96 = tpu.memref_slice %arg5[%add3A_22, %dma_wait3A_95] : memref<125x40xi32, #tpu.memory_space<vmem>> -> memref<1x40xi32, #tpu.memory_space<vmem>>
      %dma_wait3A_97 = tpu.memref_squeeze %dma_wait3A_96 : memref<1x40xi32, #tpu.memory_space<vmem>> -> memref<40xi32, #tpu.memory_space<vmem>>
      %dma_wait3A_98 = arith.constant 0 : i32
      %dma_wait3A_99 = arith.constant 0 : i32
      %dma_wait3A_100 = tpu.memref_slice %arg2[%dma_wait3A_98, %dma_wait3A_99] : memref<10000x128xf32, #tpu.memory_space<hbm>> -> memref<10000x128xf32, #tpu.memory_space<hbm>>
      tpu.wait_indirect_dma semaphore(%arg7 : memref<!tpu.dma_semaphore, #tpu.memory_space<semaphore_mem>>) src(%dma_wait3A_100 : memref<10000x128xf32, #tpu.memory_space<hbm>>) dst(%dma_wait3A_94 : memref<40x128xf32, #tpu.memory_space<vmem>>)
      %mul3A_101 = arith.constant 5000 : i32
      %mul3A_102 = arith.muli %add3A, %mul3A_101 : i32
      %add3A_103 = arith.constant 1 : i32
      %add3A_104 = arith.addi %mul3A_8, %add3A_103 : i32
      %mul3A_105 = arith.constant 40 : i32
      %mul3A_106 = arith.muli %add3A_104, %mul3A_105 : i32
      %add3A_107 = arith.addi %mul3A_102, %mul3A_106 : i32
      %run_scoped3A_108 = arith.constant 1 : i32
      "tpu.region"() ({
        %run_scoped3A_166 = tpu.sem_alloc : memref<!tpu.dma_semaphore, #tpu.memory_space<semaphore_mem>>
        %dma_start3A_167 = arith.constant 0 : i32
        %dma_start3A_168 = arith.constant 0 : i32
        %dma_start3A_169 = tpu.memref_slice %arg6[%run_scoped3A_108, %dma_start3A_167, %dma_start3A_168] : memref<5x40x128xf32, #tpu.memory_space<vmem>> -> memref<1x40x128xf32, #tpu.memory_space<vmem>>
        %dma_start3A_170 = tpu.memref_squeeze %dma_start3A_169 : memref<1x40x128xf32, #tpu.memory_space<vmem>> -> memref<40x128xf32, #tpu.memory_space<vmem>>
        %dma_start3A_171 = arith.constant 0 : i32
        %dma_start3A_172 = tpu.memref_slice %arg4[%add3A_107, %dma_start3A_171] : memref<160000x128xf32, #tpu.memory_space<hbm>> -> memref<40x128xf32, #tpu.memory_space<hbm>>
        %dma_start3A_173 = arith.constant 0 : i32
        %dma_start3A_174 = tpu.memref_slice %arg4[%add3A_107, %dma_start3A_173] : memref<160000x128xf32, #tpu.memory_space<hbm>> -> memref<40x128xf32, #tpu.memory_space<hbm>>
        %dma_start3A_175 = arith.constant 0 : i32
        %dma_start3A_176 = arith.constant 0 : i32
        %dma_start3A_177 = tpu.memref_slice %arg6[%run_scoped3A_108, %dma_start3A_175, %dma_start3A_176] : memref<5x40x128xf32, #tpu.memory_space<vmem>> -> memref<1x40x128xf32, #tpu.memory_space<vmem>>
        %dma_start3A_178 = tpu.memref_squeeze %dma_start3A_177 : memref<1x40x128xf32, #tpu.memory_space<vmem>> -> memref<40x128xf32, #tpu.memory_space<vmem>>
        tpu.enqueue_dma source(%dma_start3A_178 : memref<40x128xf32, #tpu.memory_space<vmem>>) target(%dma_start3A_174 : memref<40x128xf32, #tpu.memory_space<hbm>>) target_semaphore(%run_scoped3A_166 : memref<!tpu.dma_semaphore, #tpu.memory_space<semaphore_mem>>)
        %dma_wait3A_179 = arith.constant 0 : i32
        %dma_wait3A_180 = arith.constant 0 : i32
        %dma_wait3A_181 = tpu.memref_slice %arg6[%run_scoped3A_108, %dma_wait3A_179, %dma_wait3A_180] : memref<5x40x128xf32, #tpu.memory_space<vmem>> -> memref<1x40x128xf32, #tpu.memory_space<vmem>>
        %dma_wait3A_182 = tpu.memref_squeeze %dma_wait3A_181 : memref<1x40x128xf32, #tpu.memory_space<vmem>> -> memref<40x128xf32, #tpu.memory_space<vmem>>
        %dma_wait3A_183 = arith.constant 0 : i32
        %dma_wait3A_184 = tpu.memref_slice %arg4[%add3A_107, %dma_wait3A_183] : memref<160000x128xf32, #tpu.memory_space<hbm>> -> memref<40x128xf32, #tpu.memory_space<hbm>>
        %dma_wait3A_185 = arith.constant 0 : i32
        %dma_wait3A_186 = tpu.memref_slice %arg4[%add3A_107, %dma_wait3A_185] : memref<160000x128xf32, #tpu.memory_space<hbm>> -> memref<40x128xf32, #tpu.memory_space<hbm>>
        %dma_wait3A_187 = arith.constant 0 : i32
        %dma_wait3A_188 = arith.constant 0 : i32
        %dma_wait3A_189 = tpu.memref_slice %arg6[%run_scoped3A_108, %dma_wait3A_187, %dma_wait3A_188] : memref<5x40x128xf32, #tpu.memory_space<vmem>> -> memref<1x40x128xf32, #tpu.memory_space<vmem>>
        %dma_wait3A_190 = tpu.memref_squeeze %dma_wait3A_189 : memref<1x40x128xf32, #tpu.memory_space<vmem>> -> memref<40x128xf32, #tpu.memory_space<vmem>>
        tpu.wait_dma2 semaphore(%run_scoped3A_166 : memref<!tpu.dma_semaphore, #tpu.memory_space<semaphore_mem>>) src(%dma_wait3A_190 : memref<40x128xf32, #tpu.memory_space<vmem>>) dst(%dma_wait3A_186 : memref<40x128xf32, #tpu.memory_space<hbm>>)
        tpu.yield
      }) : () -> ()
      %dma_wait3A_109 = arith.constant 2 : i32
      %dma_wait3A_110 = arith.constant 0 : i32
      %dma_wait3A_111 = arith.constant 0 : i32
      %dma_wait3A_112 = tpu.memref_slice %arg6[%dma_wait3A_109, %dma_wait3A_110, %dma_wait3A_111] : memref<5x40x128xf32, #tpu.memory_space<vmem>> -> memref<1x40x128xf32, #tpu.memory_space<vmem>>
      %dma_wait3A_113 = tpu.memref_squeeze %dma_wait3A_112 : memref<1x40x128xf32, #tpu.memory_space<vmem>> -> memref<40x128xf32, #tpu.memory_space<vmem>>
      %dma_wait3A_114 = arith.constant 0 : i32
      %dma_wait3A_115 = tpu.memref_slice %arg5[%add3A_35, %dma_wait3A_114] : memref<125x40xi32, #tpu.memory_space<vmem>> -> memref<1x40xi32, #tpu.memory_space<vmem>>
      %dma_wait3A_116 = tpu.memref_squeeze %dma_wait3A_115 : memref<1x40xi32, #tpu.memory_space<vmem>> -> memref<40xi32, #tpu.memory_space<vmem>>
      %dma_wait3A_117 = arith.constant 0 : i32
      %dma_wait3A_118 = arith.constant 0 : i32
      %dma_wait3A_119 = tpu.memref_slice %arg2[%dma_wait3A_117, %dma_wait3A_118] : memref<10000x128xf32, #tpu.memory_space<hbm>> -> memref<10000x128xf32, #tpu.memory_space<hbm>>
      tpu.wait_indirect_dma semaphore(%arg7 : memref<!tpu.dma_semaphore, #tpu.memory_space<semaphore_mem>>) src(%dma_wait3A_119 : memref<10000x128xf32, #tpu.memory_space<hbm>>) dst(%dma_wait3A_113 : memref<40x128xf32, #tpu.memory_space<vmem>>)
      %mul3A_120 = arith.constant 5000 : i32
      %mul3A_121 = arith.muli %add3A, %mul3A_120 : i32
      %add3A_122 = arith.constant 2 : i32
      %add3A_123 = arith.addi %mul3A_8, %add3A_122 : i32
      %mul3A_124 = arith.constant 40 : i32
      %mul3A_125 = arith.muli %add3A_123, %mul3A_124 : i32
      %add3A_126 = arith.addi %mul3A_121, %mul3A_125 : i32
      %run_scoped3A_127 = arith.constant 2 : i32
      "tpu.region"() ({
        %run_scoped3A_166 = tpu.sem_alloc : memref<!tpu.dma_semaphore, #tpu.memory_space<semaphore_mem>>
        %dma_start3A_167 = arith.constant 0 : i32
        %dma_start3A_168 = arith.constant 0 : i32
        %dma_start3A_169 = tpu.memref_slice %arg6[%run_scoped3A_127, %dma_start3A_167, %dma_start3A_168] : memref<5x40x128xf32, #tpu.memory_space<vmem>> -> memref<1x40x128xf32, #tpu.memory_space<vmem>>
        %dma_start3A_170 = tpu.memref_squeeze %dma_start3A_169 : memref<1x40x128xf32, #tpu.memory_space<vmem>> -> memref<40x128xf32, #tpu.memory_space<vmem>>
        %dma_start3A_171 = arith.constant 0 : i32
        %dma_start3A_172 = tpu.memref_slice %arg4[%add3A_126, %dma_start3A_171] : memref<160000x128xf32, #tpu.memory_space<hbm>> -> memref<40x128xf32, #tpu.memory_space<hbm>>
        %dma_start3A_173 = arith.constant 0 : i32
        %dma_start3A_174 = tpu.memref_slice %arg4[%add3A_126, %dma_start3A_173] : memref<160000x128xf32, #tpu.memory_space<hbm>> -> memref<40x128xf32, #tpu.memory_space<hbm>>
        %dma_start3A_175 = arith.constant 0 : i32
        %dma_start3A_176 = arith.constant 0 : i32
        %dma_start3A_177 = tpu.memref_slice %arg6[%run_scoped3A_127, %dma_start3A_175, %dma_start3A_176] : memref<5x40x128xf32, #tpu.memory_space<vmem>> -> memref<1x40x128xf32, #tpu.memory_space<vmem>>
        %dma_start3A_178 = tpu.memref_squeeze %dma_start3A_177 : memref<1x40x128xf32, #tpu.memory_space<vmem>> -> memref<40x128xf32, #tpu.memory_space<vmem>>
        tpu.enqueue_dma source(%dma_start3A_178 : memref<40x128xf32, #tpu.memory_space<vmem>>) target(%dma_start3A_174 : memref<40x128xf32, #tpu.memory_space<hbm>>) target_semaphore(%run_scoped3A_166 : memref<!tpu.dma_semaphore, #tpu.memory_space<semaphore_mem>>)
        %dma_wait3A_179 = arith.constant 0 : i32
        %dma_wait3A_180 = arith.constant 0 : i32
        %dma_wait3A_181 = tpu.memref_slice %arg6[%run_scoped3A_127, %dma_wait3A_179, %dma_wait3A_180] : memref<5x40x128xf32, #tpu.memory_space<vmem>> -> memref<1x40x128xf32, #tpu.memory_space<vmem>>
        %dma_wait3A_182 = tpu.memref_squeeze %dma_wait3A_181 : memref<1x40x128xf32, #tpu.memory_space<vmem>> -> memref<40x128xf32, #tpu.memory_space<vmem>>
        %dma_wait3A_183 = arith.constant 0 : i32
        %dma_wait3A_184 = tpu.memref_slice %arg4[%add3A_126, %dma_wait3A_183] : memref<160000x128xf32, #tpu.memory_space<hbm>> -> memref<40x128xf32, #tpu.memory_space<hbm>>
        %dma_wait3A_185 = arith.constant 0 : i32
        %dma_wait3A_186 = tpu.memref_slice %arg4[%add3A_126, %dma_wait3A_185] : memref<160000x128xf32, #tpu.memory_space<hbm>> -> memref<40x128xf32, #tpu.memory_space<hbm>>
        %dma_wait3A_187 = arith.constant 0 : i32
        %dma_wait3A_188 = arith.constant 0 : i32
        %dma_wait3A_189 = tpu.memref_slice %arg6[%run_scoped3A_127, %dma_wait3A_187, %dma_wait3A_188] : memref<5x40x128xf32, #tpu.memory_space<vmem>> -> memref<1x40x128xf32, #tpu.memory_space<vmem>>
        %dma_wait3A_190 = tpu.memref_squeeze %dma_wait3A_189 : memref<1x40x128xf32, #tpu.memory_space<vmem>> -> memref<40x128xf32, #tpu.memory_space<vmem>>
        tpu.wait_dma2 semaphore(%run_scoped3A_166 : memref<!tpu.dma_semaphore, #tpu.memory_space<semaphore_mem>>) src(%dma_wait3A_190 : memref<40x128xf32, #tpu.memory_space<vmem>>) dst(%dma_wait3A_186 : memref<40x128xf32, #tpu.memory_space<hbm>>)
        tpu.yield
      }) : () -> ()
      %dma_wait3A_128 = arith.constant 3 : i32
      %dma_wait3A_129 = arith.constant 0 : i32
      %dma_wait3A_130 = arith.constant 0 : i32
      %dma_wait3A_131 = tpu.memref_slice %arg6[%dma_wait3A_128, %dma_wait3A_129, %dma_wait3A_130] : memref<5x40x128xf32, #tpu.memory_space<vmem>> -> memref<1x40x128xf32, #tpu.memory_space<vmem>>
      %dma_wait3A_132 = tpu.memref_squeeze %dma_wait3A_131 : memref<1x40x128xf32, #tpu.memory_space<vmem>> -> memref<40x128xf32, #tpu.memory_space<vmem>>
      %dma_wait3A_133 = arith.constant 0 : i32
      %dma_wait3A_134 = tpu.memref_slice %arg5[%add3A_48, %dma_wait3A_133] : memref<125x40xi32, #tpu.memory_space<vmem>> -> memref<1x40xi32, #tpu.memory_space<vmem>>
      %dma_wait3A_135 = tpu.memref_squeeze %dma_wait3A_134 : memref<1x40xi32, #tpu.memory_space<vmem>> -> memref<40xi32, #tpu.memory_space<vmem>>
      %dma_wait3A_136 = arith.constant 0 : i32
      %dma_wait3A_137 = arith.constant 0 : i32
      %dma_wait3A_138 = tpu.memref_slice %arg2[%dma_wait3A_136, %dma_wait3A_137] : memref<10000x128xf32, #tpu.memory_space<hbm>> -> memref<10000x128xf32, #tpu.memory_space<hbm>>
      tpu.wait_indirect_dma semaphore(%arg7 : memref<!tpu.dma_semaphore, #tpu.memory_space<semaphore_mem>>) src(%dma_wait3A_138 : memref<10000x128xf32, #tpu.memory_space<hbm>>) dst(%dma_wait3A_132 : memref<40x128xf32, #tpu.memory_space<vmem>>)
      %mul3A_139 = arith.constant 5000 : i32
      %mul3A_140 = arith.muli %add3A, %mul3A_139 : i32
      %add3A_141 = arith.constant 3 : i32
      %add3A_142 = arith.addi %mul3A_8, %add3A_141 : i32
      %mul3A_143 = arith.constant 40 : i32
      %mul3A_144 = arith.muli %add3A_142, %mul3A_143 : i32
      %add3A_145 = arith.addi %mul3A_140, %mul3A_144 : i32
      %run_scoped3A_146 = arith.constant 3 : i32
      "tpu.region"() ({
        %run_scoped3A_166 = tpu.sem_alloc : memref<!tpu.dma_semaphore, #tpu.memory_space<semaphore_mem>>
        %dma_start3A_167 = arith.constant 0 : i32
        %dma_start3A_168 = arith.constant 0 : i32
        %dma_start3A_169 = tpu.memref_slice %arg6[%run_scoped3A_146, %dma_start3A_167, %dma_start3A_168] : memref<5x40x128xf32, #tpu.memory_space<vmem>> -> memref<1x40x128xf32, #tpu.memory_space<vmem>>
        %dma_start3A_170 = tpu.memref_squeeze %dma_start3A_169 : memref<1x40x128xf32, #tpu.memory_space<vmem>> -> memref<40x128xf32, #tpu.memory_space<vmem>>
        %dma_start3A_171 = arith.constant 0 : i32
        %dma_start3A_172 = tpu.memref_slice %arg4[%add3A_145, %dma_start3A_171] : memref<160000x128xf32, #tpu.memory_space<hbm>> -> memref<40x128xf32, #tpu.memory_space<hbm>>
        %dma_start3A_173 = arith.constant 0 : i32
        %dma_start3A_174 = tpu.memref_slice %arg4[%add3A_145, %dma_start3A_173] : memref<160000x128xf32, #tpu.memory_space<hbm>> -> memref<40x128xf32, #tpu.memory_space<hbm>>
        %dma_start3A_175 = arith.constant 0 : i32
        %dma_start3A_176 = arith.constant 0 : i32
        %dma_start3A_177 = tpu.memref_slice %arg6[%run_scoped3A_146, %dma_start3A_175, %dma_start3A_176] : memref<5x40x128xf32, #tpu.memory_space<vmem>> -> memref<1x40x128xf32, #tpu.memory_space<vmem>>
        %dma_start3A_178 = tpu.memref_squeeze %dma_start3A_177 : memref<1x40x128xf32, #tpu.memory_space<vmem>> -> memref<40x128xf32, #tpu.memory_space<vmem>>
        tpu.enqueue_dma source(%dma_start3A_178 : memref<40x128xf32, #tpu.memory_space<vmem>>) target(%dma_start3A_174 : memref<40x128xf32, #tpu.memory_space<hbm>>) target_semaphore(%run_scoped3A_166 : memref<!tpu.dma_semaphore, #tpu.memory_space<semaphore_mem>>)
        %dma_wait3A_179 = arith.constant 0 : i32
        %dma_wait3A_180 = arith.constant 0 : i32
        %dma_wait3A_181 = tpu.memref_slice %arg6[%run_scoped3A_146, %dma_wait3A_179, %dma_wait3A_180] : memref<5x40x128xf32, #tpu.memory_space<vmem>> -> memref<1x40x128xf32, #tpu.memory_space<vmem>>
        %dma_wait3A_182 = tpu.memref_squeeze %dma_wait3A_181 : memref<1x40x128xf32, #tpu.memory_space<vmem>> -> memref<40x128xf32, #tpu.memory_space<vmem>>
        %dma_wait3A_183 = arith.constant 0 : i32
        %dma_wait3A_184 = tpu.memref_slice %arg4[%add3A_145, %dma_wait3A_183] : memref<160000x128xf32, #tpu.memory_space<hbm>> -> memref<40x128xf32, #tpu.memory_space<hbm>>
        %dma_wait3A_185 = arith.constant 0 : i32
        %dma_wait3A_186 = tpu.memref_slice %arg4[%add3A_145, %dma_wait3A_185] : memref<160000x128xf32, #tpu.memory_space<hbm>> -> memref<40x128xf32, #tpu.memory_space<hbm>>
        %dma_wait3A_187 = arith.constant 0 : i32
        %dma_wait3A_188 = arith.constant 0 : i32
        %dma_wait3A_189 = tpu.memref_slice %arg6[%run_scoped3A_146, %dma_wait3A_187, %dma_wait3A_188] : memref<5x40x128xf32, #tpu.memory_space<vmem>> -> memref<1x40x128xf32, #tpu.memory_space<vmem>>
        %dma_wait3A_190 = tpu.memref_squeeze %dma_wait3A_189 : memref<1x40x128xf32, #tpu.memory_space<vmem>> -> memref<40x128xf32, #tpu.memory_space<vmem>>
        tpu.wait_dma2 semaphore(%run_scoped3A_166 : memref<!tpu.dma_semaphore, #tpu.memory_space<semaphore_mem>>) src(%dma_wait3A_190 : memref<40x128xf32, #tpu.memory_space<vmem>>) dst(%dma_wait3A_186 : memref<40x128xf32, #tpu.memory_space<hbm>>)
        tpu.yield
      }) : () -> ()
      %dma_wait3A_147 = arith.constant 4 : i32
      %dma_wait3A_148 = arith.constant 0 : i32
      %dma_wait3A_149 = arith.constant 0 : i32
      %dma_wait3A_150 = tpu.memref_slice %arg6[%dma_wait3A_147, %dma_wait3A_148, %dma_wait3A_149] : memref<5x40x128xf32, #tpu.memory_space<vmem>> -> memref<1x40x128xf32, #tpu.memory_space<vmem>>
      %dma_wait3A_151 = tpu.memref_squeeze %dma_wait3A_150 : memref<1x40x128xf32, #tpu.memory_space<vmem>> -> memref<40x128xf32, #tpu.memory_space<vmem>>
      %dma_wait3A_152 = arith.constant 0 : i32
      %dma_wait3A_153 = tpu.memref_slice %arg5[%add3A_61, %dma_wait3A_152] : memref<125x40xi32, #tpu.memory_space<vmem>> -> memref<1x40xi32, #tpu.memory_space<vmem>>
      %dma_wait3A_154 = tpu.memref_squeeze %dma_wait3A_153 : memref<1x40xi32, #tpu.memory_space<vmem>> -> memref<40xi32, #tpu.memory_space<vmem>>
      %dma_wait3A_155 = arith.constant 0 : i32
      %dma_wait3A_156 = arith.constant 0 : i32
      %dma_wait3A_157 = tpu.memref_slice %arg2[%dma_wait3A_155, %dma_wait3A_156] : memref<10000x128xf32, #tpu.memory_space<hbm>> -> memref<10000x128xf32, #tpu.memory_space<hbm>>
      tpu.wait_indirect_dma semaphore(%arg7 : memref<!tpu.dma_semaphore, #tpu.memory_space<semaphore_mem>>) src(%dma_wait3A_157 : memref<10000x128xf32, #tpu.memory_space<hbm>>) dst(%dma_wait3A_151 : memref<40x128xf32, #tpu.memory_space<vmem>>)
      %mul3A_158 = arith.constant 5000 : i32
      %mul3A_159 = arith.muli %add3A, %mul3A_158 : i32
      %add3A_160 = arith.constant 4 : i32
      %add3A_161 = arith.addi %mul3A_8, %add3A_160 : i32
      %mul3A_162 = arith.constant 40 : i32
      %mul3A_163 = arith.muli %add3A_161, %mul3A_162 : i32
      %add3A_164 = arith.addi %mul3A_159, %mul3A_163 : i32
      %run_scoped3A_165 = arith.constant 4 : i32
      "tpu.region"() ({
        %run_scoped3A_166 = tpu.sem_alloc : memref<!tpu.dma_semaphore, #tpu.memory_space<semaphore_mem>>
        %dma_start3A_167 = arith.constant 0 : i32
        %dma_start3A_168 = arith.constant 0 : i32
        %dma_start3A_169 = tpu.memref_slice %arg6[%run_scoped3A_165, %dma_start3A_167, %dma_start3A_168] : memref<5x40x128xf32, #tpu.memory_space<vmem>> -> memref<1x40x128xf32, #tpu.memory_space<vmem>>
        %dma_start3A_170 = tpu.memref_squeeze %dma_start3A_169 : memref<1x40x128xf32, #tpu.memory_space<vmem>> -> memref<40x128xf32, #tpu.memory_space<vmem>>
        %dma_start3A_171 = arith.constant 0 : i32
        %dma_start3A_172 = tpu.memref_slice %arg4[%add3A_164, %dma_start3A_171] : memref<160000x128xf32, #tpu.memory_space<hbm>> -> memref<40x128xf32, #tpu.memory_space<hbm>>
        %dma_start3A_173 = arith.constant 0 : i32
        %dma_start3A_174 = tpu.memref_slice %arg4[%add3A_164, %dma_start3A_173] : memref<160000x128xf32, #tpu.memory_space<hbm>> -> memref<40x128xf32, #tpu.memory_space<hbm>>
        %dma_start3A_175 = arith.constant 0 : i32
        %dma_start3A_176 = arith.constant 0 : i32
        %dma_start3A_177 = tpu.memref_slice %arg6[%run_scoped3A_165, %dma_start3A_175, %dma_start3A_176] : memref<5x40x128xf32, #tpu.memory_space<vmem>> -> memref<1x40x128xf32, #tpu.memory_space<vmem>>
        %dma_start3A_178 = tpu.memref_squeeze %dma_start3A_177 : memref<1x40x128xf32, #tpu.memory_space<vmem>> -> memref<40x128xf32, #tpu.memory_space<vmem>>
        tpu.enqueue_dma source(%dma_start3A_178 : memref<40x128xf32, #tpu.memory_space<vmem>>) target(%dma_start3A_174 : memref<40x128xf32, #tpu.memory_space<hbm>>) target_semaphore(%run_scoped3A_166 : memref<!tpu.dma_semaphore, #tpu.memory_space<semaphore_mem>>)
        %dma_wait3A_179 = arith.constant 0 : i32
        %dma_wait3A_180 = arith.constant 0 : i32
        %dma_wait3A_181 = tpu.memref_slice %arg6[%run_scoped3A_165, %dma_wait3A_179, %dma_wait3A_180] : memref<5x40x128xf32, #tpu.memory_space<vmem>> -> memref<1x40x128xf32, #tpu.memory_space<vmem>>
        %dma_wait3A_182 = tpu.memref_squeeze %dma_wait3A_181 : memref<1x40x128xf32, #tpu.memory_space<vmem>> -> memref<40x128xf32, #tpu.memory_space<vmem>>
        %dma_wait3A_183 = arith.constant 0 : i32
        %dma_wait3A_184 = tpu.memref_slice %arg4[%add3A_164, %dma_wait3A_183] : memref<160000x128xf32, #tpu.memory_space<hbm>> -> memref<40x128xf32, #tpu.memory_space<hbm>>
        %dma_wait3A_185 = arith.constant 0 : i32
        %dma_wait3A_186 = tpu.memref_slice %arg4[%add3A_164, %dma_wait3A_185] : memref<160000x128xf32, #tpu.memory_space<hbm>> -> memref<40x128xf32, #tpu.memory_space<hbm>>
        %dma_wait3A_187 = arith.constant 0 : i32
        %dma_wait3A_188 = arith.constant 0 : i32
        %dma_wait3A_189 = tpu.memref_slice %arg6[%run_scoped3A_165, %dma_wait3A_187, %dma_wait3A_188] : memref<5x40x128xf32, #tpu.memory_space<vmem>> -> memref<1x40x128xf32, #tpu.memory_space<vmem>>
        %dma_wait3A_190 = tpu.memref_squeeze %dma_wait3A_189 : memref<1x40x128xf32, #tpu.memory_space<vmem>> -> memref<40x128xf32, #tpu.memory_space<vmem>>
        tpu.wait_dma2 semaphore(%run_scoped3A_166 : memref<!tpu.dma_semaphore, #tpu.memory_space<semaphore_mem>>) src(%dma_wait3A_190 : memref<40x128xf32, #tpu.memory_space<vmem>>) dst(%dma_wait3A_186 : memref<40x128xf32, #tpu.memory_space<hbm>>)
        tpu.yield
      }) : () -> ()
    }
    %scan3A_5 = arith.constant 25 : i32
    return
  }
}

#map = affine_map<(d0, d1) -> (0, 0)>
#map1 = affine_map<(d0, d1) -> (0, 0, 0, 0)>
module attributes {stable_mosaic.version = 14 : i64} {
  func.func @_sc_scatter(%arg0: i32, %arg1: i32, %arg2: memref<160000x128xf32, #tpu.memory_space<hbm>>, %arg3: memref<32x25x5x40xi32, #tpu.memory_space<hbm>>, %arg4: memref<10240x128xf32, #tpu.memory_space<hbm>>, %arg5: memref<20480x128xf32, #tpu.memory_space<hbm>>, %arg6: memref<5x40xi32, #tpu.memory_space<vmem>>, %arg7: memref<5x40x128xf32, #tpu.memory_space<vmem>>, %arg8: memref<10240x128xf32, #tpu.memory_space<vmem_shared>>, %arg9: memref<!tpu.dma_semaphore, #tpu.memory_space<semaphore_mem>>, %arg10: memref<!tpu.dma_semaphore, #tpu.memory_space<semaphore_mem>>) attributes {dimension_semantics = [#tpu.dimension_semantics<core_parallel>, #tpu.dimension_semantics<subcore_parallel>], iteration_bounds = array<i64: 2, 16>, scalar_prefetch = 0 : i64, scratch_operands = 5 : i64, tpu.core_type = #tpu.core_type<sc_vector_subcore>, window_params = [{transform_indices = #map}, {transform_indices = #map1}, {transform_indices = #map}, {transform_indices = #map}]} {
    %mul3A = arith.constant 16 : i32
    %mul3A_0 = arith.muli %arg0, %mul3A : i32
    %add3A = arith.addi %mul3A_0, %arg1 : i32
    %mul3A_1 = arith.constant 640 : i32
    %mul3A_2 = arith.muli %arg1, %mul3A_1 : i32
    %mul3A_3 = arith.constant 640 : i32
    %mul3A_4 = arith.muli %arg1, %mul3A_3 : i32
    "tpu.region"() ({
      %run_scoped3A = tpu.sem_alloc : memref<!tpu.dma_semaphore, #tpu.memory_space<semaphore_mem>>
      %dma_start3A = arith.constant 0 : i32
      %dma_start3A_18 = tpu.memref_slice %arg8[%mul3A_4, %dma_start3A] : memref<10240x128xf32, #tpu.memory_space<vmem_shared>> -> memref<640x128xf32, #tpu.memory_space<vmem_shared>>
      %dma_start3A_19 = arith.constant 0 : i32
      %dma_start3A_20 = tpu.memref_slice %arg4[%mul3A_2, %dma_start3A_19] : memref<10240x128xf32, #tpu.memory_space<hbm>> -> memref<640x128xf32, #tpu.memory_space<hbm>>
      tpu.enqueue_dma source(%dma_start3A_20 : memref<640x128xf32, #tpu.memory_space<hbm>>) target(%dma_start3A_18 : memref<640x128xf32, #tpu.memory_space<vmem_shared>>) target_semaphore(%run_scoped3A : memref<!tpu.dma_semaphore, #tpu.memory_space<semaphore_mem>>)
      %dma_wait3A = arith.constant 0 : i32
      %dma_wait3A_21 = tpu.memref_slice %arg8[%mul3A_4, %dma_wait3A] : memref<10240x128xf32, #tpu.memory_space<vmem_shared>> -> memref<640x128xf32, #tpu.memory_space<vmem_shared>>
      %dma_wait3A_22 = arith.constant 0 : i32
      %dma_wait3A_23 = tpu.memref_slice %arg4[%mul3A_2, %dma_wait3A_22] : memref<10240x128xf32, #tpu.memory_space<hbm>> -> memref<640x128xf32, #tpu.memory_space<hbm>>
      tpu.wait_dma2 semaphore(%run_scoped3A : memref<!tpu.dma_semaphore, #tpu.memory_space<semaphore_mem>>) src(%dma_wait3A_23 : memref<640x128xf32, #tpu.memory_space<hbm>>) dst(%dma_wait3A_21 : memref<640x128xf32, #tpu.memory_space<vmem_shared>>)
      tpu.yield
    }) : () -> ()
    %barrier3A = arith.constant 0 : index
    tpu.barrier barrier_id(%barrier3A)
    %scan3A = arith.constant 0 : i32
    %scan3A_5 = arith.constant 0 : i32
    %scan3A_6 = arith.constant 25 : i32
    %scan3A_7 = arith.addi %scan3A_5, %scan3A_6 : i32
    %scan3A_8 = arith.constant 1 : i32
    scf.for %scan3A_18 = %scan3A_5 to %scan3A_7 step %scan3A_8  : i32 {
      %mul3A_19 = arith.constant 5 : i32
      %mul3A_20 = arith.muli %scan3A_18, %mul3A_19 : i32
      %dma_start3A = arith.constant 0 : i32
      %dma_start3A_21 = arith.constant 0 : i32
      %dma_start3A_22 = tpu.memref_slice %arg3[%add3A, %scan3A_18, %dma_start3A, %dma_start3A_21] : memref<32x25x5x40xi32, #tpu.memory_space<hbm>> -> memref<1x1x5x40xi32, #tpu.memory_space<hbm>>
      %dma_start3A_23 = tpu.memref_squeeze %dma_start3A_22 : memref<1x1x5x40xi32, #tpu.memory_space<hbm>> -> memref<5x40xi32, #tpu.memory_space<hbm>>
      %dma_start3A_24 = arith.constant 0 : i32
      %dma_start3A_25 = arith.constant 0 : i32
      %dma_start3A_26 = tpu.memref_slice %arg3[%add3A, %scan3A_18, %dma_start3A_24, %dma_start3A_25] : memref<32x25x5x40xi32, #tpu.memory_space<hbm>> -> memref<1x1x5x40xi32, #tpu.memory_space<hbm>>
      %dma_start3A_27 = tpu.memref_squeeze %dma_start3A_26 : memref<1x1x5x40xi32, #tpu.memory_space<hbm>> -> memref<5x40xi32, #tpu.memory_space<hbm>>
      tpu.enqueue_dma source(%dma_start3A_27 : memref<5x40xi32, #tpu.memory_space<hbm>>) target(%arg6 : memref<5x40xi32, #tpu.memory_space<vmem>>) target_semaphore(%arg10 : memref<!tpu.dma_semaphore, #tpu.memory_space<semaphore_mem>>)
      %mul3A_28 = arith.constant 5000 : i32
      %mul3A_29 = arith.muli %add3A, %mul3A_28 : i32
      %add3A_30 = arith.constant 0 : i32
      %add3A_31 = arith.addi %mul3A_20, %add3A_30 : i32
      %mul3A_32 = arith.constant 40 : i32
      %mul3A_33 = arith.muli %add3A_31, %mul3A_32 : i32
      %add3A_34 = arith.addi %mul3A_29, %mul3A_33 : i32
      %dma_start3A_35 = arith.constant 0 : i32
      %dma_start3A_36 = arith.constant 0 : i32
      %dma_start3A_37 = arith.constant 0 : i32
      %dma_start3A_38 = tpu.memref_slice %arg7[%dma_start3A_35, %dma_start3A_36, %dma_start3A_37] : memref<5x40x128xf32, #tpu.memory_space<vmem>> -> memref<1x40x128xf32, #tpu.memory_space<vmem>>
      %dma_start3A_39 = tpu.memref_squeeze %dma_start3A_38 : memref<1x40x128xf32, #tpu.memory_space<vmem>> -> memref<40x128xf32, #tpu.memory_space<vmem>>
      %dma_start3A_40 = arith.constant 0 : i32
      %dma_start3A_41 = tpu.memref_slice %arg2[%add3A_34, %dma_start3A_40] : memref<160000x128xf32, #tpu.memory_space<hbm>> -> memref<40x128xf32, #tpu.memory_space<hbm>>
      %dma_start3A_42 = arith.constant 0 : i32
      %dma_start3A_43 = arith.constant 0 : i32
      %dma_start3A_44 = tpu.memref_slice %arg7[%dma_start3A_35, %dma_start3A_42, %dma_start3A_43] : memref<5x40x128xf32, #tpu.memory_space<vmem>> -> memref<1x40x128xf32, #tpu.memory_space<vmem>>
      %dma_start3A_45 = tpu.memref_squeeze %dma_start3A_44 : memref<1x40x128xf32, #tpu.memory_space<vmem>> -> memref<40x128xf32, #tpu.memory_space<vmem>>
      %dma_start3A_46 = arith.constant 0 : i32
      %dma_start3A_47 = tpu.memref_slice %arg2[%add3A_34, %dma_start3A_46] : memref<160000x128xf32, #tpu.memory_space<hbm>> -> memref<40x128xf32, #tpu.memory_space<hbm>>
      tpu.enqueue_dma source(%dma_start3A_47 : memref<40x128xf32, #tpu.memory_space<hbm>>) target(%dma_start3A_45 : memref<40x128xf32, #tpu.memory_space<vmem>>) target_semaphore(%arg9 : memref<!tpu.dma_semaphore, #tpu.memory_space<semaphore_mem>>)
      %mul3A_48 = arith.constant 5000 : i32
      %mul3A_49 = arith.muli %add3A, %mul3A_48 : i32
      %add3A_50 = arith.constant 1 : i32
      %add3A_51 = arith.addi %mul3A_20, %add3A_50 : i32
      %mul3A_52 = arith.constant 40 : i32
      %mul3A_53 = arith.muli %add3A_51, %mul3A_52 : i32
      %add3A_54 = arith.addi %mul3A_49, %mul3A_53 : i32
      %dma_start3A_55 = arith.constant 1 : i32
      %dma_start3A_56 = arith.constant 0 : i32
      %dma_start3A_57 = arith.constant 0 : i32
      %dma_start3A_58 = tpu.memref_slice %arg7[%dma_start3A_55, %dma_start3A_56, %dma_start3A_57] : memref<5x40x128xf32, #tpu.memory_space<vmem>> -> memref<1x40x128xf32, #tpu.memory_space<vmem>>
      %dma_start3A_59 = tpu.memref_squeeze %dma_start3A_58 : memref<1x40x128xf32, #tpu.memory_space<vmem>> -> memref<40x128xf32, #tpu.memory_space<vmem>>
      %dma_start3A_60 = arith.constant 0 : i32
      %dma_start3A_61 = tpu.memref_slice %arg2[%add3A_54, %dma_start3A_60] : memref<160000x128xf32, #tpu.memory_space<hbm>> -> memref<40x128xf32, #tpu.memory_space<hbm>>
      %dma_start3A_62 = arith.constant 0 : i32
      %dma_start3A_63 = arith.constant 0 : i32
      %dma_start3A_64 = tpu.memref_slice %arg7[%dma_start3A_55, %dma_start3A_62, %dma_start3A_63] : memref<5x40x128xf32, #tpu.memory_space<vmem>> -> memref<1x40x128xf32, #tpu.memory_space<vmem>>
      %dma_start3A_65 = tpu.memref_squeeze %dma_start3A_64 : memref<1x40x128xf32, #tpu.memory_space<vmem>> -> memref<40x128xf32, #tpu.memory_space<vmem>>
      %dma_start3A_66 = arith.constant 0 : i32
      %dma_start3A_67 = tpu.memref_slice %arg2[%add3A_54, %dma_start3A_66] : memref<160000x128xf32, #tpu.memory_space<hbm>> -> memref<40x128xf32, #tpu.memory_space<hbm>>
      tpu.enqueue_dma source(%dma_start3A_67 : memref<40x128xf32, #tpu.memory_space<hbm>>) target(%dma_start3A_65 : memref<40x128xf32, #tpu.memory_space<vmem>>) target_semaphore(%arg9 : memref<!tpu.dma_semaphore, #tpu.memory_space<semaphore_mem>>)
      %mul3A_68 = arith.constant 5000 : i32
      %mul3A_69 = arith.muli %add3A, %mul3A_68 : i32
      %add3A_70 = arith.constant 2 : i32
      %add3A_71 = arith.addi %mul3A_20, %add3A_70 : i32
      %mul3A_72 = arith.constant 40 : i32
      %mul3A_73 = arith.muli %add3A_71, %mul3A_72 : i32
      %add3A_74 = arith.addi %mul3A_69, %mul3A_73 : i32
      %dma_start3A_75 = arith.constant 2 : i32
      %dma_start3A_76 = arith.constant 0 : i32
      %dma_start3A_77 = arith.constant 0 : i32
      %dma_start3A_78 = tpu.memref_slice %arg7[%dma_start3A_75, %dma_start3A_76, %dma_start3A_77] : memref<5x40x128xf32, #tpu.memory_space<vmem>> -> memref<1x40x128xf32, #tpu.memory_space<vmem>>
      %dma_start3A_79 = tpu.memref_squeeze %dma_start3A_78 : memref<1x40x128xf32, #tpu.memory_space<vmem>> -> memref<40x128xf32, #tpu.memory_space<vmem>>
      %dma_start3A_80 = arith.constant 0 : i32
      %dma_start3A_81 = tpu.memref_slice %arg2[%add3A_74, %dma_start3A_80] : memref<160000x128xf32, #tpu.memory_space<hbm>> -> memref<40x128xf32, #tpu.memory_space<hbm>>
      %dma_start3A_82 = arith.constant 0 : i32
      %dma_start3A_83 = arith.constant 0 : i32
      %dma_start3A_84 = tpu.memref_slice %arg7[%dma_start3A_75, %dma_start3A_82, %dma_start3A_83] : memref<5x40x128xf32, #tpu.memory_space<vmem>> -> memref<1x40x128xf32, #tpu.memory_space<vmem>>
      %dma_start3A_85 = tpu.memref_squeeze %dma_start3A_84 : memref<1x40x128xf32, #tpu.memory_space<vmem>> -> memref<40x128xf32, #tpu.memory_space<vmem>>
      %dma_start3A_86 = arith.constant 0 : i32
      %dma_start3A_87 = tpu.memref_slice %arg2[%add3A_74, %dma_start3A_86] : memref<160000x128xf32, #tpu.memory_space<hbm>> -> memref<40x128xf32, #tpu.memory_space<hbm>>
      tpu.enqueue_dma source(%dma_start3A_87 : memref<40x128xf32, #tpu.memory_space<hbm>>) target(%dma_start3A_85 : memref<40x128xf32, #tpu.memory_space<vmem>>) target_semaphore(%arg9 : memref<!tpu.dma_semaphore, #tpu.memory_space<semaphore_mem>>)
      %mul3A_88 = arith.constant 5000 : i32
      %mul3A_89 = arith.muli %add3A, %mul3A_88 : i32
      %add3A_90 = arith.constant 3 : i32
      %add3A_91 = arith.addi %mul3A_20, %add3A_90 : i32
      %mul3A_92 = arith.constant 40 : i32
      %mul3A_93 = arith.muli %add3A_91, %mul3A_92 : i32
      %add3A_94 = arith.addi %mul3A_89, %mul3A_93 : i32
      %dma_start3A_95 = arith.constant 3 : i32
      %dma_start3A_96 = arith.constant 0 : i32
      %dma_start3A_97 = arith.constant 0 : i32
      %dma_start3A_98 = tpu.memref_slice %arg7[%dma_start3A_95, %dma_start3A_96, %dma_start3A_97] : memref<5x40x128xf32, #tpu.memory_space<vmem>> -> memref<1x40x128xf32, #tpu.memory_space<vmem>>
      %dma_start3A_99 = tpu.memref_squeeze %dma_start3A_98 : memref<1x40x128xf32, #tpu.memory_space<vmem>> -> memref<40x128xf32, #tpu.memory_space<vmem>>
      %dma_start3A_100 = arith.constant 0 : i32
      %dma_start3A_101 = tpu.memref_slice %arg2[%add3A_94, %dma_start3A_100] : memref<160000x128xf32, #tpu.memory_space<hbm>> -> memref<40x128xf32, #tpu.memory_space<hbm>>
      %dma_start3A_102 = arith.constant 0 : i32
      %dma_start3A_103 = arith.constant 0 : i32
      %dma_start3A_104 = tpu.memref_slice %arg7[%dma_start3A_95, %dma_start3A_102, %dma_start3A_103] : memref<5x40x128xf32, #tpu.memory_space<vmem>> -> memref<1x40x128xf32, #tpu.memory_space<vmem>>
      %dma_start3A_105 = tpu.memref_squeeze %dma_start3A_104 : memref<1x40x128xf32, #tpu.memory_space<vmem>> -> memref<40x128xf32, #tpu.memory_space<vmem>>
      %dma_start3A_106 = arith.constant 0 : i32
      %dma_start3A_107 = tpu.memref_slice %arg2[%add3A_94, %dma_start3A_106] : memref<160000x128xf32, #tpu.memory_space<hbm>> -> memref<40x128xf32, #tpu.memory_space<hbm>>
      tpu.enqueue_dma source(%dma_start3A_107 : memref<40x128xf32, #tpu.memory_space<hbm>>) target(%dma_start3A_105 : memref<40x128xf32, #tpu.memory_space<vmem>>) target_semaphore(%arg9 : memref<!tpu.dma_semaphore, #tpu.memory_space<semaphore_mem>>)
      %mul3A_108 = arith.constant 5000 : i32
      %mul3A_109 = arith.muli %add3A, %mul3A_108 : i32
      %add3A_110 = arith.constant 4 : i32
      %add3A_111 = arith.addi %mul3A_20, %add3A_110 : i32
      %mul3A_112 = arith.constant 40 : i32
      %mul3A_113 = arith.muli %add3A_111, %mul3A_112 : i32
      %add3A_114 = arith.addi %mul3A_109, %mul3A_113 : i32
      %dma_start3A_115 = arith.constant 4 : i32
      %dma_start3A_116 = arith.constant 0 : i32
      %dma_start3A_117 = arith.constant 0 : i32
      %dma_start3A_118 = tpu.memref_slice %arg7[%dma_start3A_115, %dma_start3A_116, %dma_start3A_117] : memref<5x40x128xf32, #tpu.memory_space<vmem>> -> memref<1x40x128xf32, #tpu.memory_space<vmem>>
      %dma_start3A_119 = tpu.memref_squeeze %dma_start3A_118 : memref<1x40x128xf32, #tpu.memory_space<vmem>> -> memref<40x128xf32, #tpu.memory_space<vmem>>
      %dma_start3A_120 = arith.constant 0 : i32
      %dma_start3A_121 = tpu.memref_slice %arg2[%add3A_114, %dma_start3A_120] : memref<160000x128xf32, #tpu.memory_space<hbm>> -> memref<40x128xf32, #tpu.memory_space<hbm>>
      %dma_start3A_122 = arith.constant 0 : i32
      %dma_start3A_123 = arith.constant 0 : i32
      %dma_start3A_124 = tpu.memref_slice %arg7[%dma_start3A_115, %dma_start3A_122, %dma_start3A_123] : memref<5x40x128xf32, #tpu.memory_space<vmem>> -> memref<1x40x128xf32, #tpu.memory_space<vmem>>
      %dma_start3A_125 = tpu.memref_squeeze %dma_start3A_124 : memref<1x40x128xf32, #tpu.memory_space<vmem>> -> memref<40x128xf32, #tpu.memory_space<vmem>>
      %dma_start3A_126 = arith.constant 0 : i32
      %dma_start3A_127 = tpu.memref_slice %arg2[%add3A_114, %dma_start3A_126] : memref<160000x128xf32, #tpu.memory_space<hbm>> -> memref<40x128xf32, #tpu.memory_space<hbm>>
      tpu.enqueue_dma source(%dma_start3A_127 : memref<40x128xf32, #tpu.memory_space<hbm>>) target(%dma_start3A_125 : memref<40x128xf32, #tpu.memory_space<vmem>>) target_semaphore(%arg9 : memref<!tpu.dma_semaphore, #tpu.memory_space<semaphore_mem>>)
      %dma_wait3A = arith.constant 0 : i32
      %dma_wait3A_128 = arith.constant 0 : i32
      %dma_wait3A_129 = tpu.memref_slice %arg3[%add3A, %scan3A_18, %dma_wait3A, %dma_wait3A_128] : memref<32x25x5x40xi32, #tpu.memory_space<hbm>> -> memref<1x1x5x40xi32, #tpu.memory_space<hbm>>
      %dma_wait3A_130 = tpu.memref_squeeze %dma_wait3A_129 : memref<1x1x5x40xi32, #tpu.memory_space<hbm>> -> memref<5x40xi32, #tpu.memory_space<hbm>>
      %dma_wait3A_131 = arith.constant 0 : i32
      %dma_wait3A_132 = arith.constant 0 : i32
      %dma_wait3A_133 = tpu.memref_slice %arg3[%add3A, %scan3A_18, %dma_wait3A_131, %dma_wait3A_132] : memref<32x25x5x40xi32, #tpu.memory_space<hbm>> -> memref<1x1x5x40xi32, #tpu.memory_space<hbm>>
      %dma_wait3A_134 = tpu.memref_squeeze %dma_wait3A_133 : memref<1x1x5x40xi32, #tpu.memory_space<hbm>> -> memref<5x40xi32, #tpu.memory_space<hbm>>
      tpu.wait_dma2 semaphore(%arg10 : memref<!tpu.dma_semaphore, #tpu.memory_space<semaphore_mem>>) src(%dma_wait3A_134 : memref<5x40xi32, #tpu.memory_space<hbm>>) dst(%arg6 : memref<5x40xi32, #tpu.memory_space<vmem>>)
      %dma_wait3A_135 = arith.constant 0 : i32
      %dma_wait3A_136 = arith.constant 0 : i32
      %dma_wait3A_137 = arith.constant 0 : i32
      %dma_wait3A_138 = tpu.memref_slice %arg7[%dma_wait3A_135, %dma_wait3A_136, %dma_wait3A_137] : memref<5x40x128xf32, #tpu.memory_space<vmem>> -> memref<1x40x128xf32, #tpu.memory_space<vmem>>
      %dma_wait3A_139 = tpu.memref_squeeze %dma_wait3A_138 : memref<1x40x128xf32, #tpu.memory_space<vmem>> -> memref<40x128xf32, #tpu.memory_space<vmem>>
      %dma_wait3A_140 = arith.constant 0 : i32
      %dma_wait3A_141 = tpu.memref_slice %arg2[%add3A_34, %dma_wait3A_140] : memref<160000x128xf32, #tpu.memory_space<hbm>> -> memref<40x128xf32, #tpu.memory_space<hbm>>
      %dma_wait3A_142 = arith.constant 0 : i32
      %dma_wait3A_143 = arith.constant 0 : i32
      %dma_wait3A_144 = tpu.memref_slice %arg7[%dma_wait3A_135, %dma_wait3A_142, %dma_wait3A_143] : memref<5x40x128xf32, #tpu.memory_space<vmem>> -> memref<1x40x128xf32, #tpu.memory_space<vmem>>
      %dma_wait3A_145 = tpu.memref_squeeze %dma_wait3A_144 : memref<1x40x128xf32, #tpu.memory_space<vmem>> -> memref<40x128xf32, #tpu.memory_space<vmem>>
      %dma_wait3A_146 = arith.constant 0 : i32
      %dma_wait3A_147 = tpu.memref_slice %arg2[%add3A_34, %dma_wait3A_146] : memref<160000x128xf32, #tpu.memory_space<hbm>> -> memref<40x128xf32, #tpu.memory_space<hbm>>
      tpu.wait_dma2 semaphore(%arg9 : memref<!tpu.dma_semaphore, #tpu.memory_space<semaphore_mem>>) src(%dma_wait3A_147 : memref<40x128xf32, #tpu.memory_space<hbm>>) dst(%dma_wait3A_145 : memref<40x128xf32, #tpu.memory_space<vmem>>)
      %run_scoped3A = arith.constant 0 : i32
      %run_scoped3A_148 = arith.constant 0 : i32
      "tpu.region"() ({
        %run_scoped3A_209 = tpu.sem_alloc : memref<!tpu.dma_semaphore, #tpu.memory_space<semaphore_mem>>
        %dma_start3A_210 = arith.constant 0 : i32
        %dma_start3A_211 = arith.constant 0 : i32
        %dma_start3A_212 = tpu.memref_slice %arg7[%run_scoped3A, %dma_start3A_210, %dma_start3A_211] : memref<5x40x128xf32, #tpu.memory_space<vmem>> -> memref<1x40x128xf32, #tpu.memory_space<vmem>>
        %dma_start3A_213 = tpu.memref_squeeze %dma_start3A_212 : memref<1x40x128xf32, #tpu.memory_space<vmem>> -> memref<40x128xf32, #tpu.memory_space<vmem>>
        %dma_start3A_214 = arith.constant 0 : i32
        %dma_start3A_215 = tpu.memref_slice %arg6[%run_scoped3A_148, %dma_start3A_214] : memref<5x40xi32, #tpu.memory_space<vmem>> -> memref<1x40xi32, #tpu.memory_space<vmem>>
        %dma_start3A_216 = tpu.memref_squeeze %dma_start3A_215 : memref<1x40xi32, #tpu.memory_space<vmem>> -> memref<40xi32, #tpu.memory_space<vmem>>
        %dma_start3A_217 = arith.constant 0 : i32
        %dma_start3A_218 = arith.constant 0 : i32
        %dma_start3A_219 = tpu.memref_slice %arg8[%dma_start3A_217, %dma_start3A_218] : memref<10240x128xf32, #tpu.memory_space<vmem_shared>> -> memref<10240x128xf32, #tpu.memory_space<vmem_shared>>
        tpu.enqueue_indirect_dma source(%dma_start3A_213 : memref<40x128xf32, #tpu.memory_space<vmem>>) target(%dma_start3A_219 : memref<10240x128xf32, #tpu.memory_space<vmem_shared>>) offsets(%dma_start3A_216 : memref<40xi32, #tpu.memory_space<vmem>>) semaphore(%run_scoped3A_209 : memref<!tpu.dma_semaphore, #tpu.memory_space<semaphore_mem>>) {add = true}
        %dma_wait3A_220 = arith.constant 0 : i32
        %dma_wait3A_221 = arith.constant 0 : i32
        %dma_wait3A_222 = tpu.memref_slice %arg7[%run_scoped3A, %dma_wait3A_220, %dma_wait3A_221] : memref<5x40x128xf32, #tpu.memory_space<vmem>> -> memref<1x40x128xf32, #tpu.memory_space<vmem>>
        %dma_wait3A_223 = tpu.memref_squeeze %dma_wait3A_222 : memref<1x40x128xf32, #tpu.memory_space<vmem>> -> memref<40x128xf32, #tpu.memory_space<vmem>>
        %dma_wait3A_224 = arith.constant 0 : i32
        %dma_wait3A_225 = tpu.memref_slice %arg6[%run_scoped3A_148, %dma_wait3A_224] : memref<5x40xi32, #tpu.memory_space<vmem>> -> memref<1x40xi32, #tpu.memory_space<vmem>>
        %dma_wait3A_226 = tpu.memref_squeeze %dma_wait3A_225 : memref<1x40xi32, #tpu.memory_space<vmem>> -> memref<40xi32, #tpu.memory_space<vmem>>
        %dma_wait3A_227 = arith.constant 0 : i32
        %dma_wait3A_228 = arith.constant 0 : i32
        %dma_wait3A_229 = tpu.memref_slice %arg8[%dma_wait3A_227, %dma_wait3A_228] : memref<10240x128xf32, #tpu.memory_space<vmem_shared>> -> memref<10240x128xf32, #tpu.memory_space<vmem_shared>>
        tpu.wait_indirect_dma semaphore(%run_scoped3A_209 : memref<!tpu.dma_semaphore, #tpu.memory_space<semaphore_mem>>) src(%dma_wait3A_223 : memref<40x128xf32, #tpu.memory_space<vmem>>) dst(%dma_wait3A_229 : memref<10240x128xf32, #tpu.memory_space<vmem_shared>>)
        tpu.yield
      }) : () -> ()
      %dma_wait3A_149 = arith.constant 1 : i32
      %dma_wait3A_150 = arith.constant 0 : i32
      %dma_wait3A_151 = arith.constant 0 : i32
      %dma_wait3A_152 = tpu.memref_slice %arg7[%dma_wait3A_149, %dma_wait3A_150, %dma_wait3A_151] : memref<5x40x128xf32, #tpu.memory_space<vmem>> -> memref<1x40x128xf32, #tpu.memory_space<vmem>>
      %dma_wait3A_153 = tpu.memref_squeeze %dma_wait3A_152 : memref<1x40x128xf32, #tpu.memory_space<vmem>> -> memref<40x128xf32, #tpu.memory_space<vmem>>
      %dma_wait3A_154 = arith.constant 0 : i32
      %dma_wait3A_155 = tpu.memref_slice %arg2[%add3A_54, %dma_wait3A_154] : memref<160000x128xf32, #tpu.memory_space<hbm>> -> memref<40x128xf32, #tpu.memory_space<hbm>>
      %dma_wait3A_156 = arith.constant 0 : i32
      %dma_wait3A_157 = arith.constant 0 : i32
      %dma_wait3A_158 = tpu.memref_slice %arg7[%dma_wait3A_149, %dma_wait3A_156, %dma_wait3A_157] : memref<5x40x128xf32, #tpu.memory_space<vmem>> -> memref<1x40x128xf32, #tpu.memory_space<vmem>>
      %dma_wait3A_159 = tpu.memref_squeeze %dma_wait3A_158 : memref<1x40x128xf32, #tpu.memory_space<vmem>> -> memref<40x128xf32, #tpu.memory_space<vmem>>
      %dma_wait3A_160 = arith.constant 0 : i32
      %dma_wait3A_161 = tpu.memref_slice %arg2[%add3A_54, %dma_wait3A_160] : memref<160000x128xf32, #tpu.memory_space<hbm>> -> memref<40x128xf32, #tpu.memory_space<hbm>>
      tpu.wait_dma2 semaphore(%arg9 : memref<!tpu.dma_semaphore, #tpu.memory_space<semaphore_mem>>) src(%dma_wait3A_161 : memref<40x128xf32, #tpu.memory_space<hbm>>) dst(%dma_wait3A_159 : memref<40x128xf32, #tpu.memory_space<vmem>>)
      %run_scoped3A_162 = arith.constant 1 : i32
      %run_scoped3A_163 = arith.constant 1 : i32
      "tpu.region"() ({
        %run_scoped3A_209 = tpu.sem_alloc : memref<!tpu.dma_semaphore, #tpu.memory_space<semaphore_mem>>
        %dma_start3A_210 = arith.constant 0 : i32
        %dma_start3A_211 = arith.constant 0 : i32
        %dma_start3A_212 = tpu.memref_slice %arg7[%run_scoped3A_162, %dma_start3A_210, %dma_start3A_211] : memref<5x40x128xf32, #tpu.memory_space<vmem>> -> memref<1x40x128xf32, #tpu.memory_space<vmem>>
        %dma_start3A_213 = tpu.memref_squeeze %dma_start3A_212 : memref<1x40x128xf32, #tpu.memory_space<vmem>> -> memref<40x128xf32, #tpu.memory_space<vmem>>
        %dma_start3A_214 = arith.constant 0 : i32
        %dma_start3A_215 = tpu.memref_slice %arg6[%run_scoped3A_163, %dma_start3A_214] : memref<5x40xi32, #tpu.memory_space<vmem>> -> memref<1x40xi32, #tpu.memory_space<vmem>>
        %dma_start3A_216 = tpu.memref_squeeze %dma_start3A_215 : memref<1x40xi32, #tpu.memory_space<vmem>> -> memref<40xi32, #tpu.memory_space<vmem>>
        %dma_start3A_217 = arith.constant 0 : i32
        %dma_start3A_218 = arith.constant 0 : i32
        %dma_start3A_219 = tpu.memref_slice %arg8[%dma_start3A_217, %dma_start3A_218] : memref<10240x128xf32, #tpu.memory_space<vmem_shared>> -> memref<10240x128xf32, #tpu.memory_space<vmem_shared>>
        tpu.enqueue_indirect_dma source(%dma_start3A_213 : memref<40x128xf32, #tpu.memory_space<vmem>>) target(%dma_start3A_219 : memref<10240x128xf32, #tpu.memory_space<vmem_shared>>) offsets(%dma_start3A_216 : memref<40xi32, #tpu.memory_space<vmem>>) semaphore(%run_scoped3A_209 : memref<!tpu.dma_semaphore, #tpu.memory_space<semaphore_mem>>) {add = true}
        %dma_wait3A_220 = arith.constant 0 : i32
        %dma_wait3A_221 = arith.constant 0 : i32
        %dma_wait3A_222 = tpu.memref_slice %arg7[%run_scoped3A_162, %dma_wait3A_220, %dma_wait3A_221] : memref<5x40x128xf32, #tpu.memory_space<vmem>> -> memref<1x40x128xf32, #tpu.memory_space<vmem>>
        %dma_wait3A_223 = tpu.memref_squeeze %dma_wait3A_222 : memref<1x40x128xf32, #tpu.memory_space<vmem>> -> memref<40x128xf32, #tpu.memory_space<vmem>>
        %dma_wait3A_224 = arith.constant 0 : i32
        %dma_wait3A_225 = tpu.memref_slice %arg6[%run_scoped3A_163, %dma_wait3A_224] : memref<5x40xi32, #tpu.memory_space<vmem>> -> memref<1x40xi32, #tpu.memory_space<vmem>>
        %dma_wait3A_226 = tpu.memref_squeeze %dma_wait3A_225 : memref<1x40xi32, #tpu.memory_space<vmem>> -> memref<40xi32, #tpu.memory_space<vmem>>
        %dma_wait3A_227 = arith.constant 0 : i32
        %dma_wait3A_228 = arith.constant 0 : i32
        %dma_wait3A_229 = tpu.memref_slice %arg8[%dma_wait3A_227, %dma_wait3A_228] : memref<10240x128xf32, #tpu.memory_space<vmem_shared>> -> memref<10240x128xf32, #tpu.memory_space<vmem_shared>>
        tpu.wait_indirect_dma semaphore(%run_scoped3A_209 : memref<!tpu.dma_semaphore, #tpu.memory_space<semaphore_mem>>) src(%dma_wait3A_223 : memref<40x128xf32, #tpu.memory_space<vmem>>) dst(%dma_wait3A_229 : memref<10240x128xf32, #tpu.memory_space<vmem_shared>>)
        tpu.yield
      }) : () -> ()
      %dma_wait3A_164 = arith.constant 2 : i32
      %dma_wait3A_165 = arith.constant 0 : i32
      %dma_wait3A_166 = arith.constant 0 : i32
      %dma_wait3A_167 = tpu.memref_slice %arg7[%dma_wait3A_164, %dma_wait3A_165, %dma_wait3A_166] : memref<5x40x128xf32, #tpu.memory_space<vmem>> -> memref<1x40x128xf32, #tpu.memory_space<vmem>>
      %dma_wait3A_168 = tpu.memref_squeeze %dma_wait3A_167 : memref<1x40x128xf32, #tpu.memory_space<vmem>> -> memref<40x128xf32, #tpu.memory_space<vmem>>
      %dma_wait3A_169 = arith.constant 0 : i32
      %dma_wait3A_170 = tpu.memref_slice %arg2[%add3A_74, %dma_wait3A_169] : memref<160000x128xf32, #tpu.memory_space<hbm>> -> memref<40x128xf32, #tpu.memory_space<hbm>>
      %dma_wait3A_171 = arith.constant 0 : i32
      %dma_wait3A_172 = arith.constant 0 : i32
      %dma_wait3A_173 = tpu.memref_slice %arg7[%dma_wait3A_164, %dma_wait3A_171, %dma_wait3A_172] : memref<5x40x128xf32, #tpu.memory_space<vmem>> -> memref<1x40x128xf32, #tpu.memory_space<vmem>>
      %dma_wait3A_174 = tpu.memref_squeeze %dma_wait3A_173 : memref<1x40x128xf32, #tpu.memory_space<vmem>> -> memref<40x128xf32, #tpu.memory_space<vmem>>
      %dma_wait3A_175 = arith.constant 0 : i32
      %dma_wait3A_176 = tpu.memref_slice %arg2[%add3A_74, %dma_wait3A_175] : memref<160000x128xf32, #tpu.memory_space<hbm>> -> memref<40x128xf32, #tpu.memory_space<hbm>>
      tpu.wait_dma2 semaphore(%arg9 : memref<!tpu.dma_semaphore, #tpu.memory_space<semaphore_mem>>) src(%dma_wait3A_176 : memref<40x128xf32, #tpu.memory_space<hbm>>) dst(%dma_wait3A_174 : memref<40x128xf32, #tpu.memory_space<vmem>>)
      %run_scoped3A_177 = arith.constant 2 : i32
      %run_scoped3A_178 = arith.constant 2 : i32
      "tpu.region"() ({
        %run_scoped3A_209 = tpu.sem_alloc : memref<!tpu.dma_semaphore, #tpu.memory_space<semaphore_mem>>
        %dma_start3A_210 = arith.constant 0 : i32
        %dma_start3A_211 = arith.constant 0 : i32
        %dma_start3A_212 = tpu.memref_slice %arg7[%run_scoped3A_177, %dma_start3A_210, %dma_start3A_211] : memref<5x40x128xf32, #tpu.memory_space<vmem>> -> memref<1x40x128xf32, #tpu.memory_space<vmem>>
        %dma_start3A_213 = tpu.memref_squeeze %dma_start3A_212 : memref<1x40x128xf32, #tpu.memory_space<vmem>> -> memref<40x128xf32, #tpu.memory_space<vmem>>
        %dma_start3A_214 = arith.constant 0 : i32
        %dma_start3A_215 = tpu.memref_slice %arg6[%run_scoped3A_178, %dma_start3A_214] : memref<5x40xi32, #tpu.memory_space<vmem>> -> memref<1x40xi32, #tpu.memory_space<vmem>>
        %dma_start3A_216 = tpu.memref_squeeze %dma_start3A_215 : memref<1x40xi32, #tpu.memory_space<vmem>> -> memref<40xi32, #tpu.memory_space<vmem>>
        %dma_start3A_217 = arith.constant 0 : i32
        %dma_start3A_218 = arith.constant 0 : i32
        %dma_start3A_219 = tpu.memref_slice %arg8[%dma_start3A_217, %dma_start3A_218] : memref<10240x128xf32, #tpu.memory_space<vmem_shared>> -> memref<10240x128xf32, #tpu.memory_space<vmem_shared>>
        tpu.enqueue_indirect_dma source(%dma_start3A_213 : memref<40x128xf32, #tpu.memory_space<vmem>>) target(%dma_start3A_219 : memref<10240x128xf32, #tpu.memory_space<vmem_shared>>) offsets(%dma_start3A_216 : memref<40xi32, #tpu.memory_space<vmem>>) semaphore(%run_scoped3A_209 : memref<!tpu.dma_semaphore, #tpu.memory_space<semaphore_mem>>) {add = true}
        %dma_wait3A_220 = arith.constant 0 : i32
        %dma_wait3A_221 = arith.constant 0 : i32
        %dma_wait3A_222 = tpu.memref_slice %arg7[%run_scoped3A_177, %dma_wait3A_220, %dma_wait3A_221] : memref<5x40x128xf32, #tpu.memory_space<vmem>> -> memref<1x40x128xf32, #tpu.memory_space<vmem>>
        %dma_wait3A_223 = tpu.memref_squeeze %dma_wait3A_222 : memref<1x40x128xf32, #tpu.memory_space<vmem>> -> memref<40x128xf32, #tpu.memory_space<vmem>>
        %dma_wait3A_224 = arith.constant 0 : i32
        %dma_wait3A_225 = tpu.memref_slice %arg6[%run_scoped3A_178, %dma_wait3A_224] : memref<5x40xi32, #tpu.memory_space<vmem>> -> memref<1x40xi32, #tpu.memory_space<vmem>>
        %dma_wait3A_226 = tpu.memref_squeeze %dma_wait3A_225 : memref<1x40xi32, #tpu.memory_space<vmem>> -> memref<40xi32, #tpu.memory_space<vmem>>
        %dma_wait3A_227 = arith.constant 0 : i32
        %dma_wait3A_228 = arith.constant 0 : i32
        %dma_wait3A_229 = tpu.memref_slice %arg8[%dma_wait3A_227, %dma_wait3A_228] : memref<10240x128xf32, #tpu.memory_space<vmem_shared>> -> memref<10240x128xf32, #tpu.memory_space<vmem_shared>>
        tpu.wait_indirect_dma semaphore(%run_scoped3A_209 : memref<!tpu.dma_semaphore, #tpu.memory_space<semaphore_mem>>) src(%dma_wait3A_223 : memref<40x128xf32, #tpu.memory_space<vmem>>) dst(%dma_wait3A_229 : memref<10240x128xf32, #tpu.memory_space<vmem_shared>>)
        tpu.yield
      }) : () -> ()
      %dma_wait3A_179 = arith.constant 3 : i32
      %dma_wait3A_180 = arith.constant 0 : i32
      %dma_wait3A_181 = arith.constant 0 : i32
      %dma_wait3A_182 = tpu.memref_slice %arg7[%dma_wait3A_179, %dma_wait3A_180, %dma_wait3A_181] : memref<5x40x128xf32, #tpu.memory_space<vmem>> -> memref<1x40x128xf32, #tpu.memory_space<vmem>>
      %dma_wait3A_183 = tpu.memref_squeeze %dma_wait3A_182 : memref<1x40x128xf32, #tpu.memory_space<vmem>> -> memref<40x128xf32, #tpu.memory_space<vmem>>
      %dma_wait3A_184 = arith.constant 0 : i32
      %dma_wait3A_185 = tpu.memref_slice %arg2[%add3A_94, %dma_wait3A_184] : memref<160000x128xf32, #tpu.memory_space<hbm>> -> memref<40x128xf32, #tpu.memory_space<hbm>>
      %dma_wait3A_186 = arith.constant 0 : i32
      %dma_wait3A_187 = arith.constant 0 : i32
      %dma_wait3A_188 = tpu.memref_slice %arg7[%dma_wait3A_179, %dma_wait3A_186, %dma_wait3A_187] : memref<5x40x128xf32, #tpu.memory_space<vmem>> -> memref<1x40x128xf32, #tpu.memory_space<vmem>>
      %dma_wait3A_189 = tpu.memref_squeeze %dma_wait3A_188 : memref<1x40x128xf32, #tpu.memory_space<vmem>> -> memref<40x128xf32, #tpu.memory_space<vmem>>
      %dma_wait3A_190 = arith.constant 0 : i32
      %dma_wait3A_191 = tpu.memref_slice %arg2[%add3A_94, %dma_wait3A_190] : memref<160000x128xf32, #tpu.memory_space<hbm>> -> memref<40x128xf32, #tpu.memory_space<hbm>>
      tpu.wait_dma2 semaphore(%arg9 : memref<!tpu.dma_semaphore, #tpu.memory_space<semaphore_mem>>) src(%dma_wait3A_191 : memref<40x128xf32, #tpu.memory_space<hbm>>) dst(%dma_wait3A_189 : memref<40x128xf32, #tpu.memory_space<vmem>>)
      %run_scoped3A_192 = arith.constant 3 : i32
      %run_scoped3A_193 = arith.constant 3 : i32
      "tpu.region"() ({
        %run_scoped3A_209 = tpu.sem_alloc : memref<!tpu.dma_semaphore, #tpu.memory_space<semaphore_mem>>
        %dma_start3A_210 = arith.constant 0 : i32
        %dma_start3A_211 = arith.constant 0 : i32
        %dma_start3A_212 = tpu.memref_slice %arg7[%run_scoped3A_192, %dma_start3A_210, %dma_start3A_211] : memref<5x40x128xf32, #tpu.memory_space<vmem>> -> memref<1x40x128xf32, #tpu.memory_space<vmem>>
        %dma_start3A_213 = tpu.memref_squeeze %dma_start3A_212 : memref<1x40x128xf32, #tpu.memory_space<vmem>> -> memref<40x128xf32, #tpu.memory_space<vmem>>
        %dma_start3A_214 = arith.constant 0 : i32
        %dma_start3A_215 = tpu.memref_slice %arg6[%run_scoped3A_193, %dma_start3A_214] : memref<5x40xi32, #tpu.memory_space<vmem>> -> memref<1x40xi32, #tpu.memory_space<vmem>>
        %dma_start3A_216 = tpu.memref_squeeze %dma_start3A_215 : memref<1x40xi32, #tpu.memory_space<vmem>> -> memref<40xi32, #tpu.memory_space<vmem>>
        %dma_start3A_217 = arith.constant 0 : i32
        %dma_start3A_218 = arith.constant 0 : i32
        %dma_start3A_219 = tpu.memref_slice %arg8[%dma_start3A_217, %dma_start3A_218] : memref<10240x128xf32, #tpu.memory_space<vmem_shared>> -> memref<10240x128xf32, #tpu.memory_space<vmem_shared>>
        tpu.enqueue_indirect_dma source(%dma_start3A_213 : memref<40x128xf32, #tpu.memory_space<vmem>>) target(%dma_start3A_219 : memref<10240x128xf32, #tpu.memory_space<vmem_shared>>) offsets(%dma_start3A_216 : memref<40xi32, #tpu.memory_space<vmem>>) semaphore(%run_scoped3A_209 : memref<!tpu.dma_semaphore, #tpu.memory_space<semaphore_mem>>) {add = true}
        %dma_wait3A_220 = arith.constant 0 : i32
        %dma_wait3A_221 = arith.constant 0 : i32
        %dma_wait3A_222 = tpu.memref_slice %arg7[%run_scoped3A_192, %dma_wait3A_220, %dma_wait3A_221] : memref<5x40x128xf32, #tpu.memory_space<vmem>> -> memref<1x40x128xf32, #tpu.memory_space<vmem>>
        %dma_wait3A_223 = tpu.memref_squeeze %dma_wait3A_222 : memref<1x40x128xf32, #tpu.memory_space<vmem>> -> memref<40x128xf32, #tpu.memory_space<vmem>>
        %dma_wait3A_224 = arith.constant 0 : i32
        %dma_wait3A_225 = tpu.memref_slice %arg6[%run_scoped3A_193, %dma_wait3A_224] : memref<5x40xi32, #tpu.memory_space<vmem>> -> memref<1x40xi32, #tpu.memory_space<vmem>>
        %dma_wait3A_226 = tpu.memref_squeeze %dma_wait3A_225 : memref<1x40xi32, #tpu.memory_space<vmem>> -> memref<40xi32, #tpu.memory_space<vmem>>
        %dma_wait3A_227 = arith.constant 0 : i32
        %dma_wait3A_228 = arith.constant 0 : i32
        %dma_wait3A_229 = tpu.memref_slice %arg8[%dma_wait3A_227, %dma_wait3A_228] : memref<10240x128xf32, #tpu.memory_space<vmem_shared>> -> memref<10240x128xf32, #tpu.memory_space<vmem_shared>>
        tpu.wait_indirect_dma semaphore(%run_scoped3A_209 : memref<!tpu.dma_semaphore, #tpu.memory_space<semaphore_mem>>) src(%dma_wait3A_223 : memref<40x128xf32, #tpu.memory_space<vmem>>) dst(%dma_wait3A_229 : memref<10240x128xf32, #tpu.memory_space<vmem_shared>>)
        tpu.yield
      }) : () -> ()
      %dma_wait3A_194 = arith.constant 4 : i32
      %dma_wait3A_195 = arith.constant 0 : i32
      %dma_wait3A_196 = arith.constant 0 : i32
      %dma_wait3A_197 = tpu.memref_slice %arg7[%dma_wait3A_194, %dma_wait3A_195, %dma_wait3A_196] : memref<5x40x128xf32, #tpu.memory_space<vmem>> -> memref<1x40x128xf32, #tpu.memory_space<vmem>>
      %dma_wait3A_198 = tpu.memref_squeeze %dma_wait3A_197 : memref<1x40x128xf32, #tpu.memory_space<vmem>> -> memref<40x128xf32, #tpu.memory_space<vmem>>
      %dma_wait3A_199 = arith.constant 0 : i32
      %dma_wait3A_200 = tpu.memref_slice %arg2[%add3A_114, %dma_wait3A_199] : memref<160000x128xf32, #tpu.memory_space<hbm>> -> memref<40x128xf32, #tpu.memory_space<hbm>>
      %dma_wait3A_201 = arith.constant 0 : i32
      %dma_wait3A_202 = arith.constant 0 : i32
      %dma_wait3A_203 = tpu.memref_slice %arg7[%dma_wait3A_194, %dma_wait3A_201, %dma_wait3A_202] : memref<5x40x128xf32, #tpu.memory_space<vmem>> -> memref<1x40x128xf32, #tpu.memory_space<vmem>>
      %dma_wait3A_204 = tpu.memref_squeeze %dma_wait3A_203 : memref<1x40x128xf32, #tpu.memory_space<vmem>> -> memref<40x128xf32, #tpu.memory_space<vmem>>
      %dma_wait3A_205 = arith.constant 0 : i32
      %dma_wait3A_206 = tpu.memref_slice %arg2[%add3A_114, %dma_wait3A_205] : memref<160000x128xf32, #tpu.memory_space<hbm>> -> memref<40x128xf32, #tpu.memory_space<hbm>>
      tpu.wait_dma2 semaphore(%arg9 : memref<!tpu.dma_semaphore, #tpu.memory_space<semaphore_mem>>) src(%dma_wait3A_206 : memref<40x128xf32, #tpu.memory_space<hbm>>) dst(%dma_wait3A_204 : memref<40x128xf32, #tpu.memory_space<vmem>>)
      %run_scoped3A_207 = arith.constant 4 : i32
      %run_scoped3A_208 = arith.constant 4 : i32
      "tpu.region"() ({
        %run_scoped3A_209 = tpu.sem_alloc : memref<!tpu.dma_semaphore, #tpu.memory_space<semaphore_mem>>
        %dma_start3A_210 = arith.constant 0 : i32
        %dma_start3A_211 = arith.constant 0 : i32
        %dma_start3A_212 = tpu.memref_slice %arg7[%run_scoped3A_207, %dma_start3A_210, %dma_start3A_211] : memref<5x40x128xf32, #tpu.memory_space<vmem>> -> memref<1x40x128xf32, #tpu.memory_space<vmem>>
        %dma_start3A_213 = tpu.memref_squeeze %dma_start3A_212 : memref<1x40x128xf32, #tpu.memory_space<vmem>> -> memref<40x128xf32, #tpu.memory_space<vmem>>
        %dma_start3A_214 = arith.constant 0 : i32
        %dma_start3A_215 = tpu.memref_slice %arg6[%run_scoped3A_208, %dma_start3A_214] : memref<5x40xi32, #tpu.memory_space<vmem>> -> memref<1x40xi32, #tpu.memory_space<vmem>>
        %dma_start3A_216 = tpu.memref_squeeze %dma_start3A_215 : memref<1x40xi32, #tpu.memory_space<vmem>> -> memref<40xi32, #tpu.memory_space<vmem>>
        %dma_start3A_217 = arith.constant 0 : i32
        %dma_start3A_218 = arith.constant 0 : i32
        %dma_start3A_219 = tpu.memref_slice %arg8[%dma_start3A_217, %dma_start3A_218] : memref<10240x128xf32, #tpu.memory_space<vmem_shared>> -> memref<10240x128xf32, #tpu.memory_space<vmem_shared>>
        tpu.enqueue_indirect_dma source(%dma_start3A_213 : memref<40x128xf32, #tpu.memory_space<vmem>>) target(%dma_start3A_219 : memref<10240x128xf32, #tpu.memory_space<vmem_shared>>) offsets(%dma_start3A_216 : memref<40xi32, #tpu.memory_space<vmem>>) semaphore(%run_scoped3A_209 : memref<!tpu.dma_semaphore, #tpu.memory_space<semaphore_mem>>) {add = true}
        %dma_wait3A_220 = arith.constant 0 : i32
        %dma_wait3A_221 = arith.constant 0 : i32
        %dma_wait3A_222 = tpu.memref_slice %arg7[%run_scoped3A_207, %dma_wait3A_220, %dma_wait3A_221] : memref<5x40x128xf32, #tpu.memory_space<vmem>> -> memref<1x40x128xf32, #tpu.memory_space<vmem>>
        %dma_wait3A_223 = tpu.memref_squeeze %dma_wait3A_222 : memref<1x40x128xf32, #tpu.memory_space<vmem>> -> memref<40x128xf32, #tpu.memory_space<vmem>>
        %dma_wait3A_224 = arith.constant 0 : i32
        %dma_wait3A_225 = tpu.memref_slice %arg6[%run_scoped3A_208, %dma_wait3A_224] : memref<5x40xi32, #tpu.memory_space<vmem>> -> memref<1x40xi32, #tpu.memory_space<vmem>>
        %dma_wait3A_226 = tpu.memref_squeeze %dma_wait3A_225 : memref<1x40xi32, #tpu.memory_space<vmem>> -> memref<40xi32, #tpu.memory_space<vmem>>
        %dma_wait3A_227 = arith.constant 0 : i32
        %dma_wait3A_228 = arith.constant 0 : i32
        %dma_wait3A_229 = tpu.memref_slice %arg8[%dma_wait3A_227, %dma_wait3A_228] : memref<10240x128xf32, #tpu.memory_space<vmem_shared>> -> memref<10240x128xf32, #tpu.memory_space<vmem_shared>>
        tpu.wait_indirect_dma semaphore(%run_scoped3A_209 : memref<!tpu.dma_semaphore, #tpu.memory_space<semaphore_mem>>) src(%dma_wait3A_223 : memref<40x128xf32, #tpu.memory_space<vmem>>) dst(%dma_wait3A_229 : memref<10240x128xf32, #tpu.memory_space<vmem_shared>>)
        tpu.yield
      }) : () -> ()
    }
    %scan3A_9 = arith.constant 25 : i32
    %barrier3A_10 = arith.constant 0 : index
    tpu.barrier barrier_id(%barrier3A_10)
    %mul3A_11 = arith.constant 640 : i32
    %mul3A_12 = arith.muli %arg1, %mul3A_11 : i32
    %mul3A_13 = arith.constant 10240 : i32
    %mul3A_14 = arith.muli %arg0, %mul3A_13 : i32
    %mul3A_15 = arith.constant 640 : i32
    %mul3A_16 = arith.muli %arg1, %mul3A_15 : i32
    %add3A_17 = arith.addi %mul3A_14, %mul3A_16 : i32
    "tpu.region"() ({
      %run_scoped3A = tpu.sem_alloc : memref<!tpu.dma_semaphore, #tpu.memory_space<semaphore_mem>>
      %dma_start3A = arith.constant 0 : i32
      %dma_start3A_18 = tpu.memref_slice %arg5[%add3A_17, %dma_start3A] : memref<20480x128xf32, #tpu.memory_space<hbm>> -> memref<640x128xf32, #tpu.memory_space<hbm>>
      %dma_start3A_19 = arith.constant 0 : i32
      %dma_start3A_20 = tpu.memref_slice %arg8[%mul3A_12, %dma_start3A_19] : memref<10240x128xf32, #tpu.memory_space<vmem_shared>> -> memref<640x128xf32, #tpu.memory_space<vmem_shared>>
      tpu.enqueue_dma source(%dma_start3A_20 : memref<640x128xf32, #tpu.memory_space<vmem_shared>>) target(%dma_start3A_18 : memref<640x128xf32, #tpu.memory_space<hbm>>) target_semaphore(%run_scoped3A : memref<!tpu.dma_semaphore, #tpu.memory_space<semaphore_mem>>)
      %dma_wait3A = arith.constant 0 : i32
      %dma_wait3A_21 = tpu.memref_slice %arg5[%add3A_17, %dma_wait3A] : memref<20480x128xf32, #tpu.memory_space<hbm>> -> memref<640x128xf32, #tpu.memory_space<hbm>>
      %dma_wait3A_22 = arith.constant 0 : i32
      %dma_wait3A_23 = tpu.memref_slice %arg8[%mul3A_12, %dma_wait3A_22] : memref<10240x128xf32, #tpu.memory_space<vmem_shared>> -> memref<640x128xf32, #tpu.memory_space<vmem_shared>>
      tpu.wait_dma2 semaphore(%run_scoped3A : memref<!tpu.dma_semaphore, #tpu.memory_space<semaphore_mem>>) src(%dma_wait3A_23 : memref<640x128xf32, #tpu.memory_space<vmem_shared>>) dst(%dma_wait3A_21 : memref<640x128xf32, #tpu.memory_space<hbm>>)
      tpu.yield
    }) : () -> ()
    return
  }
}

module attributes {stable_mosaic.version = 14 : i64} {
  func.func @_node_pre_body(%arg0: i32, %arg1: memref<2000x128xf32, #tpu.memory_space<vmem>>, %arg2: memref<2000x1xf32, #tpu.memory_space<vmem>>, %arg3: memref<128x128xf32, #tpu.memory_space<vmem>>, %arg4: memref<1x128xf32, #tpu.memory_space<vmem>>, %arg5: memref<128x128xf32, #tpu.memory_space<vmem>>, %arg6: memref<1x128xf32, #tpu.memory_space<vmem>>, %arg7: memref<128x128xf32, #tpu.memory_space<vmem>>, %arg8: memref<1x128xf32, #tpu.memory_space<vmem>>, %arg9: memref<2000x128xf32, #tpu.memory_space<vmem>>) attributes {dimension_semantics = [#tpu.dimension_semantics<arbitrary>], iteration_bounds = array<i64: 5>, scalar_prefetch = 0 : i64, scratch_operands = 0 : i64, tpu.core_type = #tpu.core_type<tc>, window_params = [{transform_indices = @transform_0, window_bounds = array<i64: 2000, 128>}, {transform_indices = @transform_1, window_bounds = array<i64: 2000, 1>}, {pipeline_mode = #tpu.pipeline_mode<synchronous>, transform_indices = @transform_2, window_bounds = array<i64: 128, 128>}, {pipeline_mode = #tpu.pipeline_mode<synchronous>, transform_indices = @transform_3, window_bounds = array<i64: 1, 128>}, {pipeline_mode = #tpu.pipeline_mode<synchronous>, transform_indices = @transform_4, window_bounds = array<i64: 128, 128>}, {pipeline_mode = #tpu.pipeline_mode<synchronous>, transform_indices = @transform_5, window_bounds = array<i64: 1, 128>}, {pipeline_mode = #tpu.pipeline_mode<synchronous>, transform_indices = @transform_6, window_bounds = array<i64: 128, 128>}, {pipeline_mode = #tpu.pipeline_mode<synchronous>, transform_indices = @transform_7, window_bounds = array<i64: 1, 128>}, {transform_indices = @transform_8, window_bounds = array<i64: 2000, 128>}]} {
    %get3A = arith.constant 0 : index
    %get3A_0 = arith.constant 0 : index
    %get3A_1 = vector.load %arg1[%get3A, %get3A_0] : memref<2000x128xf32, #tpu.memory_space<vmem>>, vector<2000x128xf32>
    %get3A_2 = arith.constant 0 : index
    %get3A_3 = arith.constant 0 : index
    %get3A_4 = vector.load %arg3[%get3A_2, %get3A_3] : memref<128x128xf32, #tpu.memory_space<vmem>>, vector<128x128xf32>
    %dot_general3A = arith.constant dense<0.000000e+00> : vector<2000x128xf32>
    %dot_general3A_5 = tpu.matmul %get3A_1, %get3A_4, %dot_general3A {dimension_numbers = #tpu.dot_dimension_numbers<[1], [0], [0], [1], [0, 0, 1, 1], [], []>, transpose_lhs_hint = false} : vector<2000x128xf32>, vector<128x128xf32>, vector<2000x128xf32> -> vector<2000x128xf32>
    %get3A_6 = arith.constant 0 : index
    %get3A_7 = arith.constant 0 : index
    %get3A_8 = vector.load %arg4[%get3A_6, %get3A_7] : memref<1x128xf32, #tpu.memory_space<vmem>>, vector<1x128xf32>
    %add3A = vector.broadcast %get3A_8 : vector<1x128xf32> to vector<2000x128xf32>
    %add3A_9 = arith.addf %dot_general3A_5, %add3A : vector<2000x128xf32>
    %max3A = arith.constant 0.000000e+00 : f32
    %max3A_10 = vector.broadcast %max3A : f32 to vector<2000x128xf32>
    %max3A_11 = arith.maximumf %add3A_9, %max3A_10 : vector<2000x128xf32>
    %get3A_12 = arith.constant 0 : index
    %get3A_13 = arith.constant 0 : index
    %get3A_14 = vector.load %arg5[%get3A_12, %get3A_13] : memref<128x128xf32, #tpu.memory_space<vmem>>, vector<128x128xf32>
    %dot_general3A_15 = arith.constant dense<0.000000e+00> : vector<2000x128xf32>
    %dot_general3A_16 = tpu.matmul %max3A_11, %get3A_14, %dot_general3A_15 {dimension_numbers = #tpu.dot_dimension_numbers<[1], [0], [0], [1], [0, 0, 1, 1], [], []>, transpose_lhs_hint = false} : vector<2000x128xf32>, vector<128x128xf32>, vector<2000x128xf32> -> vector<2000x128xf32>
    %get3A_17 = arith.constant 0 : index
    %get3A_18 = arith.constant 0 : index
    %get3A_19 = vector.load %arg6[%get3A_17, %get3A_18] : memref<1x128xf32, #tpu.memory_space<vmem>>, vector<1x128xf32>
    %add3A_20 = vector.broadcast %get3A_19 : vector<1x128xf32> to vector<2000x128xf32>
    %add3A_21 = arith.addf %dot_general3A_16, %add3A_20 : vector<2000x128xf32>
    %get3A_22 = arith.constant 0 : index
    %get3A_23 = arith.constant 0 : index
    %get3A_24 = vector.load %arg7[%get3A_22, %get3A_23] : memref<128x128xf32, #tpu.memory_space<vmem>>, vector<128x128xf32>
    %dot_general3A_25 = arith.constant dense<0.000000e+00> : vector<2000x128xf32>
    %dot_general3A_26 = tpu.matmul %get3A_1, %get3A_24, %dot_general3A_25 {dimension_numbers = #tpu.dot_dimension_numbers<[1], [0], [0], [1], [0, 0, 1, 1], [], []>, transpose_lhs_hint = false} : vector<2000x128xf32>, vector<128x128xf32>, vector<2000x128xf32> -> vector<2000x128xf32>
    %get3A_27 = arith.constant 0 : index
    %get3A_28 = arith.constant 0 : index
    %get3A_29 = vector.load %arg2[%get3A_27, %get3A_28] : memref<2000x1xf32, #tpu.memory_space<vmem>>, vector<2000x1xf32>
    %get3A_30 = arith.constant 0 : index
    %get3A_31 = arith.constant 0 : index
    %get3A_32 = vector.load %arg8[%get3A_30, %get3A_31] : memref<1x128xf32, #tpu.memory_space<vmem>>, vector<1x128xf32>
    %mul3A = vector.broadcast %get3A_29 : vector<2000x1xf32> to vector<2000x128xf32>
    %mul3A_33 = vector.broadcast %get3A_32 : vector<1x128xf32> to vector<2000x128xf32>
    %mul3A_34 = arith.mulf %mul3A, %mul3A_33 : vector<2000x128xf32>
    %add3A_35 = arith.addf %dot_general3A_26, %mul3A_34 : vector<2000x128xf32>
    %bitcast_convert_type3A = tpu.bitcast %add3A_21 : vector<2000x128xf32> -> vector<2000x128xi32>
    %bitcast_convert_type3A_36 = tpu.bitcast %add3A_35 : vector<2000x128xf32> -> vector<2000x128xi32>
    %add3A_37 = arith.constant 32767 : i32
    %add3A_38 = vector.broadcast %add3A_37 : i32 to vector<2000x128xi32>
    %add3A_39 = arith.addi %bitcast_convert_type3A, %add3A_38 : vector<2000x128xi32>
    %shift_right_logical3A = arith.constant 16 : i32
    %shift_right_logical3A_40 = vector.broadcast %shift_right_logical3A : i32 to vector<2000x128xi32>
    %shift_right_logical3A_41 = arith.shrui %bitcast_convert_type3A, %shift_right_logical3A_40 : vector<2000x128xi32>
    %and3A = arith.constant 1 : i32
    %and3A_42 = vector.broadcast %and3A : i32 to vector<2000x128xi32>
    %and3A_43 = arith.andi %shift_right_logical3A_41, %and3A_42 : vector<2000x128xi32>
    %add3A_44 = arith.addi %add3A_39, %and3A_43 : vector<2000x128xi32>
    %shift_right_logical3A_45 = arith.constant 16 : i32
    %shift_right_logical3A_46 = vector.broadcast %shift_right_logical3A_45 : i32 to vector<2000x128xi32>
    %shift_right_logical3A_47 = arith.shrui %add3A_44, %shift_right_logical3A_46 : vector<2000x128xi32>
    %add3A_48 = arith.constant 32767 : i32
    %add3A_49 = vector.broadcast %add3A_48 : i32 to vector<2000x128xi32>
    %add3A_50 = arith.addi %bitcast_convert_type3A_36, %add3A_49 : vector<2000x128xi32>
    %shift_right_logical3A_51 = arith.constant 16 : i32
    %shift_right_logical3A_52 = vector.broadcast %shift_right_logical3A_51 : i32 to vector<2000x128xi32>
    %shift_right_logical3A_53 = arith.shrui %bitcast_convert_type3A_36, %shift_right_logical3A_52 : vector<2000x128xi32>
    %and3A_54 = arith.constant 1 : i32
    %and3A_55 = vector.broadcast %and3A_54 : i32 to vector<2000x128xi32>
    %and3A_56 = arith.andi %shift_right_logical3A_53, %and3A_55 : vector<2000x128xi32>
    %add3A_57 = arith.addi %add3A_50, %and3A_56 : vector<2000x128xi32>
    %shift_right_logical3A_58 = arith.constant 16 : i32
    %shift_right_logical3A_59 = vector.broadcast %shift_right_logical3A_58 : i32 to vector<2000x128xi32>
    %shift_right_logical3A_60 = arith.shrui %add3A_57, %shift_right_logical3A_59 : vector<2000x128xi32>
    %shift_left3A = arith.constant 16 : i32
    %shift_left3A_61 = vector.broadcast %shift_left3A : i32 to vector<2000x128xi32>
    %shift_left3A_62 = arith.shli %shift_right_logical3A_60, %shift_left3A_61 : vector<2000x128xi32>
    %or3A = arith.ori %shift_right_logical3A_47, %shift_left3A_62 : vector<2000x128xi32>
    %bitcast_convert_type3A_63 = tpu.bitcast %or3A : vector<2000x128xi32> -> vector<2000x128xf32>
    %swap3A = arith.constant 0 : index
    %swap3A_64 = arith.constant 0 : index
    %swap3A_65 = vector.load %arg9[%swap3A, %swap3A_64] : memref<2000x128xf32, #tpu.memory_space<vmem>>, vector<2000x128xf32>
    tpu.vector_store %arg9[%swap3A, %swap3A_64], %bitcast_convert_type3A_63 {strides = array<i32>} : memref<2000x128xf32, #tpu.memory_space<vmem>>, vector<2000x128xf32>,
    return
  }
  func.func @transform_0(%arg0: i32) -> (i32, i32) {
    %c0_i32 = arith.constant 0 : i32
    %c0_i32_0 = arith.constant 0 : i32
    return %arg0, %c0_i32 : i32, i32
  }
  func.func @transform_1(%arg0: i32) -> (i32, i32) {
    %c0_i32 = arith.constant 0 : i32
    %c0_i32_0 = arith.constant 0 : i32
    return %arg0, %c0_i32 : i32, i32
  }
  func.func @transform_2(%arg0: i32) -> (i32, i32) {
    %c0_i32 = arith.constant 0 : i32
    %c0_i32_0 = arith.constant 0 : i32
    %c0_i32_1 = arith.constant 0 : i32
    return %c0_i32, %c0_i32_0 : i32, i32
  }
  func.func @transform_3(%arg0: i32) -> (i32, i32) {
    %c0_i32 = arith.constant 0 : i32
    %c0_i32_0 = arith.constant 0 : i32
    %c0_i32_1 = arith.constant 0 : i32
    return %c0_i32, %c0_i32_0 : i32, i32
  }
  func.func @transform_4(%arg0: i32) -> (i32, i32) {
    %c0_i32 = arith.constant 0 : i32
    %c0_i32_0 = arith.constant 0 : i32
    %c0_i32_1 = arith.constant 0 : i32
    return %c0_i32, %c0_i32_0 : i32, i32
  }
  func.func @transform_5(%arg0: i32) -> (i32, i32) {
    %c0_i32 = arith.constant 0 : i32
    %c0_i32_0 = arith.constant 0 : i32
    %c0_i32_1 = arith.constant 0 : i32
    return %c0_i32, %c0_i32_0 : i32, i32
  }
  func.func @transform_6(%arg0: i32) -> (i32, i32) {
    %c0_i32 = arith.constant 0 : i32
    %c0_i32_0 = arith.constant 0 : i32
    %c0_i32_1 = arith.constant 0 : i32
    return %c0_i32, %c0_i32_0 : i32, i32
  }
  func.func @transform_7(%arg0: i32) -> (i32, i32) {
    %c0_i32 = arith.constant 0 : i32
    %c0_i32_0 = arith.constant 0 : i32
    %c0_i32_1 = arith.constant 0 : i32
    return %c0_i32, %c0_i32_0 : i32, i32
  }
  func.func @transform_8(%arg0: i32) -> (i32, i32) {
    %c0_i32 = arith.constant 0 : i32
    %c0_i32_0 = arith.constant 0 : i32
    return %arg0, %c0_i32 : i32, i32
  }
}

module attributes {stable_mosaic.version = 14 : i64} {
  func.func @_edge_body(%arg0: i32, %arg1: memref<1000x128xf32, #tpu.memory_space<vmem>>, %arg2: memref<8000x128xf32, #tpu.memory_space<vmem>>, %arg3: memref<128x1024xf32, #tpu.memory_space<vmem>>, %arg4: memref<1x128xf32, #tpu.memory_space<vmem>>, %arg5: memref<128x128xf32, #tpu.memory_space<vmem>>, %arg6: memref<1x128xf32, #tpu.memory_space<vmem>>, %arg7: memref<128x1024xf32, #tpu.memory_space<vmem>>, %arg8: memref<1x128xf32, #tpu.memory_space<vmem>>, %arg9: memref<128x128xf32, #tpu.memory_space<vmem>>, %arg10: memref<1x128xf32, #tpu.memory_space<vmem>>, %arg11: memref<128x128xf32, #tpu.memory_space<vmem>>, %arg12: memref<1x128xf32, #tpu.memory_space<vmem>>, %arg13: memref<8000x128xf32, #tpu.memory_space<vmem>>) attributes {dimension_semantics = [#tpu.dimension_semantics<arbitrary>], iteration_bounds = array<i64: 20>, scalar_prefetch = 0 : i64, scratch_operands = 0 : i64, tpu.core_type = #tpu.core_type<tc>, window_params = [{transform_indices = @transform_0, window_bounds = array<i64: 1000, 128>}, {transform_indices = @transform_1, window_bounds = array<i64: 8000, 128>}, {pipeline_mode = #tpu.pipeline_mode<synchronous>, transform_indices = @transform_2, window_bounds = array<i64: 128, 1024>}, {pipeline_mode = #tpu.pipeline_mode<synchronous>, transform_indices = @transform_3, window_bounds = array<i64: 1, 128>}, {pipeline_mode = #tpu.pipeline_mode<synchronous>, transform_indices = @transform_4, window_bounds = array<i64: 128, 128>}, {pipeline_mode = #tpu.pipeline_mode<synchronous>, transform_indices = @transform_5, window_bounds = array<i64: 1, 128>}, {pipeline_mode = #tpu.pipeline_mode<synchronous>, transform_indices = @transform_6, window_bounds = array<i64: 128, 1024>}, {pipeline_mode = #tpu.pipeline_mode<synchronous>, transform_indices = @transform_7, window_bounds = array<i64: 1, 128>}, {pipeline_mode = #tpu.pipeline_mode<synchronous>, transform_indices = @transform_8, window_bounds = array<i64: 128, 128>}, {pipeline_mode = #tpu.pipeline_mode<synchronous>, transform_indices = @transform_9, window_bounds = array<i64: 1, 128>}, {pipeline_mode = #tpu.pipeline_mode<synchronous>, transform_indices = @transform_10, window_bounds = array<i64: 128, 128>}, {pipeline_mode = #tpu.pipeline_mode<synchronous>, transform_indices = @transform_11, window_bounds = array<i64: 1, 128>}, {transform_indices = @transform_12, window_bounds = array<i64: 8000, 128>}]} {
    %get3A = arith.constant 0 : index
    %get3A_0 = arith.constant 0 : index
    %get3A_1 = vector.load %arg1[%get3A, %get3A_0] : memref<1000x128xf32, #tpu.memory_space<vmem>>, vector<1000x128xf32>
    %get3A_2 = arith.constant 0 : index
    %get3A_3 = arith.constant 0 : index
    %get3A_4 = vector.load %arg2[%get3A_2, %get3A_3] : memref<8000x128xf32, #tpu.memory_space<vmem>>, vector<8000x128xf32>
    %bitcast_convert_type3A = tpu.bitcast %get3A_4 : vector<8000x128xf32> -> vector<8000x128xi32>
    %shift_left3A = arith.constant 16 : i32
    %shift_left3A_5 = vector.broadcast %shift_left3A : i32 to vector<8000x128xi32>
    %shift_left3A_6 = arith.shli %bitcast_convert_type3A, %shift_left3A_5 : vector<8000x128xi32>
    %bitcast_convert_type3A_7 = tpu.bitcast %shift_left3A_6 : vector<8000x128xi32> -> vector<8000x128xf32>
    %and3A = arith.constant -65536 : i32
    %and3A_8 = vector.broadcast %and3A : i32 to vector<8000x128xi32>
    %and3A_9 = arith.andi %bitcast_convert_type3A, %and3A_8 : vector<8000x128xi32>
    %bitcast_convert_type3A_10 = tpu.bitcast %and3A_9 : vector<8000x128xi32> -> vector<8000x128xf32>
    %get3A_11 = arith.constant 0 : index
    %get3A_12 = arith.constant 0 : index
    %get3A_13 = vector.load %arg3[%get3A_11, %get3A_12] : memref<128x1024xf32, #tpu.memory_space<vmem>>, vector<128x1024xf32>
    %dot_general3A = arith.constant dense<0.000000e+00> : vector<1000x1024xf32>
    %dot_general3A_14 = tpu.matmul %get3A_1, %get3A_13, %dot_general3A {dimension_numbers = #tpu.dot_dimension_numbers<[1], [0], [0], [1], [0, 0, 1, 1], [], []>, transpose_lhs_hint = false} : vector<1000x128xf32>, vector<128x1024xf32>, vector<1000x1024xf32> -> vector<1000x1024xf32>
    %reshape3A = vector.shape_cast %dot_general3A_14 : vector<1000x1024xf32> to vector<8000x128xf32>
    %get3A_15 = arith.constant 0 : index
    %get3A_16 = arith.constant 0 : index
    %get3A_17 = vector.load %arg7[%get3A_15, %get3A_16] : memref<128x1024xf32, #tpu.memory_space<vmem>>, vector<128x1024xf32>
    %dot_general3A_18 = arith.constant dense<0.000000e+00> : vector<1000x1024xf32>
    %dot_general3A_19 = tpu.matmul %get3A_1, %get3A_17, %dot_general3A_18 {dimension_numbers = #tpu.dot_dimension_numbers<[1], [0], [0], [1], [0, 0, 1, 1], [], []>, transpose_lhs_hint = false} : vector<1000x128xf32>, vector<128x1024xf32>, vector<1000x1024xf32> -> vector<1000x1024xf32>
    %reshape3A_20 = vector.shape_cast %dot_general3A_19 : vector<1000x1024xf32> to vector<8000x128xf32>
    %get3A_21 = arith.constant 0 : index
    %get3A_22 = arith.constant 0 : index
    %get3A_23 = vector.load %arg4[%get3A_21, %get3A_22] : memref<1x128xf32, #tpu.memory_space<vmem>>, vector<1x128xf32>
    %add3A = vector.broadcast %get3A_23 : vector<1x128xf32> to vector<8000x128xf32>
    %add3A_24 = arith.addf %reshape3A, %add3A : vector<8000x128xf32>
    %max3A = arith.constant 0.000000e+00 : f32
    %max3A_25 = vector.broadcast %max3A : f32 to vector<8000x128xf32>
    %max3A_26 = arith.maximumf %add3A_24, %max3A_25 : vector<8000x128xf32>
    %get3A_27 = arith.constant 0 : index
    %get3A_28 = arith.constant 0 : index
    %get3A_29 = vector.load %arg5[%get3A_27, %get3A_28] : memref<128x128xf32, #tpu.memory_space<vmem>>, vector<128x128xf32>
    %dot_general3A_30 = arith.constant dense<0.000000e+00> : vector<8000x128xf32>
    %dot_general3A_31 = tpu.matmul %max3A_26, %get3A_29, %dot_general3A_30 {dimension_numbers = #tpu.dot_dimension_numbers<[1], [0], [0], [1], [0, 0, 1, 1], [], []>, transpose_lhs_hint = false} : vector<8000x128xf32>, vector<128x128xf32>, vector<8000x128xf32> -> vector<8000x128xf32>
    %get3A_32 = arith.constant 0 : index
    %get3A_33 = arith.constant 0 : index
    %get3A_34 = vector.load %arg6[%get3A_32, %get3A_33] : memref<1x128xf32, #tpu.memory_space<vmem>>, vector<1x128xf32>
    %add3A_35 = vector.broadcast %get3A_34 : vector<1x128xf32> to vector<8000x128xf32>
    %add3A_36 = arith.addf %dot_general3A_31, %add3A_35 : vector<8000x128xf32>
    %add3A_37 = arith.addf %reshape3A_20, %bitcast_convert_type3A_10 : vector<8000x128xf32>
    %get3A_38 = arith.constant 0 : index
    %get3A_39 = arith.constant 0 : index
    %get3A_40 = vector.load %arg8[%get3A_38, %get3A_39] : memref<1x128xf32, #tpu.memory_space<vmem>>, vector<1x128xf32>
    %add3A_41 = vector.broadcast %get3A_40 : vector<1x128xf32> to vector<8000x128xf32>
    %add3A_42 = arith.addf %add3A_37, %add3A_41 : vector<8000x128xf32>
    %max3A_43 = arith.constant 0.000000e+00 : f32
    %max3A_44 = vector.broadcast %max3A_43 : f32 to vector<8000x128xf32>
    %max3A_45 = arith.maximumf %add3A_42, %max3A_44 : vector<8000x128xf32>
    %get3A_46 = arith.constant 0 : index
    %get3A_47 = arith.constant 0 : index
    %get3A_48 = vector.load %arg9[%get3A_46, %get3A_47] : memref<128x128xf32, #tpu.memory_space<vmem>>, vector<128x128xf32>
    %dot_general3A_49 = arith.constant dense<0.000000e+00> : vector<8000x128xf32>
    %dot_general3A_50 = tpu.matmul %max3A_45, %get3A_48, %dot_general3A_49 {dimension_numbers = #tpu.dot_dimension_numbers<[1], [0], [0], [1], [0, 0, 1, 1], [], []>, transpose_lhs_hint = false} : vector<8000x128xf32>, vector<128x128xf32>, vector<8000x128xf32> -> vector<8000x128xf32>
    %get3A_51 = arith.constant 0 : index
    %get3A_52 = arith.constant 0 : index
    %get3A_53 = vector.load %arg10[%get3A_51, %get3A_52] : memref<1x128xf32, #tpu.memory_space<vmem>>, vector<1x128xf32>
    %add3A_54 = vector.broadcast %get3A_53 : vector<1x128xf32> to vector<8000x128xf32>
    %add3A_55 = arith.addf %dot_general3A_50, %add3A_54 : vector<8000x128xf32>
    %mul3A = arith.mulf %add3A_36, %bitcast_convert_type3A_7 : vector<8000x128xf32>
    %get3A_56 = arith.constant 0 : index
    %get3A_57 = arith.constant 0 : index
    %get3A_58 = vector.load %arg11[%get3A_56, %get3A_57] : memref<128x128xf32, #tpu.memory_space<vmem>>, vector<128x128xf32>
    %dot_general3A_59 = arith.constant dense<0.000000e+00> : vector<8000x128xf32>
    %dot_general3A_60 = tpu.matmul %mul3A, %get3A_58, %dot_general3A_59 {dimension_numbers = #tpu.dot_dimension_numbers<[1], [0], [0], [1], [0, 0, 1, 1], [], []>, transpose_lhs_hint = false} : vector<8000x128xf32>, vector<128x128xf32>, vector<8000x128xf32> -> vector<8000x128xf32>
    %get3A_61 = arith.constant 0 : index
    %get3A_62 = arith.constant 0 : index
    %get3A_63 = vector.load %arg12[%get3A_61, %get3A_62] : memref<1x128xf32, #tpu.memory_space<vmem>>, vector<1x128xf32>
    %add3A_64 = vector.broadcast %get3A_63 : vector<1x128xf32> to vector<8000x128xf32>
    %add3A_65 = arith.addf %dot_general3A_60, %add3A_64 : vector<8000x128xf32>
    %logistic3A = arith.negf %add3A_55 : vector<8000x128xf32>
    %logistic3A_66 = math.exp %logistic3A : vector<8000x128xf32>
    %logistic3A_67 = arith.constant 1.000000e+00 : f32
    %logistic3A_68 = vector.broadcast %logistic3A_67 : f32 to vector<8000x128xf32>
    %logistic3A_69 = arith.addf %logistic3A_68, %logistic3A_66 : vector<8000x128xf32>
    %logistic3A_70 = arith.divf %logistic3A_68, %logistic3A_69 : vector<8000x128xf32>
    %mul3A_71 = arith.mulf %add3A_65, %logistic3A_70 : vector<8000x128xf32>
    %swap3A = arith.constant 0 : index
    %swap3A_72 = arith.constant 0 : index
    %swap3A_73 = vector.load %arg13[%swap3A, %swap3A_72] : memref<8000x128xf32, #tpu.memory_space<vmem>>, vector<8000x128xf32>
    tpu.vector_store %arg13[%swap3A, %swap3A_72], %mul3A_71 {strides = array<i32>} : memref<8000x128xf32, #tpu.memory_space<vmem>>, vector<8000x128xf32>,
    return
  }
  func.func @transform_0(%arg0: i32) -> (i32, i32) {
    %add3A = arith.constant 0 : i32
    %add3A_0 = arith.addi %arg0, %add3A : i32
    %c0_i32 = arith.constant 0 : i32
    %c0_i32_1 = arith.constant 0 : i32
    return %add3A_0, %c0_i32 : i32, i32
  }
  func.func @transform_1(%arg0: i32) -> (i32, i32) {
    %c0_i32 = arith.constant 0 : i32
    %c0_i32_0 = arith.constant 0 : i32
    return %arg0, %c0_i32 : i32, i32
  }
  func.func @transform_2(%arg0: i32) -> (i32, i32) {
    %c0_i32 = arith.constant 0 : i32
    %c0_i32_0 = arith.constant 0 : i32
    %c0_i32_1 = arith.constant 0 : i32
    return %c0_i32, %c0_i32_0 : i32, i32
  }
  func.func @transform_3(%arg0: i32) -> (i32, i32) {
    %c0_i32 = arith.constant 0 : i32
    %c0_i32_0 = arith.constant 0 : i32
    %c0_i32_1 = arith.constant 0 : i32
    return %c0_i32, %c0_i32_0 : i32, i32
  }
  func.func @transform_4(%arg0: i32) -> (i32, i32) {
    %c0_i32 = arith.constant 0 : i32
    %c0_i32_0 = arith.constant 0 : i32
    %c0_i32_1 = arith.constant 0 : i32
    return %c0_i32, %c0_i32_0 : i32, i32
  }
  func.func @transform_5(%arg0: i32) -> (i32, i32) {
    %c0_i32 = arith.constant 0 : i32
    %c0_i32_0 = arith.constant 0 : i32
    %c0_i32_1 = arith.constant 0 : i32
    return %c0_i32, %c0_i32_0 : i32, i32
  }
  func.func @transform_6(%arg0: i32) -> (i32, i32) {
    %c0_i32 = arith.constant 0 : i32
    %c0_i32_0 = arith.constant 0 : i32
    %c0_i32_1 = arith.constant 0 : i32
    return %c0_i32, %c0_i32_0 : i32, i32
  }
  func.func @transform_7(%arg0: i32) -> (i32, i32) {
    %c0_i32 = arith.constant 0 : i32
    %c0_i32_0 = arith.constant 0 : i32
    %c0_i32_1 = arith.constant 0 : i32
    return %c0_i32, %c0_i32_0 : i32, i32
  }
  func.func @transform_8(%arg0: i32) -> (i32, i32) {
    %c0_i32 = arith.constant 0 : i32
    %c0_i32_0 = arith.constant 0 : i32
    %c0_i32_1 = arith.constant 0 : i32
    return %c0_i32, %c0_i32_0 : i32, i32
  }
  func.func @transform_9(%arg0: i32) -> (i32, i32) {
    %c0_i32 = arith.constant 0 : i32
    %c0_i32_0 = arith.constant 0 : i32
    %c0_i32_1 = arith.constant 0 : i32
    return %c0_i32, %c0_i32_0 : i32, i32
  }
  func.func @transform_10(%arg0: i32) -> (i32, i32) {
    %c0_i32 = arith.constant 0 : i32
    %c0_i32_0 = arith.constant 0 : i32
    %c0_i32_1 = arith.constant 0 : i32
    return %c0_i32, %c0_i32_0 : i32, i32
  }
  func.func @transform_11(%arg0: i32) -> (i32, i32) {
    %c0_i32 = arith.constant 0 : i32
    %c0_i32_0 = arith.constant 0 : i32
    %c0_i32_1 = arith.constant 0 : i32
    return %c0_i32, %c0_i32_0 : i32, i32
  }
  func.func @transform_12(%arg0: i32) -> (i32, i32) {
    %c0_i32 = arith.constant 0 : i32
    %c0_i32_0 = arith.constant 0 : i32
    return %arg0, %c0_i32 : i32, i32
  }
}

module attributes {stable_mosaic.version = 14 : i64} {
  func.func @_edge_body(%arg0: i32, %arg1: memref<1000x128xf32, #tpu.memory_space<vmem>>, %arg2: memref<8000x128xf32, #tpu.memory_space<vmem>>, %arg3: memref<128x1024xf32, #tpu.memory_space<vmem>>, %arg4: memref<1x128xf32, #tpu.memory_space<vmem>>, %arg5: memref<128x128xf32, #tpu.memory_space<vmem>>, %arg6: memref<1x128xf32, #tpu.memory_space<vmem>>, %arg7: memref<128x1024xf32, #tpu.memory_space<vmem>>, %arg8: memref<1x128xf32, #tpu.memory_space<vmem>>, %arg9: memref<128x128xf32, #tpu.memory_space<vmem>>, %arg10: memref<1x128xf32, #tpu.memory_space<vmem>>, %arg11: memref<128x128xf32, #tpu.memory_space<vmem>>, %arg12: memref<1x128xf32, #tpu.memory_space<vmem>>, %arg13: memref<8000x128xf32, #tpu.memory_space<vmem>>) attributes {dimension_semantics = [#tpu.dimension_semantics<arbitrary>], iteration_bounds = array<i64: 20>, scalar_prefetch = 0 : i64, scratch_operands = 0 : i64, tpu.core_type = #tpu.core_type<tc>, window_params = [{transform_indices = @transform_0, window_bounds = array<i64: 1000, 128>}, {transform_indices = @transform_1, window_bounds = array<i64: 8000, 128>}, {pipeline_mode = #tpu.pipeline_mode<synchronous>, transform_indices = @transform_2, window_bounds = array<i64: 128, 1024>}, {pipeline_mode = #tpu.pipeline_mode<synchronous>, transform_indices = @transform_3, window_bounds = array<i64: 1, 128>}, {pipeline_mode = #tpu.pipeline_mode<synchronous>, transform_indices = @transform_4, window_bounds = array<i64: 128, 128>}, {pipeline_mode = #tpu.pipeline_mode<synchronous>, transform_indices = @transform_5, window_bounds = array<i64: 1, 128>}, {pipeline_mode = #tpu.pipeline_mode<synchronous>, transform_indices = @transform_6, window_bounds = array<i64: 128, 1024>}, {pipeline_mode = #tpu.pipeline_mode<synchronous>, transform_indices = @transform_7, window_bounds = array<i64: 1, 128>}, {pipeline_mode = #tpu.pipeline_mode<synchronous>, transform_indices = @transform_8, window_bounds = array<i64: 128, 128>}, {pipeline_mode = #tpu.pipeline_mode<synchronous>, transform_indices = @transform_9, window_bounds = array<i64: 1, 128>}, {pipeline_mode = #tpu.pipeline_mode<synchronous>, transform_indices = @transform_10, window_bounds = array<i64: 128, 128>}, {pipeline_mode = #tpu.pipeline_mode<synchronous>, transform_indices = @transform_11, window_bounds = array<i64: 1, 128>}, {transform_indices = @transform_12, window_bounds = array<i64: 8000, 128>}]} {
    %get3A = arith.constant 0 : index
    %get3A_0 = arith.constant 0 : index
    %get3A_1 = vector.load %arg1[%get3A, %get3A_0] : memref<1000x128xf32, #tpu.memory_space<vmem>>, vector<1000x128xf32>
    %get3A_2 = arith.constant 0 : index
    %get3A_3 = arith.constant 0 : index
    %get3A_4 = vector.load %arg2[%get3A_2, %get3A_3] : memref<8000x128xf32, #tpu.memory_space<vmem>>, vector<8000x128xf32>
    %bitcast_convert_type3A = tpu.bitcast %get3A_4 : vector<8000x128xf32> -> vector<8000x128xi32>
    %shift_left3A = arith.constant 16 : i32
    %shift_left3A_5 = vector.broadcast %shift_left3A : i32 to vector<8000x128xi32>
    %shift_left3A_6 = arith.shli %bitcast_convert_type3A, %shift_left3A_5 : vector<8000x128xi32>
    %bitcast_convert_type3A_7 = tpu.bitcast %shift_left3A_6 : vector<8000x128xi32> -> vector<8000x128xf32>
    %and3A = arith.constant -65536 : i32
    %and3A_8 = vector.broadcast %and3A : i32 to vector<8000x128xi32>
    %and3A_9 = arith.andi %bitcast_convert_type3A, %and3A_8 : vector<8000x128xi32>
    %bitcast_convert_type3A_10 = tpu.bitcast %and3A_9 : vector<8000x128xi32> -> vector<8000x128xf32>
    %get3A_11 = arith.constant 0 : index
    %get3A_12 = arith.constant 0 : index
    %get3A_13 = vector.load %arg3[%get3A_11, %get3A_12] : memref<128x1024xf32, #tpu.memory_space<vmem>>, vector<128x1024xf32>
    %dot_general3A = arith.constant dense<0.000000e+00> : vector<1000x1024xf32>
    %dot_general3A_14 = tpu.matmul %get3A_1, %get3A_13, %dot_general3A {dimension_numbers = #tpu.dot_dimension_numbers<[1], [0], [0], [1], [0, 0, 1, 1], [], []>, transpose_lhs_hint = false} : vector<1000x128xf32>, vector<128x1024xf32>, vector<1000x1024xf32> -> vector<1000x1024xf32>
    %reshape3A = vector.shape_cast %dot_general3A_14 : vector<1000x1024xf32> to vector<8000x128xf32>
    %get3A_15 = arith.constant 0 : index
    %get3A_16 = arith.constant 0 : index
    %get3A_17 = vector.load %arg7[%get3A_15, %get3A_16] : memref<128x1024xf32, #tpu.memory_space<vmem>>, vector<128x1024xf32>
    %dot_general3A_18 = arith.constant dense<0.000000e+00> : vector<1000x1024xf32>
    %dot_general3A_19 = tpu.matmul %get3A_1, %get3A_17, %dot_general3A_18 {dimension_numbers = #tpu.dot_dimension_numbers<[1], [0], [0], [1], [0, 0, 1, 1], [], []>, transpose_lhs_hint = false} : vector<1000x128xf32>, vector<128x1024xf32>, vector<1000x1024xf32> -> vector<1000x1024xf32>
    %reshape3A_20 = vector.shape_cast %dot_general3A_19 : vector<1000x1024xf32> to vector<8000x128xf32>
    %get3A_21 = arith.constant 0 : index
    %get3A_22 = arith.constant 0 : index
    %get3A_23 = vector.load %arg4[%get3A_21, %get3A_22] : memref<1x128xf32, #tpu.memory_space<vmem>>, vector<1x128xf32>
    %add3A = vector.broadcast %get3A_23 : vector<1x128xf32> to vector<8000x128xf32>
    %add3A_24 = arith.addf %reshape3A, %add3A : vector<8000x128xf32>
    %max3A = arith.constant 0.000000e+00 : f32
    %max3A_25 = vector.broadcast %max3A : f32 to vector<8000x128xf32>
    %max3A_26 = arith.maximumf %add3A_24, %max3A_25 : vector<8000x128xf32>
    %get3A_27 = arith.constant 0 : index
    %get3A_28 = arith.constant 0 : index
    %get3A_29 = vector.load %arg5[%get3A_27, %get3A_28] : memref<128x128xf32, #tpu.memory_space<vmem>>, vector<128x128xf32>
    %dot_general3A_30 = arith.constant dense<0.000000e+00> : vector<8000x128xf32>
    %dot_general3A_31 = tpu.matmul %max3A_26, %get3A_29, %dot_general3A_30 {dimension_numbers = #tpu.dot_dimension_numbers<[1], [0], [0], [1], [0, 0, 1, 1], [], []>, transpose_lhs_hint = false} : vector<8000x128xf32>, vector<128x128xf32>, vector<8000x128xf32> -> vector<8000x128xf32>
    %get3A_32 = arith.constant 0 : index
    %get3A_33 = arith.constant 0 : index
    %get3A_34 = vector.load %arg6[%get3A_32, %get3A_33] : memref<1x128xf32, #tpu.memory_space<vmem>>, vector<1x128xf32>
    %add3A_35 = vector.broadcast %get3A_34 : vector<1x128xf32> to vector<8000x128xf32>
    %add3A_36 = arith.addf %dot_general3A_31, %add3A_35 : vector<8000x128xf32>
    %add3A_37 = arith.addf %reshape3A_20, %bitcast_convert_type3A_10 : vector<8000x128xf32>
    %get3A_38 = arith.constant 0 : index
    %get3A_39 = arith.constant 0 : index
    %get3A_40 = vector.load %arg8[%get3A_38, %get3A_39] : memref<1x128xf32, #tpu.memory_space<vmem>>, vector<1x128xf32>
    %add3A_41 = vector.broadcast %get3A_40 : vector<1x128xf32> to vector<8000x128xf32>
    %add3A_42 = arith.addf %add3A_37, %add3A_41 : vector<8000x128xf32>
    %max3A_43 = arith.constant 0.000000e+00 : f32
    %max3A_44 = vector.broadcast %max3A_43 : f32 to vector<8000x128xf32>
    %max3A_45 = arith.maximumf %add3A_42, %max3A_44 : vector<8000x128xf32>
    %get3A_46 = arith.constant 0 : index
    %get3A_47 = arith.constant 0 : index
    %get3A_48 = vector.load %arg9[%get3A_46, %get3A_47] : memref<128x128xf32, #tpu.memory_space<vmem>>, vector<128x128xf32>
    %dot_general3A_49 = arith.constant dense<0.000000e+00> : vector<8000x128xf32>
    %dot_general3A_50 = tpu.matmul %max3A_45, %get3A_48, %dot_general3A_49 {dimension_numbers = #tpu.dot_dimension_numbers<[1], [0], [0], [1], [0, 0, 1, 1], [], []>, transpose_lhs_hint = false} : vector<8000x128xf32>, vector<128x128xf32>, vector<8000x128xf32> -> vector<8000x128xf32>
    %get3A_51 = arith.constant 0 : index
    %get3A_52 = arith.constant 0 : index
    %get3A_53 = vector.load %arg10[%get3A_51, %get3A_52] : memref<1x128xf32, #tpu.memory_space<vmem>>, vector<1x128xf32>
    %add3A_54 = vector.broadcast %get3A_53 : vector<1x128xf32> to vector<8000x128xf32>
    %add3A_55 = arith.addf %dot_general3A_50, %add3A_54 : vector<8000x128xf32>
    %mul3A = arith.mulf %add3A_36, %bitcast_convert_type3A_7 : vector<8000x128xf32>
    %get3A_56 = arith.constant 0 : index
    %get3A_57 = arith.constant 0 : index
    %get3A_58 = vector.load %arg11[%get3A_56, %get3A_57] : memref<128x128xf32, #tpu.memory_space<vmem>>, vector<128x128xf32>
    %dot_general3A_59 = arith.constant dense<0.000000e+00> : vector<8000x128xf32>
    %dot_general3A_60 = tpu.matmul %mul3A, %get3A_58, %dot_general3A_59 {dimension_numbers = #tpu.dot_dimension_numbers<[1], [0], [0], [1], [0, 0, 1, 1], [], []>, transpose_lhs_hint = false} : vector<8000x128xf32>, vector<128x128xf32>, vector<8000x128xf32> -> vector<8000x128xf32>
    %get3A_61 = arith.constant 0 : index
    %get3A_62 = arith.constant 0 : index
    %get3A_63 = vector.load %arg12[%get3A_61, %get3A_62] : memref<1x128xf32, #tpu.memory_space<vmem>>, vector<1x128xf32>
    %add3A_64 = vector.broadcast %get3A_63 : vector<1x128xf32> to vector<8000x128xf32>
    %add3A_65 = arith.addf %dot_general3A_60, %add3A_64 : vector<8000x128xf32>
    %logistic3A = arith.negf %add3A_55 : vector<8000x128xf32>
    %logistic3A_66 = math.exp %logistic3A : vector<8000x128xf32>
    %logistic3A_67 = arith.constant 1.000000e+00 : f32
    %logistic3A_68 = vector.broadcast %logistic3A_67 : f32 to vector<8000x128xf32>
    %logistic3A_69 = arith.addf %logistic3A_68, %logistic3A_66 : vector<8000x128xf32>
    %logistic3A_70 = arith.divf %logistic3A_68, %logistic3A_69 : vector<8000x128xf32>
    %mul3A_71 = arith.mulf %add3A_65, %logistic3A_70 : vector<8000x128xf32>
    %swap3A = arith.constant 0 : index
    %swap3A_72 = arith.constant 0 : index
    %swap3A_73 = vector.load %arg13[%swap3A, %swap3A_72] : memref<8000x128xf32, #tpu.memory_space<vmem>>, vector<8000x128xf32>
    tpu.vector_store %arg13[%swap3A, %swap3A_72], %mul3A_71 {strides = array<i32>} : memref<8000x128xf32, #tpu.memory_space<vmem>>, vector<8000x128xf32>,
    return
  }
  func.func @transform_0(%arg0: i32) -> (i32, i32) {
    %add3A = arith.constant 20 : i32
    %add3A_0 = arith.addi %arg0, %add3A : i32
    %c0_i32 = arith.constant 0 : i32
    %c0_i32_1 = arith.constant 0 : i32
    return %add3A_0, %c0_i32 : i32, i32
  }
  func.func @transform_1(%arg0: i32) -> (i32, i32) {
    %c0_i32 = arith.constant 0 : i32
    %c0_i32_0 = arith.constant 0 : i32
    return %arg0, %c0_i32 : i32, i32
  }
  func.func @transform_2(%arg0: i32) -> (i32, i32) {
    %c0_i32 = arith.constant 0 : i32
    %c0_i32_0 = arith.constant 0 : i32
    %c0_i32_1 = arith.constant 0 : i32
    return %c0_i32, %c0_i32_0 : i32, i32
  }
  func.func @transform_3(%arg0: i32) -> (i32, i32) {
    %c0_i32 = arith.constant 0 : i32
    %c0_i32_0 = arith.constant 0 : i32
    %c0_i32_1 = arith.constant 0 : i32
    return %c0_i32, %c0_i32_0 : i32, i32
  }
  func.func @transform_4(%arg0: i32) -> (i32, i32) {
    %c0_i32 = arith.constant 0 : i32
    %c0_i32_0 = arith.constant 0 : i32
    %c0_i32_1 = arith.constant 0 : i32
    return %c0_i32, %c0_i32_0 : i32, i32
  }
  func.func @transform_5(%arg0: i32) -> (i32, i32) {
    %c0_i32 = arith.constant 0 : i32
    %c0_i32_0 = arith.constant 0 : i32
    %c0_i32_1 = arith.constant 0 : i32
    return %c0_i32, %c0_i32_0 : i32, i32
  }
  func.func @transform_6(%arg0: i32) -> (i32, i32) {
    %c0_i32 = arith.constant 0 : i32
    %c0_i32_0 = arith.constant 0 : i32
    %c0_i32_1 = arith.constant 0 : i32
    return %c0_i32, %c0_i32_0 : i32, i32
  }
  func.func @transform_7(%arg0: i32) -> (i32, i32) {
    %c0_i32 = arith.constant 0 : i32
    %c0_i32_0 = arith.constant 0 : i32
    %c0_i32_1 = arith.constant 0 : i32
    return %c0_i32, %c0_i32_0 : i32, i32
  }
  func.func @transform_8(%arg0: i32) -> (i32, i32) {
    %c0_i32 = arith.constant 0 : i32
    %c0_i32_0 = arith.constant 0 : i32
    %c0_i32_1 = arith.constant 0 : i32
    return %c0_i32, %c0_i32_0 : i32, i32
  }
  func.func @transform_9(%arg0: i32) -> (i32, i32) {
    %c0_i32 = arith.constant 0 : i32
    %c0_i32_0 = arith.constant 0 : i32
    %c0_i32_1 = arith.constant 0 : i32
    return %c0_i32, %c0_i32_0 : i32, i32
  }
  func.func @transform_10(%arg0: i32) -> (i32, i32) {
    %c0_i32 = arith.constant 0 : i32
    %c0_i32_0 = arith.constant 0 : i32
    %c0_i32_1 = arith.constant 0 : i32
    return %c0_i32, %c0_i32_0 : i32, i32
  }
  func.func @transform_11(%arg0: i32) -> (i32, i32) {
    %c0_i32 = arith.constant 0 : i32
    %c0_i32_0 = arith.constant 0 : i32
    %c0_i32_1 = arith.constant 0 : i32
    return %c0_i32, %c0_i32_0 : i32, i32
  }
  func.func @transform_12(%arg0: i32) -> (i32, i32) {
    %c0_i32 = arith.constant 0 : i32
    %c0_i32_0 = arith.constant 0 : i32
    return %arg0, %c0_i32 : i32, i32
  }
}

module attributes {stable_mosaic.version = 14 : i64} {
  func.func @_final_body(%arg0: i32, %arg1: memref<2000x128xf32, #tpu.memory_space<vmem>>, %arg2: memref<1x2000x128xf32, #tpu.memory_space<vmem>>, %arg3: memref<1x2000x128xf32, #tpu.memory_space<vmem>>, %arg4: memref<1x2000x128xf32, #tpu.memory_space<vmem>>, %arg5: memref<1x2000x128xf32, #tpu.memory_space<vmem>>, %arg6: memref<128x128xf32, #tpu.memory_space<vmem>>, %arg7: memref<1x128xf32, #tpu.memory_space<vmem>>, %arg8: memref<1x128xf32, #tpu.memory_space<vmem>>, %arg9: memref<1x128xf32, #tpu.memory_space<vmem>>, %arg10: memref<128x128xf32, #tpu.memory_space<vmem>>, %arg11: memref<1x128xf32, #tpu.memory_space<vmem>>, %arg12: memref<2000x128xf32, #tpu.memory_space<vmem>>) attributes {dimension_semantics = [#tpu.dimension_semantics<arbitrary>], iteration_bounds = array<i64: 5>, scalar_prefetch = 0 : i64, scratch_operands = 0 : i64, tpu.core_type = #tpu.core_type<tc>, window_params = [{transform_indices = @transform_0, window_bounds = array<i64: 2000, 128>}, {transform_indices = @transform_1, window_bounds = array<i64: 1, 2000, 128>}, {transform_indices = @transform_2, window_bounds = array<i64: 1, 2000, 128>}, {transform_indices = @transform_3, window_bounds = array<i64: 1, 2000, 128>}, {transform_indices = @transform_4, window_bounds = array<i64: 1, 2000, 128>}, {pipeline_mode = #tpu.pipeline_mode<synchronous>, transform_indices = @transform_5, window_bounds = array<i64: 128, 128>}, {pipeline_mode = #tpu.pipeline_mode<synchronous>, transform_indices = @transform_6, window_bounds = array<i64: 1, 128>}, {pipeline_mode = #tpu.pipeline_mode<synchronous>, transform_indices = @transform_7, window_bounds = array<i64: 1, 128>}, {pipeline_mode = #tpu.pipeline_mode<synchronous>, transform_indices = @transform_8, window_bounds = array<i64: 1, 128>}, {pipeline_mode = #tpu.pipeline_mode<synchronous>, transform_indices = @transform_9, window_bounds = array<i64: 128, 128>}, {pipeline_mode = #tpu.pipeline_mode<synchronous>, transform_indices = @transform_10, window_bounds = array<i64: 1, 128>}, {transform_indices = @transform_11, window_bounds = array<i64: 2000, 128>}]} {
    %get3A = arith.constant 0 : index
    %get3A_0 = arith.constant 0 : index
    %get3A_1 = vector.load %arg1[%get3A, %get3A_0] : memref<2000x128xf32, #tpu.memory_space<vmem>>, vector<2000x128xf32>
    %get3A_2 = arith.constant 0 : index
    %get3A_3 = arith.constant 0 : index
    %get3A_4 = vector.load %arg6[%get3A_2, %get3A_3] : memref<128x128xf32, #tpu.memory_space<vmem>>, vector<128x128xf32>
    %dot_general3A = arith.constant dense<0.000000e+00> : vector<2000x128xf32>
    %dot_general3A_5 = tpu.matmul %get3A_1, %get3A_4, %dot_general3A {dimension_numbers = #tpu.dot_dimension_numbers<[1], [0], [0], [1], [0, 0, 1, 1], [], []>, transpose_lhs_hint = false} : vector<2000x128xf32>, vector<128x128xf32>, vector<2000x128xf32> -> vector<2000x128xf32>
    %get3A_6 = arith.constant 0 : index
    %get3A_7 = arith.constant 0 : index
    %get3A_8 = vector.load %arg7[%get3A_6, %get3A_7] : memref<1x128xf32, #tpu.memory_space<vmem>>, vector<1x128xf32>
    %add3A = vector.broadcast %get3A_8 : vector<1x128xf32> to vector<2000x128xf32>
    %add3A_9 = arith.addf %dot_general3A_5, %add3A : vector<2000x128xf32>
    %get3A_10 = arith.constant 0 : index
    %get3A_11 = arith.constant 0 : index
    %get3A_12 = arith.constant 0 : index
    %get3A_13 = vector.load %arg2[%get3A_10, %get3A_11, %get3A_12] : memref<1x2000x128xf32, #tpu.memory_space<vmem>>, vector<1x2000x128xf32>
    %get3A_14 = vector.shape_cast %get3A_13 : vector<1x2000x128xf32> to vector<2000x128xf32>
    %get3A_15 = arith.constant 0 : index
    %get3A_16 = arith.constant 0 : index
    %get3A_17 = arith.constant 0 : index
    %get3A_18 = vector.load %arg3[%get3A_15, %get3A_16, %get3A_17] : memref<1x2000x128xf32, #tpu.memory_space<vmem>>, vector<1x2000x128xf32>
    %get3A_19 = vector.shape_cast %get3A_18 : vector<1x2000x128xf32> to vector<2000x128xf32>
    %add3A_20 = arith.addf %get3A_14, %get3A_19 : vector<2000x128xf32>
    %add3A_21 = arith.addf %add3A_9, %add3A_20 : vector<2000x128xf32>
    %get3A_22 = arith.constant 0 : index
    %get3A_23 = arith.constant 0 : index
    %get3A_24 = arith.constant 0 : index
    %get3A_25 = vector.load %arg4[%get3A_22, %get3A_23, %get3A_24] : memref<1x2000x128xf32, #tpu.memory_space<vmem>>, vector<1x2000x128xf32>
    %get3A_26 = vector.shape_cast %get3A_25 : vector<1x2000x128xf32> to vector<2000x128xf32>
    %get3A_27 = arith.constant 0 : index
    %get3A_28 = arith.constant 0 : index
    %get3A_29 = arith.constant 0 : index
    %get3A_30 = vector.load %arg5[%get3A_27, %get3A_28, %get3A_29] : memref<1x2000x128xf32, #tpu.memory_space<vmem>>, vector<1x2000x128xf32>
    %get3A_31 = vector.shape_cast %get3A_30 : vector<1x2000x128xf32> to vector<2000x128xf32>
    %add3A_32 = arith.addf %get3A_26, %get3A_31 : vector<2000x128xf32>
    %add3A_33 = arith.addf %add3A_21, %add3A_32 : vector<2000x128xf32>
    %reduce_sum3A = arith.constant dense<0.000000e+00> : vector<2000xf32>
    %reduce_sum3A_34 = vector.multi_reduction <add>, %add3A_33, %reduce_sum3A [1] : vector<2000x128xf32> to vector<2000xf32>
    %broadcast_in_dim3A = vector.shape_cast %reduce_sum3A_34 : vector<2000xf32> to vector<2000x1xf32>
    %div3A = arith.constant 1.280000e+02 : f32
    %div3A_35 = vector.broadcast %div3A : f32 to vector<2000x1xf32>
    %div3A_36 = arith.divf %broadcast_in_dim3A, %div3A_35 : vector<2000x1xf32>
    %sub3A = vector.broadcast %div3A_36 : vector<2000x1xf32> to vector<2000x128xf32>
    %sub3A_37 = arith.subf %add3A_33, %sub3A : vector<2000x128xf32>
    %sub3A_38 = vector.broadcast %div3A_36 : vector<2000x1xf32> to vector<2000x128xf32>
    %sub3A_39 = arith.subf %add3A_33, %sub3A_38 : vector<2000x128xf32>
    %mul3A = arith.mulf %sub3A_37, %sub3A_39 : vector<2000x128xf32>
    %reduce_sum3A_40 = arith.constant dense<0.000000e+00> : vector<2000xf32>
    %reduce_sum3A_41 = vector.multi_reduction <add>, %mul3A, %reduce_sum3A_40 [1] : vector<2000x128xf32> to vector<2000xf32>
    %broadcast_in_dim3A_42 = vector.shape_cast %reduce_sum3A_41 : vector<2000xf32> to vector<2000x1xf32>
    %div3A_43 = arith.constant 1.280000e+02 : f32
    %div3A_44 = vector.broadcast %div3A_43 : f32 to vector<2000x1xf32>
    %div3A_45 = arith.divf %broadcast_in_dim3A_42, %div3A_44 : vector<2000x1xf32>
    %sub3A_46 = vector.broadcast %div3A_36 : vector<2000x1xf32> to vector<2000x128xf32>
    %sub3A_47 = arith.subf %add3A_33, %sub3A_46 : vector<2000x128xf32>
    %add3A_48 = arith.constant 9.99999974E-6 : f32
    %add3A_49 = vector.broadcast %add3A_48 : f32 to vector<2000x1xf32>
    %add3A_50 = arith.addf %div3A_45, %add3A_49 : vector<2000x1xf32>
    %sqrt3A = math.sqrt %add3A_50 : vector<2000x1xf32>
    %div3A_51 = vector.broadcast %sqrt3A : vector<2000x1xf32> to vector<2000x128xf32>
    %div3A_52 = arith.divf %sub3A_47, %div3A_51 : vector<2000x128xf32>
    %get3A_53 = arith.constant 0 : index
    %get3A_54 = arith.constant 0 : index
    %get3A_55 = vector.load %arg8[%get3A_53, %get3A_54] : memref<1x128xf32, #tpu.memory_space<vmem>>, vector<1x128xf32>
    %mul3A_56 = vector.broadcast %get3A_55 : vector<1x128xf32> to vector<2000x128xf32>
    %mul3A_57 = arith.mulf %div3A_52, %mul3A_56 : vector<2000x128xf32>
    %get3A_58 = arith.constant 0 : index
    %get3A_59 = arith.constant 0 : index
    %get3A_60 = vector.load %arg9[%get3A_58, %get3A_59] : memref<1x128xf32, #tpu.memory_space<vmem>>, vector<1x128xf32>
    %add3A_61 = vector.broadcast %get3A_60 : vector<1x128xf32> to vector<2000x128xf32>
    %add3A_62 = arith.addf %mul3A_57, %add3A_61 : vector<2000x128xf32>
    %max3A = arith.constant 0.000000e+00 : f32
    %max3A_63 = vector.broadcast %max3A : f32 to vector<2000x128xf32>
    %max3A_64 = arith.maximumf %add3A_62, %max3A_63 : vector<2000x128xf32>
    %get3A_65 = arith.constant 0 : index
    %get3A_66 = arith.constant 0 : index
    %get3A_67 = vector.load %arg10[%get3A_65, %get3A_66] : memref<128x128xf32, #tpu.memory_space<vmem>>, vector<128x128xf32>
    %dot_general3A_68 = arith.constant dense<0.000000e+00> : vector<2000x128xf32>
    %dot_general3A_69 = tpu.matmul %max3A_64, %get3A_67, %dot_general3A_68 {dimension_numbers = #tpu.dot_dimension_numbers<[1], [0], [0], [1], [0, 0, 1, 1], [], []>, transpose_lhs_hint = false} : vector<2000x128xf32>, vector<128x128xf32>, vector<2000x128xf32> -> vector<2000x128xf32>
    %get3A_70 = arith.constant 0 : index
    %get3A_71 = arith.constant 0 : index
    %get3A_72 = vector.load %arg11[%get3A_70, %get3A_71] : memref<1x128xf32, #tpu.memory_space<vmem>>, vector<1x128xf32>
    %add3A_73 = vector.broadcast %get3A_72 : vector<1x128xf32> to vector<2000x128xf32>
    %add3A_74 = arith.addf %dot_general3A_69, %add3A_73 : vector<2000x128xf32>
    %swap3A = arith.constant 0 : index
    %swap3A_75 = arith.constant 0 : index
    %swap3A_76 = vector.load %arg12[%swap3A, %swap3A_75] : memref<2000x128xf32, #tpu.memory_space<vmem>>, vector<2000x128xf32>
    tpu.vector_store %arg12[%swap3A, %swap3A_75], %add3A_74 {strides = array<i32>} : memref<2000x128xf32, #tpu.memory_space<vmem>>, vector<2000x128xf32>,
    return
  }
  func.func @transform_0(%arg0: i32) -> (i32, i32) {
    %c0_i32 = arith.constant 0 : i32
    %c0_i32_0 = arith.constant 0 : i32
    return %arg0, %c0_i32 : i32, i32
  }
  func.func @transform_1(%arg0: i32) -> (i32, i32, i32) {
    %c0_i32 = arith.constant 0 : i32
    %c0_i32_0 = arith.constant 0 : i32
    %c0_i32_1 = arith.constant 0 : i32
    return %c0_i32, %arg0, %c0_i32_0 : i32, i32, i32
  }
  func.func @transform_2(%arg0: i32) -> (i32, i32, i32) {
    %c1_i32 = arith.constant 1 : i32
    %c0_i32 = arith.constant 0 : i32
    %c0_i32_0 = arith.constant 0 : i32
    return %c1_i32, %arg0, %c0_i32 : i32, i32, i32
  }
  func.func @transform_3(%arg0: i32) -> (i32, i32, i32) {
    %c0_i32 = arith.constant 0 : i32
    %c0_i32_0 = arith.constant 0 : i32
    %c0_i32_1 = arith.constant 0 : i32
    return %c0_i32, %arg0, %c0_i32_0 : i32, i32, i32
  }
  func.func @transform_4(%arg0: i32) -> (i32, i32, i32) {
    %c1_i32 = arith.constant 1 : i32
    %c0_i32 = arith.constant 0 : i32
    %c0_i32_0 = arith.constant 0 : i32
    return %c1_i32, %arg0, %c0_i32 : i32, i32, i32
  }
  func.func @transform_5(%arg0: i32) -> (i32, i32) {
    %c0_i32 = arith.constant 0 : i32
    %c0_i32_0 = arith.constant 0 : i32
    %c0_i32_1 = arith.constant 0 : i32
    return %c0_i32, %c0_i32_0 : i32, i32
  }
  func.func @transform_6(%arg0: i32) -> (i32, i32) {
    %c0_i32 = arith.constant 0 : i32
    %c0_i32_0 = arith.constant 0 : i32
    %c0_i32_1 = arith.constant 0 : i32
    return %c0_i32, %c0_i32_0 : i32, i32
  }
  func.func @transform_7(%arg0: i32) -> (i32, i32) {
    %c0_i32 = arith.constant 0 : i32
    %c0_i32_0 = arith.constant 0 : i32
    %c0_i32_1 = arith.constant 0 : i32
    return %c0_i32, %c0_i32_0 : i32, i32
  }
  func.func @transform_8(%arg0: i32) -> (i32, i32) {
    %c0_i32 = arith.constant 0 : i32
    %c0_i32_0 = arith.constant 0 : i32
    %c0_i32_1 = arith.constant 0 : i32
    return %c0_i32, %c0_i32_0 : i32, i32
  }
  func.func @transform_9(%arg0: i32) -> (i32, i32) {
    %c0_i32 = arith.constant 0 : i32
    %c0_i32_0 = arith.constant 0 : i32
    %c0_i32_1 = arith.constant 0 : i32
    return %c0_i32, %c0_i32_0 : i32, i32
  }
  func.func @transform_10(%arg0: i32) -> (i32, i32) {
    %c0_i32 = arith.constant 0 : i32
    %c0_i32_0 = arith.constant 0 : i32
    %c0_i32_1 = arith.constant 0 : i32
    return %c0_i32, %c0_i32_0 : i32, i32
  }
  func.func @transform_11(%arg0: i32) -> (i32, i32) {
    %c0_i32 = arith.constant 0 : i32
    %c0_i32_0 = arith.constant 0 : i32
    return %arg0, %c0_i32 : i32, i32
  }
}

</mosaic_0001>

<sc_bundles>
// kernel: kernel.10.cloned.1.call-start
scs
__scs_entry_jumppad:
0x0: {  	(pc) =	sbr.rel $0x88, $3  }
0x1: {  	(tag) =	ssettag $0x0;
	lr =	simm.s32 $0x1  }
0x2: {  	[smem:$0x3F89] =	sst lr;
	_ =	strace $0xD0000000  }
0x3: {  	_ = 	snop  }
0x4: {  	_ = 	snop  }
0x5: {  	_ = 	snop  }
0x6: {  	_ = 	snop  }
0x7: {  	_ = 	snop  }
__scs_overlays_trampoline_lowered:
0x8: {  	[smem:$0x3F98] =	sst s0  }
0x9: {  	[smem:$0x3F99] =	sst s1  }
0xa: {  	[smem:$0x3F9A] =	sst s2  }
0xb: {  	[smem:$0x3F9B] =	sst s3  }
0xc: {  	[smem:$0x3F9C] =	sst s4  }
0xd: {  	[smem:$0x3F9D] =	sst s5  }
0xe: {  	[smem:$0x3F9E] =	sst s6  }
0xf: {  	[smem:$0x3F9F] =	sst s7  }
0x10: {  	[smem:$0x3FA0] =	sst s8  }
0x11: {  	[smem:$0x3FA1] =	sst s9;
	s0 =	simm.s32 @!p0 $0x0  }
0x12: {  	s1 =	sld [smem:$0x3F87];
	s0 =	simm.s32 @p0 $0x1  }
0x13: {  	[smem:$0x3FA2] =	sst s0;
	s0 =	simm.s32 @!p1 $0x0  }
0x14: {  	s2 =	sld [smem:$0x3F86];
	s0 =	simm.s32 @p1 $0x1  }
0x15: {  	[smem:$0x3FA3] =	sst s0;
	s0 =	simm.s32 @!p2 $0x0  }
0x16: {  	s3 =	sld [smem:$0x3FDB];
	s0 =	simm.s32 @p2 $0x1  }
0x17: {  	s4 =	simm.s32 $0x1BF5;
	[smem:$0x3FA5] =	sst s0  }
0x18: {  	s0 =	sld [smem:$0x3F88];
	_ =	swait.ge [sflag:s4], $0x0  }
0x19: {  	s7 =	sld [smem:$0x3F89]  }
0x1a: {  	s8 =	sadd.s32 $0xFFFFE003, lr  }
0x1b: {  	s9 =	sadd.s32 $0xFFFFFEF7, lr;
	s5 =	simm.s32 $0xFFFFFFFF;
	p2 =	slt.u32 s8, $0xFFFFF086  }
0x1c: {  	p1 =	slt.u32 s9, $0xF7A;
	s5 =	simm.s32 @!p2 $0x0  }
0x1d: {  	s5 =	simm.s32 @p1 $0x1;
	p0 =	seq.s32 s7, s2  }
0x1e: {  	s7 =	smul.u32 @!p0 $0xF7A, s2;
	p2 =	seq.s32 @!p0 s5, $0x0  }
0x1f: {  	s9 =	smul.u32 $0xF7A, s1;
	s8 =	simm.s32 @!p0 $0x1BF5;
	p2 =	por !p2, p0  }
0x20: {  	[sflag:s8] =	ssyncset.s32 @!p0 $0xFFFFF086;
	s6 =	sadd.s32 @!p0 s3, s7;
	s7 =	simm.s32 @!p0 $0x108  }
0x21: {  	s3 =	sadd.s32 s3, s9;
	s6 =	sadd.s32 @!p0 $0x88, s6;
	s7 =	simm.s32 @p2 $0x1082  }
0x22: {  	[simem:s7], [sflag:s8] =	dma.local @!p0 [hbm:s6], $0xF7A  }
0x23: {  	s9 =	sor.u32 $0xD0000000, s2;
	s6 =	simm.s32 $0x108;
	_ =	swait.ge @!p0 [sflag:s8], $0x0  }
0x24: {  	s3 =	sadd.s32 $0x88, s3;
	s6 =	simm.s32 @!p1 $0x1082;
	[sflag:s4] =	ssyncset.s32 $0xFFFFF086  }
0x25: {  	[simem:s6], [sflag:s4] =	dma.local [hbm:s3], $0xF7A  }
0x26: {  	[smem:$0x3F89] =	sst s1;
	(tag) =	ssettag s2;
	_ =	strace s9  }
0x27: {  	s1 =	sld [smem:$0x3F99]  }
0x28: {  	s2 =	sld [smem:$0x3F9A]  }
0x29: {  	s4 =	sld [smem:$0x3F9C]  }
0x2a: {  	p0 =	seq.s32 s5, $0x0;
	s5 =	sld [smem:$0x3F9D]  }
0x2b: {  	s6 =	sld [smem:$0x3F9E]  }
0x2c: {  	s7 =	sld [smem:$0x3F9F]  }
0x2d: {  	s3 =	simm.s32 $0x108;
	s8 =	sld [smem:$0x3FA0]  }
0x2e: {  	s3 =	simm.s32 @!p0 $0x1082;
	s9 =	sld [smem:$0x3FA1]  }
0x2f: {  	lr =	sadd.s32 s0, s3;
	s0 =	sld [smem:$0x3F98]  }
0x30: {  	s3 =	sld [smem:$0x3F9B]  }
0x31: {  	[smem:$0x3FA4] =	sst s10  }
0x32: {  	s10 =	sld [smem:$0x3FA2];
	_ =	sdelay $0x3  }
0x33: {  	p0 =	seq.s32 s10, $0x1;
	s10 =	sld [smem:$0x3FA4];
	_ =	sdelay $0x3  }
0x34: {  	[smem:$0x3FA4] =	sst s10  }
0x35: {  	s10 =	sld [smem:$0x3FA3];
	_ =	sdelay $0x3  }
0x36: {  	p1 =	seq.s32 s10, $0x1;
	s10 =	sld [smem:$0x3FA4];
	_ =	sdelay $0x3  }
0x37: {  	[smem:$0x3FA4] =	sst s10  }
0x38: {  	s10 =	sld [smem:$0x3FA5]  }
0x39: {  	_ = 	snop;
	(pc) =	sbr.ind lr, $3  }
0x3a: {  	_ = 	snop  }
0x3b: {  	_ = 	snop  }
0x3c: {  	p2 =	seq.s32 s10, $0x1;
	s10 =	sld [smem:$0x3FA4]  }
0x3d: {  	_ =	shalt  }
0x3e: {  	_ =	shalt  }
0x3f: {  	_ =	shalt  }
0x40: {  	_ =	shalt  }
0x41: {  	_ =	shalt  }
0x42: {  	_ =	shalt  }
0x43: {  	_ =	shalt  }
0x44: {  	_ =	shalt  }
0x45: {  	_ =	shalt  }
0x46: {  	_ =	shalt  }
0x47: {  	_ =	shalt  }
0x48: {  	_ =	shalt  }
0x49: {  	_ =	shalt  }
0x4a: {  	_ =	shalt  }
0x4b: {  	_ =	shalt  }
0x4c: {  	_ =	shalt  }
0x4d: {  	_ =	shalt  }
0x4e: {  	_ =	shalt  }
0x4f: {  	_ =	shalt  }
0x50: {  	_ =	shalt  }
0x51: {  	_ =	shalt  }
0x52: {  	_ =	shalt  }
0x53: {  	_ =	shalt  }
0x54: {  	_ =	shalt  }
0x55: {  	_ =	shalt  }
0x56: {  	_ =	shalt  }
0x57: {  	_ =	shalt  }
0x58: {  	_ =	shalt  }
0x59: {  	_ =	shalt  }
0x5a: {  	_ =	shalt  }
0x5b: {  	_ =	shalt  }
0x5c: {  	_ =	shalt  }
0x5d: {  	_ =	shalt  }
0x5e: {  	_ =	shalt  }
0x5f: {  	_ =	shalt  }
0x60: {  	_ =	shalt  }
0x61: {  	_ =	shalt  }
0x62: {  	_ =	shalt  }
0x63: {  	_ =	shalt  }
0x64: {  	_ =	shalt  }
0x65: {  	_ =	shalt  }
0x66: {  	_ =	shalt  }
0x67: {  	_ =	shalt  }
0x68: {  	_ =	shalt  }
0x69: {  	_ =	shalt  }
0x6a: {  	_ =	shalt  }
0x6b: {  	_ =	shalt  }
0x6c: {  	_ =	shalt  }
0x6d: {  	_ =	shalt  }
0x6e: {  	_ =	shalt  }
0x6f: {  	_ =	shalt  }
0x70: {  	_ =	shalt  }
0x71: {  	_ =	shalt  }
0x72: {  	_ =	shalt  }
0x73: {  	_ =	shalt  }
0x74: {  	_ =	shalt  }
0x75: {  	_ =	shalt  }
0x76: {  	_ =	shalt  }
0x77: {  	_ =	shalt  }
0x78: {  	_ =	shalt  }
0x79: {  	_ =	shalt  }
0x7a: {  	_ =	shalt  }
0x7b: {  	_ =	shalt  }
0x7c: {  	_ =	shalt  }
0x7d: {  	_ =	shalt  }
0x7e: {  	_ =	shalt  }
0x7f: {  	_ =	shalt  }
0x80: {  	_ =	shalt  }
0x81: {  	_ =	shalt  }
0x82: {  	_ =	shalt  }
0x83: {  	_ =	shalt  }
0x84: {  	_ =	shalt  }
0x85: {  	_ =	shalt  }
0x86: {  	_ =	shalt  }
0x87: {  	_ =	shalt  }
.Lfunc_end0:
.L_simem_size_0:
called_computation_lowered:
.L_overlay_start_0:
0x88: {  	s2 =	sld [smem:$0x3FD9]  }
0x89: {  	s3 =	sld [smem:$0x3FFE];
	_ =	sdelay $0x1  }
0x8a: {  	s1 =	srdreg.scid  }
0x8b: {  	s0 =	sand.u32 $0x1, s1  }
0x8c: {  	s17 =	sshll.u32 s0, $0xA;
	s2 =	sadd.s32 s3, s2  }
0x8d: {  	s2 =	sadd.s32 s2, s17  }
0x8e: {  	[smem:$0x3FB0] =	sst s2  }
0x8f: {  	_ = 	snop  }
0x90: {  	s2 =	sld [smem:$0x3FD0];
	(tm) =	ssettm $0x1  }
0x91: {  	s18 =	sld [smem:$0x3FFB];
	_ =	sdelay $0x3  }
0x92: {  	_ =	strace s18  }
0x93: {  	s3 =	sld [smem:$0x3FFC];
	_ =	sdelay $0x3  }
0x94: {  	_ =	strace s3  }
0x95: {  	s3 =	sld [smem:$0x3FFD];
	_ =	sdelay $0x3  }
0x96: {  	_ =	strace s3  }
0x97: {  	_ =	strace $0x8FFFFFFF  }
0x98: {  	s19 =	sld [smem:$0x3FDB];
	_ =	sdelay $0x1  }
0x99: {  	s4 =	simm.s32 $_scs_section_size  }
0x9a: {  	s5 =	simm.s32 $_size__tile_overlayer_lowered;
	s6 =	simm.s32 $_tile_overlayer_lowered  }
0x9b: {  	s22 =	simm.s32 $0x1BFF;
	s21 =	sshll.u32 s6, $0x1;
	s3 =	sadd.s32 s4, s19  }
0x9c: {  	s7 =	simm.s32 $0x0;
	s20 =	sshll.u32 s5, $0x1;
	s5 =	sadd.s32 s21, s3  }
0x9d: {  	[timem:s7], [sflag:s22] =	dma.local [hbm:s5], s20  }
0x9e: {  	_ =	swait.ge [sflag:s22], s20  }
0x9f: {  	s4 =	ssub.s32 $0x0, s20;
	[sflag:s22] =	ssyncset.done $0x0  }
0xa0: {  	[sflag:s22] =	ssyncadd.s32 s4;
	_ =	sdelay $0x1  }
0xa1: {  	s23 =	simm.s32 $0x1B8B  }
0xa2: {  	_ =	swait.ge [sflag:s23], $0x1  }
0xa3: {  	[sflag:s23] =	ssyncset.done $0x0  }
0xa4: {  	s25 =	simm.s32 $0x1B8E;
	s24 =	sld [smem:$0x3FFE];
	[sflag:s23] =	ssyncadd.s32 $0xFFFFFFFF  }
0xa5: {  	s26 =	simm.s32 $execute0_lowered;
	[smem:$0x3FD2] =	sst s25  }
0xa6: {  	s5 =	sshll.u32 s26, $0x1;
	_ =	strace $0x80000046;
	[dreg:$0x1] =	wrdreg $0xFFFFFFFF  }
0xa7: {  	s28 =	simm.s32 $_size_execute0_lowered;
	s3 =	sadd.s32 s3, s5;
	[dreg:$0x0] =	wrdreg $0x0  }
0xa8: {  	s5 =	sshll.u32 s28, $0x1;
	[dreg:$0x2] =	wrdreg s3  }
0xa9: {  	[dreg:$0x3] =	wrdreg s5  }
0xaa: {  	[dreg:$0x4] =	wrdreg $0xC0  }
0xab: {  	_ =	task [dreg:s7], $0x5FFFF  }
0xac: {  	[dreg:$0x1] =	wrdreg $0xFFFFFFFF  }
0xad: {  	[dreg:$0x0] =	wrdreg $0x60  }
0xae: {  	[dreg:$0x2] =	wrdreg s2  }
0xaf: {  	[dreg:$0x3] =	wrdreg s24  }
0xb0: {  	[dreg:$0x4] =	wrdreg $0xA  }
0xb1: {  	_ =	task.clear_ibuf [dreg:s7], $0x5FFFF;
	_ =	strace $0x90000046  }
0xb2: {  	s29 =	simm.s32 $0xA;
	_ =	strace $0x80000048  }
0xb3: {  	_ =	swait.ge [sflag:s29], $0x1  }
0xb4: {  	[sflag:s29] =	ssyncadd.s32 $0xFFFFFFFF  }
0xb5: {  	_ =	strace $0x90000048  }
0xb6: {  	_ =	sfence  }
0xb7: {  	s30 =	sld [smem:$0x0];
	_ =	sdelay $0x2  }
0xb8: {  	s31 =	sshll.u32 s1, $0xD;
	s1 =	sshrl.u32 s1, $0x2  }
0xb9: {  	s3 =	sand.u32 $0x4000, s31;
	s1 =	sadd.s32 s1, s30  }
0xba: {  	s0 =	sor.u32 s3, s0;
	s1 =	sshll.u32 s1, $0x11  }
0xbb: {  	s0 =	sor.u32 s1, s0  }
0xbc: {  	s0 =	sadd.s32 $0x8F2B, s0  }
0xbd: {  	[sflag:s0] =	ssyncadd.remote.s32 $0x1  }
0xbe: {  	_ =	sfence.sel $0xFFFF  }
0xbf: {  	[dreg:$0x0] =	wrdreg $0xFFFFFFFF;
	(pc) =	sbr.abs _section_cstart, $3  }
0xc0: {  	[dreg:$0x1] =	wrdreg $0xFFFFFFFF  }
0xc1: {  	_ =	task.clear_ibuf [dreg:s7], $0x2FFFF;
	_ =	strace $0x9FFFFFFF  }
0xc2: {  	(tm) =	ssettm $0x7FFFFFFF  }
0xc3: {  	_ =	shalt  }
tec
execute0_lowered:
.L_overlay_start_1:
0x0: {  	(tag) =	ssettag $0x1  }
0x1: {  	s1 =	rddreg [dreg:$0x0]  }
0x2: {  	s4 =	rddreg [dreg:$0x1]  }
0x3: {  	s0 =	rddreg [dreg:$0x2];
	s3 =	simm.s32 $0x0;
	s5 =	srdreg.scid  }
0x4: {  	s2 =	stileid.u32;
	s10 =	simm.s32 $0x5400;
	s11 =	simm.s32 $0x6800  }
0x5: {  	s12 =	simm.s32 $0x7C00;
	s13 =	simm.s32 $0x9000;
	s14 =	simm.s32 $0x1  }
0x6: {  	s15 =	simm.s32 $0x0;
	[smem:$0x7FF] =	sst s3;
	s5 =	sand.u32 $0x1, s5  }
0x7: {  	s6 =	sshll.u32 s2, $0xB;
	s9 =	smul.u32 $0x13880, s2;
	_ =	strace $0x80000047  }
0x8: {  	s7 =	smul.u32 $0x138800, s5;
	s8 =	sshll.u32 s5, $0xF;
	s5 =	ssub.s32 $0x2, s5  }
0x9: {  	s6 =	sor.u32 s6, s8;
	s30 =	sshrl.u32 s5, $0x1;
	s8 =	simm.s32 $0x28  }
0xa: {  	s7 =	sadd.s32 s7, s4;
	s4 =	sadd.s32 s6, s4;
	s5 =	ssub.s32 s5, s30  }
0xb: {  	s31 =	sadd.s32 s9, s7;
	s4 =	sadd.s32 $0xA400, s4;
	s5 =	smax.u32 s5, $0x1  }
0xc: {  	s7 =	simm.s32 $0x2;
	s9 =	simm.s32 $0x4000;
	s6 =	sadd.s32 $0x1A400, s31  }
.LBB2_1:
0xd: {  	[tilespmem:s3], [sflag:$0x2] =	stream.linear.gather [hbm4b:s4+s3], $0x3E80, $0x38;
	[tilespmem:$0xA400] =	vst v63  }
0xe: {  	_ =	swait.ge [sflag:s7], $0x3E80  }
0xf: {  	[sflag:s7] =	ssyncset.done $0x0  }
0x10: {  	[sflag:s7] =	ssyncadd.s32 $0xFFFFC180  }
0x11: {  	[tilespmem:s9], [sflag:$0x1] =	stream.indirect.gather [hbm4b:s1+s8], $0x80, s3, s8, $0xb8;
	[tilespmem:$0xA400] =	vst v63  }
0x12: {  	s16 =	simm.s32 $0x80  }
0x13: {  	[tilespmem:s10], [sflag:$0x1] =	stream.indirect.gather [hbm4b:s1+s8], $0x80, s16, s8, $0xb8;
	[tilespmem:$0xA400] =	vst v63  }
0x14: {  	s25 =	simm.s32 $0x100  }
0x15: {  	[tilespmem:s11], [sflag:$0x1] =	stream.indirect.gather [hbm4b:s1+s8], $0x80, s25, s8, $0xb8;
	[tilespmem:$0xA400] =	vst v63  }
0x16: {  	s26 =	simm.s32 $0x180  }
0x17: {  	[tilespmem:s12], [sflag:$0x1] =	stream.indirect.gather [hbm4b:s1+s8], $0x80, s26, s8, $0xb8;
	[tilespmem:$0xA400] =	vst v63  }
0x18: {  	s28 =	simm.s32 $0x200  }
0x19: {  	[tilespmem:s13], [sflag:$0x1] =	stream.indirect.gather [hbm4b:s1+s8], $0x80, s28, s8, $0xb8;
	[tilespmem:$0xA400] =	vst v63  }
0x1a: {  	_ =	swait.ge [sflag:s14], $0x1400  }
0x1b: {  	[sflag:s14] =	ssyncset.done $0x0  }
0x1c: {  	s29 =	sadd.s32 $0x0, s6;
	[sflag:s14] =	ssyncadd.s32 $0xFFFFEC00  }
0x1d: {  	[hbm4b:s29+s3] =	stream.linear.scatter [tilespmem:s9], [sflag:$0x2], $0x1400, $0x38;
	[tilespmem:$0xA400] =	vst v63  }
0x1e: {  	_ =	swait.ge [sflag:s7], $0x1400  }
0x1f: {  	[sflag:s7] =	ssyncset.done $0x0  }
0x20: {  	[sflag:s7] =	ssyncadd.s32 $0xFFFFEC00  }
0x21: {  	_ =	swait.ge [sflag:s14], $0x1400  }
0x22: {  	[sflag:s14] =	ssyncset.done $0x0  }
0x23: {  	s17 =	sadd.s32 $0x280, s29;
	[sflag:s14] =	ssyncadd.s32 $0xFFFFEC00  }
0x24: {  	[hbm4b:s17+s3] =	stream.linear.scatter [tilespmem:s10], [sflag:$0x2], $0x1400, $0x38;
	[tilespmem:$0xA400] =	vst v63  }
0x25: {  	_ =	swait.ge [sflag:s7], $0x1400  }
0x26: {  	[sflag:s7] =	ssyncset.done $0x0  }
0x27: {  	[sflag:s7] =	ssyncadd.s32 $0xFFFFEC00  }
0x28: {  	_ =	swait.ge [sflag:s14], $0x1400  }
0x29: {  	[sflag:s14] =	ssyncset.done $0x0  }
0x2a: {  	s30 =	sadd.s32 $0x500, s29;
	[sflag:s14] =	ssyncadd.s32 $0xFFFFEC00  }
0x2b: {  	[hbm4b:s30+s3] =	stream.linear.scatter [tilespmem:s11], [sflag:$0x2], $0x1400, $0x38;
	[tilespmem:$0xA400] =	vst v63  }
0x2c: {  	_ =	swait.ge [sflag:s7], $0x1400  }
0x2d: {  	[sflag:s7] =	ssyncset.done $0x0  }
0x2e: {  	[sflag:s7] =	ssyncadd.s32 $0xFFFFEC00  }
0x2f: {  	_ =	swait.ge [sflag:s14], $0x1400  }
0x30: {  	[sflag:s14] =	ssyncset.done $0x0  }
0x31: {  	s31 =	sadd.s32 $0x780, s29;
	[sflag:s14] =	ssyncadd.s32 $0xFFFFEC00  }
0x32: {  	[hbm4b:s31+s3] =	stream.linear.scatter [tilespmem:s12], [sflag:$0x2], $0x1400, $0x38;
	[tilespmem:$0xA400] =	vst v63  }
0x33: {  	_ =	swait.ge [sflag:s7], $0x1400  }
0x34: {  	[sflag:s7] =	ssyncset.done $0x0  }
0x35: {  	[sflag:s7] =	ssyncadd.s32 $0xFFFFEC00  }
0x36: {  	_ =	swait.ge [sflag:s14], $0x1400  }
0x37: {  	[sflag:s14] =	ssyncset.done $0x0  }
0x38: {  	s16 =	sadd.s32 $0xA00, s29;
	[sflag:s14] =	ssyncadd.s32 $0xFFFFEC00  }
0x39: {  	[hbm4b:s16+s3] =	stream.linear.scatter [tilespmem:s13], [sflag:$0x2], $0x1400, $0x38;
	[tilespmem:$0xA400] =	vst v63  }
0x3a: {  	_ =	swait.ge [sflag:s7], $0x1400  }
0x3b: {  	s17 =	simm.s32 $0x0;
	s16 =	simm.s32 $0xC80;
	[sflag:s7] =	ssyncset.done $0x0  }
.LBB2_2:
0x3c: {  	p0 =	sne.s32 s16, $0x12C00;
	[sflag:s7] =	ssyncadd.s32 $0xFFFFEC00;
	s17 =	sadd.s32 $0x280, s17  }
0x3d: {  	[tilespmem:s9], [sflag:$0x1] =	stream.indirect.gather [hbm4b:s1+s8], $0x80, s17, s8, $0xb8;
	[tilespmem:$0xA400] =	vst v63  }
0x3e: {  	s19 =	smov.u32 s16;
	s16 =	sadd.s32 $0xC80, s16;
	s18 =	sadd.s32 $0x80, s17  }
0x3f: {  	[tilespmem:s10], [sflag:$0x1] =	stream.indirect.gather [hbm4b:s1+s8], $0x80, s18, s8, $0xb8;
	[tilespmem:$0xA400] =	vst v63  }
0x40: {  	s18 =	sadd.s32 $0x100, s17  }
0x41: {  	[tilespmem:s11], [sflag:$0x1] =	stream.indirect.gather [hbm4b:s1+s8], $0x80, s18, s8, $0xb8;
	[tilespmem:$0xA400] =	vst v63  }
0x42: {  	s18 =	sadd.s32 $0x180, s17  }
0x43: {  	[tilespmem:s12], [sflag:$0x1] =	stream.indirect.gather [hbm4b:s1+s8], $0x80, s18, s8, $0xb8;
	[tilespmem:$0xA400] =	vst v63  }
0x44: {  	s18 =	sadd.s32 $0x200, s17  }
0x45: {  	[tilespmem:s13], [sflag:$0x1] =	stream.indirect.gather [hbm4b:s1+s8], $0x80, s18, s8, $0xb8;
	[tilespmem:$0xA400] =	vst v63  }
0x46: {  	_ =	swait.ge [sflag:s14], $0x1400  }
0x47: {  	[sflag:s14] =	ssyncset.done $0x0  }
0x48: {  	s18 =	sadd.s32 s19, s6;
	[sflag:s14] =	ssyncadd.s32 $0xFFFFEC00  }
0x49: {  	[hbm4b:s18+s3] =	stream.linear.scatter [tilespmem:s9], [sflag:$0x2], $0x1400, $0x38;
	[tilespmem:$0xA400] =	vst v63  }
0x4a: {  	_ =	swait.ge [sflag:s7], $0x1400  }
0x4b: {  	[sflag:s7] =	ssyncset.done $0x0  }
0x4c: {  	[sflag:s7] =	ssyncadd.s32 $0xFFFFEC00  }
0x4d: {  	_ =	swait.ge [sflag:s14], $0x1400  }
0x4e: {  	[sflag:s14] =	ssyncset.done $0x0  }
0x4f: {  	s19 =	sadd.s32 $0x280, s18;
	[sflag:s14] =	ssyncadd.s32 $0xFFFFEC00  }
0x50: {  	[hbm4b:s19+s3] =	stream.linear.scatter [tilespmem:s10], [sflag:$0x2], $0x1400, $0x38;
	[tilespmem:$0xA400] =	vst v63  }
0x51: {  	_ =	swait.ge [sflag:s7], $0x1400  }
0x52: {  	[sflag:s7] =	ssyncset.done $0x0  }
0x53: {  	[sflag:s7] =	ssyncadd.s32 $0xFFFFEC00  }
0x54: {  	_ =	swait.ge [sflag:s14], $0x1400  }
0x55: {  	[sflag:s14] =	ssyncset.done $0x0  }
0x56: {  	s19 =	sadd.s32 $0x500, s18;
	[sflag:s14] =	ssyncadd.s32 $0xFFFFEC00  }
0x57: {  	[hbm4b:s19+s3] =	stream.linear.scatter [tilespmem:s11], [sflag:$0x2], $0x1400, $0x38;
	[tilespmem:$0xA400] =	vst v63  }
0x58: {  	_ =	swait.ge [sflag:s7], $0x1400  }
0x59: {  	[sflag:s7] =	ssyncset.done $0x0  }
0x5a: {  	[sflag:s7] =	ssyncadd.s32 $0xFFFFEC00  }
0x5b: {  	_ =	swait.ge [sflag:s14], $0x1400  }
0x5c: {  	[sflag:s14] =	ssyncset.done $0x0  }
0x5d: {  	s19 =	sadd.s32 $0x780, s18;
	[sflag:s14] =	ssyncadd.s32 $0xFFFFEC00  }
0x5e: {  	[hbm4b:s19+s3] =	stream.linear.scatter [tilespmem:s12], [sflag:$0x2], $0x1400, $0x38;
	[tilespmem:$0xA400] =	vst v63  }
0x5f: {  	_ =	swait.ge [sflag:s7], $0x1400  }
0x60: {  	[sflag:s7] =	ssyncset.done $0x0  }
0x61: {  	[sflag:s7] =	ssyncadd.s32 $0xFFFFEC00  }
0x62: {  	_ =	swait.ge [sflag:s14], $0x1400  }
.Ltmp0:
0x63: {  	[sflag:s14] =	ssyncset.done $0x0;
	(pc) =	sbr.rel @p0 .LBB2_2-.Ltmp0, $4  }
0x64: {  	s18 =	sadd.s32 $0xA00, s18;
	[sflag:s14] =	ssyncadd.s32 $0xFFFFEC00  }
0x65: {  	[hbm4b:s18+s3] =	stream.linear.scatter [tilespmem:s13], [sflag:$0x2], $0x1400, $0x38;
	[tilespmem:$0xA400] =	vst v63  }
0x66: {  	_ =	swait.ge [sflag:s7], $0x1400  }
0x67: {  	[sflag:s7] =	ssyncset.done $0x0  }
0x68: {  	s15 =	sadd.s32 $0x1, s15  }
0x69: {  	p0 =	sne.s32 s15, s5  }
.Ltmp1:
0x6a: {  	_ = 	snop;
	(pc) =	sbr.rel @p0 .LBB2_1-.Ltmp1, $2  }
0x6b: {  	_ =	sdelay $0x2  }
0x6c: {  	[sflag:s7] =	ssyncadd.s32 $0xFFFFEC00  }
0x6d: {  	_ =	sfence.sel $0x180000  }
0x6e: {  	[bflag:$0x0] =	sbarrier.arrive $0xFFFF  }
0x6f: {  	p0 =	sne.s32 s2, $0x0;
	_ =	strace $0x90000047  }
0x70: {  	s0 =	sadd.s32 @!p0 $0x100000, s0;
	[bflag:$0x2] =	sbarrier.arrive $0xFFFF  }
0x71: {  	[sflag:s0] =	ssyncadd.tile.s32 @!p0 $0x1;
	_ =	shalt  }
.Lfunc_end2:
_tile_overlayer_lowered:
.L_overlay_start_2:
0x72: {  	(tag) =	ssettag $0x2  }
0x73: {  	s0 =	rddreg [dreg:$0x0];
	s2 =	stileid.u32  }
0x74: {  	s1 =	rddreg [dreg:$0x1];
	p0 =	sne.s32 s2, $0x0  }
0x75: {  	s3 =	rddreg [dreg:$0x2];
	[bflag:$0x3] =	sbarrier.arrive $0xFFFF;
	s2 =	simm.s32 @!p0 $0x1C02  }
0x76: {  	[timem:s3], [sflag:s2] =	dma.local @!p0 [hbm:s0], s1  }
0x77: {  	s0 =	simm.s32 @!p0 $0x2  }
0x78: {  	_ =	swait.ge @!p0 [sflag:s0], s1  }
0x79: {  	s1 =	ssub.s32 @!p0 $0x0, s1;
	[sflag:s0] =	ssyncset.done @!p0 $0x0  }
0x7a: {  	[sflag:s0] =	ssyncadd.s32 @!p0 s1  }
0x7b: {  	[bflag:$0x3] =	sbarrier.arrive $0xFFFF  }
0x7c: {  	_ =	shalt  }

// kernel: kernel.13.cloned.1.call-start
scs
__scs_entry_jumppad:
0x0: {  	(pc) =	sbr.rel $0x88, $3  }
0x1: {  	(tag) =	ssettag $0x0;
	lr =	simm.s32 $0x1  }
0x2: {  	[smem:$0x3F89] =	sst lr;
	_ =	strace $0xD0000000  }
0x3: {  	_ = 	snop  }
0x4: {  	_ = 	snop  }
0x5: {  	_ = 	snop  }
0x6: {  	_ = 	snop  }
0x7: {  	_ = 	snop  }
__scs_overlays_trampoline_lowered:
0x8: {  	[smem:$0x3F98] =	sst s0  }
0x9: {  	[smem:$0x3F99] =	sst s1  }
0xa: {  	[smem:$0x3F9A] =	sst s2  }
0xb: {  	[smem:$0x3F9B] =	sst s3  }
0xc: {  	[smem:$0x3F9C] =	sst s4  }
0xd: {  	[smem:$0x3F9D] =	sst s5  }
0xe: {  	[smem:$0x3F9E] =	sst s6  }
0xf: {  	[smem:$0x3F9F] =	sst s7  }
0x10: {  	[smem:$0x3FA0] =	sst s8  }
0x11: {  	[smem:$0x3FA1] =	sst s9;
	s0 =	simm.s32 @!p0 $0x0  }
0x12: {  	s1 =	sld [smem:$0x3F87];
	s0 =	simm.s32 @p0 $0x1  }
0x13: {  	[smem:$0x3FA2] =	sst s0;
	s0 =	simm.s32 @!p1 $0x0  }
0x14: {  	s2 =	sld [smem:$0x3F86];
	s0 =	simm.s32 @p1 $0x1  }
0x15: {  	[smem:$0x3FA3] =	sst s0;
	s0 =	simm.s32 @!p2 $0x0  }
0x16: {  	s3 =	sld [smem:$0x3FDB];
	s0 =	simm.s32 @p2 $0x1  }
0x17: {  	s4 =	simm.s32 $0x1BF5;
	[smem:$0x3FA5] =	sst s0  }
0x18: {  	s0 =	sld [smem:$0x3F88];
	_ =	swait.ge [sflag:s4], $0x0  }
0x19: {  	s7 =	sld [smem:$0x3F89]  }
0x1a: {  	s8 =	sadd.s32 $0xFFFFE003, lr  }
0x1b: {  	s9 =	sadd.s32 $0xFFFFFEF7, lr;
	s5 =	simm.s32 $0xFFFFFFFF;
	p2 =	slt.u32 s8, $0xFFFFF086  }
0x1c: {  	p1 =	slt.u32 s9, $0xF7A;
	s5 =	simm.s32 @!p2 $0x0  }
0x1d: {  	s5 =	simm.s32 @p1 $0x1;
	p0 =	seq.s32 s7, s2  }
0x1e: {  	s7 =	smul.u32 @!p0 $0xF7A, s2;
	p2 =	seq.s32 @!p0 s5, $0x0  }
0x1f: {  	s9 =	smul.u32 $0xF7A, s1;
	s8 =	simm.s32 @!p0 $0x1BF5;
	p2 =	por !p2, p0  }
0x20: {  	[sflag:s8] =	ssyncset.s32 @!p0 $0xFFFFF086;
	s6 =	sadd.s32 @!p0 s3, s7;
	s7 =	simm.s32 @!p0 $0x108  }
0x21: {  	s3 =	sadd.s32 s3, s9;
	s6 =	sadd.s32 @!p0 $0x88, s6;
	s7 =	simm.s32 @p2 $0x1082  }
0x22: {  	[simem:s7], [sflag:s8] =	dma.local @!p0 [hbm:s6], $0xF7A  }
0x23: {  	s9 =	sor.u32 $0xD0000000, s2;
	s6 =	simm.s32 $0x108;
	_ =	swait.ge @!p0 [sflag:s8], $0x0  }
0x24: {  	s3 =	sadd.s32 $0x88, s3;
	s6 =	simm.s32 @!p1 $0x1082;
	[sflag:s4] =	ssyncset.s32 $0xFFFFF086  }
0x25: {  	[simem:s6], [sflag:s4] =	dma.local [hbm:s3], $0xF7A  }
0x26: {  	[smem:$0x3F89] =	sst s1;
	(tag) =	ssettag s2;
	_ =	strace s9  }
0x27: {  	s1 =	sld [smem:$0x3F99]  }
0x28: {  	s2 =	sld [smem:$0x3F9A]  }
0x29: {  	s4 =	sld [smem:$0x3F9C]  }
0x2a: {  	p0 =	seq.s32 s5, $0x0;
	s5 =	sld [smem:$0x3F9D]  }
0x2b: {  	s6 =	sld [smem:$0x3F9E]  }
0x2c: {  	s7 =	sld [smem:$0x3F9F]  }
0x2d: {  	s3 =	simm.s32 $0x108;
	s8 =	sld [smem:$0x3FA0]  }
0x2e: {  	s3 =	simm.s32 @!p0 $0x1082;
	s9 =	sld [smem:$0x3FA1]  }
0x2f: {  	lr =	sadd.s32 s0, s3;
	s0 =	sld [smem:$0x3F98]  }
0x30: {  	s3 =	sld [smem:$0x3F9B]  }
0x31: {  	[smem:$0x3FA4] =	sst s10  }
0x32: {  	s10 =	sld [smem:$0x3FA2];
	_ =	sdelay $0x3  }
0x33: {  	p0 =	seq.s32 s10, $0x1;
	s10 =	sld [smem:$0x3FA4];
	_ =	sdelay $0x3  }
0x34: {  	[smem:$0x3FA4] =	sst s10  }
0x35: {  	s10 =	sld [smem:$0x3FA3];
	_ =	sdelay $0x3  }
0x36: {  	p1 =	seq.s32 s10, $0x1;
	s10 =	sld [smem:$0x3FA4];
	_ =	sdelay $0x3  }
0x37: {  	[smem:$0x3FA4] =	sst s10  }
0x38: {  	s10 =	sld [smem:$0x3FA5]  }
0x39: {  	_ = 	snop;
	(pc) =	sbr.ind lr, $3  }
0x3a: {  	_ = 	snop  }
0x3b: {  	_ = 	snop  }
0x3c: {  	p2 =	seq.s32 s10, $0x1;
	s10 =	sld [smem:$0x3FA4]  }
0x3d: {  	_ =	shalt  }
0x3e: {  	_ =	shalt  }
0x3f: {  	_ =	shalt  }
0x40: {  	_ =	shalt  }
0x41: {  	_ =	shalt  }
0x42: {  	_ =	shalt  }
0x43: {  	_ =	shalt  }
0x44: {  	_ =	shalt  }
0x45: {  	_ =	shalt  }
0x46: {  	_ =	shalt  }
0x47: {  	_ =	shalt  }
0x48: {  	_ =	shalt  }
0x49: {  	_ =	shalt  }
0x4a: {  	_ =	shalt  }
0x4b: {  	_ =	shalt  }
0x4c: {  	_ =	shalt  }
0x4d: {  	_ =	shalt  }
0x4e: {  	_ =	shalt  }
0x4f: {  	_ =	shalt  }
0x50: {  	_ =	shalt  }
0x51: {  	_ =	shalt  }
0x52: {  	_ =	shalt  }
0x53: {  	_ =	shalt  }
0x54: {  	_ =	shalt  }
0x55: {  	_ =	shalt  }
0x56: {  	_ =	shalt  }
0x57: {  	_ =	shalt  }
0x58: {  	_ =	shalt  }
0x59: {  	_ =	shalt  }
0x5a: {  	_ =	shalt  }
0x5b: {  	_ =	shalt  }
0x5c: {  	_ =	shalt  }
0x5d: {  	_ =	shalt  }
0x5e: {  	_ =	shalt  }
0x5f: {  	_ =	shalt  }
0x60: {  	_ =	shalt  }
0x61: {  	_ =	shalt  }
0x62: {  	_ =	shalt  }
0x63: {  	_ =	shalt  }
0x64: {  	_ =	shalt  }
0x65: {  	_ =	shalt  }
0x66: {  	_ =	shalt  }
0x67: {  	_ =	shalt  }
0x68: {  	_ =	shalt  }
0x69: {  	_ =	shalt  }
0x6a: {  	_ =	shalt  }
0x6b: {  	_ =	shalt  }
0x6c: {  	_ =	shalt  }
0x6d: {  	_ =	shalt  }
0x6e: {  	_ =	shalt  }
0x6f: {  	_ =	shalt  }
0x70: {  	_ =	shalt  }
0x71: {  	_ =	shalt  }
0x72: {  	_ =	shalt  }
0x73: {  	_ =	shalt  }
0x74: {  	_ =	shalt  }
0x75: {  	_ =	shalt  }
0x76: {  	_ =	shalt  }
0x77: {  	_ =	shalt  }
0x78: {  	_ =	shalt  }
0x79: {  	_ =	shalt  }
0x7a: {  	_ =	shalt  }
0x7b: {  	_ =	shalt  }
0x7c: {  	_ =	shalt  }
0x7d: {  	_ =	shalt  }
0x7e: {  	_ =	shalt  }
0x7f: {  	_ =	shalt  }
0x80: {  	_ =	shalt  }
0x81: {  	_ =	shalt  }
0x82: {  	_ =	shalt  }
0x83: {  	_ =	shalt  }
0x84: {  	_ =	shalt  }
0x85: {  	_ =	shalt  }
0x86: {  	_ =	shalt  }
0x87: {  	_ =	shalt  }
.Lfunc_end0:
.L_simem_size_0:
called_computation.1_lowered:
.L_overlay_start_0:
0x88: {  	s2 =	sld [smem:$0x3FD9]  }
0x89: {  	s3 =	sld [smem:$0x3FFE];
	_ =	sdelay $0x1  }
0x8a: {  	s1 =	srdreg.scid  }
0x8b: {  	s0 =	sand.u32 $0x1, s1  }
0x8c: {  	s17 =	sshll.u32 s0, $0xA;
	s2 =	sadd.s32 s3, s2  }
0x8d: {  	s2 =	sadd.s32 s2, s17  }
0x8e: {  	[smem:$0x3FB0] =	sst s2  }
0x8f: {  	_ = 	snop  }
0x90: {  	s18 =	sld [smem:$0x3FD0];
	(tm) =	ssettm $0x1  }
0x91: {  	s19 =	sld [smem:$0x3FFB];
	_ =	sdelay $0x3  }
0x92: {  	_ =	strace s19  }
0x93: {  	s2 =	sld [smem:$0x3FFC];
	_ =	sdelay $0x3  }
0x94: {  	_ =	strace s2  }
0x95: {  	s2 =	sld [smem:$0x3FFD];
	_ =	sdelay $0x3  }
0x96: {  	_ =	strace s2  }
0x97: {  	_ =	strace $0x8FFFFFFF  }
0x98: {  	s20 =	sld [smem:$0x3FDB];
	_ =	sdelay $0x1  }
0x99: {  	s4 =	simm.s32 $_scs_section_size  }
0x9a: {  	s5 =	simm.s32 $_size__tile_overlayer_lowered;
	s6 =	simm.s32 $_tile_overlayer_lowered  }
0x9b: {  	s7 =	simm.s32 $0x1BFF;
	s21 =	sshll.u32 s6, $0x1;
	s4 =	sadd.s32 s4, s20  }
0x9c: {  	s22 =	simm.s32 $0x0;
	s5 =	sshll.u32 s5, $0x1;
	s6 =	sadd.s32 s21, s4  }
0x9d: {  	[timem:s22], [sflag:s7] =	dma.local [hbm:s6], s5  }
0x9e: {  	_ =	swait.ge [sflag:s7], s5  }
0x9f: {  	s5 =	ssub.s32 $0x0, s5;
	[sflag:s7] =	ssyncset.done $0x0  }
0xa0: {  	[sflag:s7] =	ssyncadd.s32 s5;
	_ =	sdelay $0x1  }
0xa1: {  	s23 =	simm.s32 $0x1B8B  }
0xa2: {  	_ =	swait.ge [sflag:s23], $0x1  }
0xa3: {  	[sflag:s23] =	ssyncset.done $0x0  }
0xa4: {  	[sflag:s23] =	ssyncadd.s32 $0xFFFFFFFF  }
0xa5: {  	s5 =	sld [smem:$0x0]  }
0xa6: {  	s6 =	sand.u32 $0xFFFFFFFE, s1  }
0xa7: {  	p0 =	sne.s32 s1, s6  }
0xa8: {  	s6 =	sshll.u32 @p0 s6, $0xE  }
0xa9: {  	s6 =	sadd.s32 @p0 $0x11B8D, s6;
	s7 =	sshll.u32 @p0 s5, $0x11  }
0xaa: {  	s6 =	sor.u32 @p0 s7, s6  }
0xab: {  	[sflag:s6] =	ssyncadd.remote.s32 @p0 $0x1;
	_ =	sdelay $0x1  }
0xac: {  	s6 =	simm.s32 @p0 $0x1B8D  }
0xad: {  	_ =	swait.eq @p0 [sflag:s6], $0x1  }
0xae: {  	[sflag:s6] =	ssyncadd.s32 @p0 $0xFFFFFFFF  }
0xaf: {  	s7 =	sshll.u32 @!p0 s1, $0xE  }
0xb0: {  	s7 =	sor.u32 @!p0 $0x4000, s7;
	s6 =	simm.s32 @!p0 $0x1B8D  }
0xb1: {  	s5 =	sshll.u32 @!p0 s5, $0x11;
	s7 =	sadd.s32 @!p0 $0x11B8D, s7;
	_ =	swait.eq @!p0 [sflag:s6], $0x1  }
0xb2: {  	s5 =	sor.u32 @!p0 s5, s7;
	[sflag:s6] =	ssyncadd.s32 @!p0 $0xFFFFFFFF  }
0xb3: {  	s25 =	simm.s32 $0x1B8E;
	s24 =	sld [smem:$0x3FFE];
	[sflag:s5] =	ssyncadd.remote.s32 @!p0 $0x1  }
0xb4: {  	s26 =	simm.s32 $execute0_lowered;
	[smem:$0x3FD2] =	sst s25  }
0xb5: {  	s6 =	sshll.u32 s26, $0x1;
	_ =	strace $0x80000049;
	[dreg:$0x1] =	wrdreg $0xFFFFFFFF  }
0xb6: {  	s28 =	simm.s32 $_size_execute0_lowered;
	s4 =	sadd.s32 s4, s6;
	[dreg:$0x0] =	wrdreg $0x0  }
0xb7: {  	s6 =	sshll.u32 s28, $0x1;
	[dreg:$0x2] =	wrdreg s4  }
0xb8: {  	[dreg:$0x3] =	wrdreg s6  }
0xb9: {  	[dreg:$0x4] =	wrdreg $0xC0  }
0xba: {  	_ =	task [dreg:s22], $0x5FFFF  }
0xbb: {  	[dreg:$0x1] =	wrdreg $0xFFFFFFFF  }
0xbc: {  	[dreg:$0x0] =	wrdreg $0x60  }
0xbd: {  	[dreg:$0x2] =	wrdreg s18  }
0xbe: {  	[dreg:$0x3] =	wrdreg s24  }
0xbf: {  	[dreg:$0x4] =	wrdreg $0x9  }
0xc0: {  	_ =	task.clear_ibuf [dreg:s22], $0x5FFFF;
	_ =	strace $0x90000049  }
0xc1: {  	s29 =	simm.s32 $0x9;
	_ =	strace $0x8000004B  }
0xc2: {  	_ =	swait.ge [sflag:s29], $0x1  }
0xc3: {  	[sflag:s29] =	ssyncadd.s32 $0xFFFFFFFF  }
0xc4: {  	_ =	strace $0x9000004B  }
0xc5: {  	_ =	sfence  }
0xc6: {  	s30 =	sld [smem:$0x0];
	_ =	sdelay $0x2  }
0xc7: {  	s31 =	sshll.u32 s1, $0xD;
	s1 =	sshrl.u32 s1, $0x2  }
0xc8: {  	s4 =	sand.u32 $0x4000, s31;
	s1 =	sadd.s32 s1, s30  }
0xc9: {  	s0 =	sor.u32 s4, s0;
	s1 =	sshll.u32 s1, $0x11  }
0xca: {  	s0 =	sor.u32 s1, s0  }
0xcb: {  	s0 =	sadd.s32 $0x8F2B, s0  }
0xcc: {  	[sflag:s0] =	ssyncadd.remote.s32 $0x1  }
0xcd: {  	_ =	sfence.sel $0xFFFF  }
0xce: {  	[dreg:$0x0] =	wrdreg $0xFFFFFFFF;
	(pc) =	sbr.abs _section_cstart, $3  }
0xcf: {  	[dreg:$0x1] =	wrdreg $0xFFFFFFFF  }
0xd0: {  	_ =	task.clear_ibuf [dreg:s22], $0x2FFFF;
	_ =	strace $0x9FFFFFFF  }
0xd1: {  	(tm) =	ssettm $0x7FFFFFFF  }
tec
execute0_lowered:
.L_overlay_start_1:
0x0: {  	(tag) =	ssettag $0x1  }
0x1: {  	s1 =	rddreg [dreg:$0x0]  }
0x2: {  	s4 =	rddreg [dreg:$0x1]  }
0x3: {  	s0 =	rddreg [dreg:$0x2];
	s3 =	simm.s32 $0x0;
	s5 =	srdreg.scid  }
0x4: {  	s2 =	stileid.u32;
	s10 =	simm.s32 $0x5400;
	s11 =	simm.s32 $0x6800  }
0x5: {  	s12 =	simm.s32 $0x7C00;
	s13 =	simm.s32 $0x9000;
	s14 =	simm.s32 $0x1  }
0x6: {  	s15 =	simm.s32 $0x0;
	[smem:$0x7FF] =	sst s3;
	s5 =	sand.u32 $0x1, s5  }
0x7: {  	s6 =	sshll.u32 s2, $0xB;
	s9 =	smul.u32 $0x13880, s2;
	_ =	strace $0x8000004A  }
0x8: {  	s7 =	smul.u32 $0x138800, s5;
	s8 =	sshll.u32 s5, $0xF;
	s5 =	ssub.s32 $0x2, s5  }
0x9: {  	s6 =	sor.u32 s6, s8;
	s30 =	sshrl.u32 s5, $0x1;
	s8 =	simm.s32 $0x28  }
0xa: {  	s7 =	sadd.s32 s7, s4;
	s4 =	sadd.s32 s6, s4;
	s5 =	ssub.s32 s5, s30  }
0xb: {  	s31 =	sadd.s32 s9, s7;
	s4 =	sadd.s32 $0x295200, s4;
	s5 =	smax.u32 s5, $0x1  }
0xc: {  	s7 =	simm.s32 $0x2;
	s9 =	simm.s32 $0x4000;
	s6 =	sadd.s32 $0x2A5200, s31  }
.LBB2_1:
0xd: {  	[tilespmem:s3], [sflag:$0x2] =	stream.linear.gather [hbm4b:s4+s3], $0x3E80, $0x38;
	[tilespmem:$0xA400] =	vst v63  }
0xe: {  	_ =	swait.ge [sflag:s7], $0x3E80  }
0xf: {  	[sflag:s7] =	ssyncset.done $0x0  }
0x10: {  	[sflag:s7] =	ssyncadd.s32 $0xFFFFC180  }
0x11: {  	[tilespmem:s9], [sflag:$0x1] =	stream.indirect.gather [hbm4b:s1+s8], $0x80, s3, s8, $0xb8;
	[tilespmem:$0xA400] =	vst v63  }
0x12: {  	s16 =	simm.s32 $0x80  }
0x13: {  	[tilespmem:s10], [sflag:$0x1] =	stream.indirect.gather [hbm4b:s1+s8], $0x80, s16, s8, $0xb8;
	[tilespmem:$0xA400] =	vst v63  }
0x14: {  	s25 =	simm.s32 $0x100  }
0x15: {  	[tilespmem:s11], [sflag:$0x1] =	stream.indirect.gather [hbm4b:s1+s8], $0x80, s25, s8, $0xb8;
	[tilespmem:$0xA400] =	vst v63  }
0x16: {  	s26 =	simm.s32 $0x180  }
0x17: {  	[tilespmem:s12], [sflag:$0x1] =	stream.indirect.gather [hbm4b:s1+s8], $0x80, s26, s8, $0xb8;
	[tilespmem:$0xA400] =	vst v63  }
0x18: {  	s28 =	simm.s32 $0x200  }
0x19: {  	[tilespmem:s13], [sflag:$0x1] =	stream.indirect.gather [hbm4b:s1+s8], $0x80, s28, s8, $0xb8;
	[tilespmem:$0xA400] =	vst v63  }
0x1a: {  	_ =	swait.ge [sflag:s14], $0x1400  }
0x1b: {  	[sflag:s14] =	ssyncset.done $0x0  }
0x1c: {  	s29 =	sadd.s32 $0x0, s6;
	[sflag:s14] =	ssyncadd.s32 $0xFFFFEC00  }
0x1d: {  	[hbm4b:s29+s3] =	stream.linear.scatter [tilespmem:s9], [sflag:$0x2], $0x1400, $0x38;
	[tilespmem:$0xA400] =	vst v63  }
0x1e: {  	_ =	swait.ge [sflag:s7], $0x1400  }
0x1f: {  	[sflag:s7] =	ssyncset.done $0x0  }
0x20: {  	[sflag:s7] =	ssyncadd.s32 $0xFFFFEC00  }
0x21: {  	_ =	swait.ge [sflag:s14], $0x1400  }
0x22: {  	[sflag:s14] =	ssyncset.done $0x0  }
0x23: {  	s17 =	sadd.s32 $0x280, s29;
	[sflag:s14] =	ssyncadd.s32 $0xFFFFEC00  }
0x24: {  	[hbm4b:s17+s3] =	stream.linear.scatter [tilespmem:s10], [sflag:$0x2], $0x1400, $0x38;
	[tilespmem:$0xA400] =	vst v63  }
0x25: {  	_ =	swait.ge [sflag:s7], $0x1400  }
0x26: {  	[sflag:s7] =	ssyncset.done $0x0  }
0x27: {  	[sflag:s7] =	ssyncadd.s32 $0xFFFFEC00  }
0x28: {  	_ =	swait.ge [sflag:s14], $0x1400  }
0x29: {  	[sflag:s14] =	ssyncset.done $0x0  }
0x2a: {  	s30 =	sadd.s32 $0x500, s29;
	[sflag:s14] =	ssyncadd.s32 $0xFFFFEC00  }
0x2b: {  	[hbm4b:s30+s3] =	stream.linear.scatter [tilespmem:s11], [sflag:$0x2], $0x1400, $0x38;
	[tilespmem:$0xA400] =	vst v63  }
0x2c: {  	_ =	swait.ge [sflag:s7], $0x1400  }
0x2d: {  	[sflag:s7] =	ssyncset.done $0x0  }
0x2e: {  	[sflag:s7] =	ssyncadd.s32 $0xFFFFEC00  }
0x2f: {  	_ =	swait.ge [sflag:s14], $0x1400  }
0x30: {  	[sflag:s14] =	ssyncset.done $0x0  }
0x31: {  	s31 =	sadd.s32 $0x780, s29;
	[sflag:s14] =	ssyncadd.s32 $0xFFFFEC00  }
0x32: {  	[hbm4b:s31+s3] =	stream.linear.scatter [tilespmem:s12], [sflag:$0x2], $0x1400, $0x38;
	[tilespmem:$0xA400] =	vst v63  }
0x33: {  	_ =	swait.ge [sflag:s7], $0x1400  }
0x34: {  	[sflag:s7] =	ssyncset.done $0x0  }
0x35: {  	[sflag:s7] =	ssyncadd.s32 $0xFFFFEC00  }
0x36: {  	_ =	swait.ge [sflag:s14], $0x1400  }
0x37: {  	[sflag:s14] =	ssyncset.done $0x0  }
0x38: {  	s16 =	sadd.s32 $0xA00, s29;
	[sflag:s14] =	ssyncadd.s32 $0xFFFFEC00  }
0x39: {  	[hbm4b:s16+s3] =	stream.linear.scatter [tilespmem:s13], [sflag:$0x2], $0x1400, $0x38;
	[tilespmem:$0xA400] =	vst v63  }
0x3a: {  	_ =	swait.ge [sflag:s7], $0x1400  }
0x3b: {  	s17 =	simm.s32 $0x0;
	s16 =	simm.s32 $0xC80;
	[sflag:s7] =	ssyncset.done $0x0  }
.LBB2_2:
0x3c: {  	p0 =	sne.s32 s16, $0x12C00;
	[sflag:s7] =	ssyncadd.s32 $0xFFFFEC00;
	s17 =	sadd.s32 $0x280, s17  }
0x3d: {  	[tilespmem:s9], [sflag:$0x1] =	stream.indirect.gather [hbm4b:s1+s8], $0x80, s17, s8, $0xb8;
	[tilespmem:$0xA400] =	vst v63  }
0x3e: {  	s19 =	smov.u32 s16;
	s16 =	sadd.s32 $0xC80, s16;
	s18 =	sadd.s32 $0x80, s17  }
0x3f: {  	[tilespmem:s10], [sflag:$0x1] =	stream.indirect.gather [hbm4b:s1+s8], $0x80, s18, s8, $0xb8;
	[tilespmem:$0xA400] =	vst v63  }
0x40: {  	s18 =	sadd.s32 $0x100, s17  }
0x41: {  	[tilespmem:s11], [sflag:$0x1] =	stream.indirect.gather [hbm4b:s1+s8], $0x80, s18, s8, $0xb8;
	[tilespmem:$0xA400] =	vst v63  }
0x42: {  	s18 =	sadd.s32 $0x180, s17  }
0x43: {  	[tilespmem:s12], [sflag:$0x1] =	stream.indirect.gather [hbm4b:s1+s8], $0x80, s18, s8, $0xb8;
	[tilespmem:$0xA400] =	vst v63  }
0x44: {  	s18 =	sadd.s32 $0x200, s17  }
0x45: {  	[tilespmem:s13], [sflag:$0x1] =	stream.indirect.gather [hbm4b:s1+s8], $0x80, s18, s8, $0xb8;
	[tilespmem:$0xA400] =	vst v63  }
0x46: {  	_ =	swait.ge [sflag:s14], $0x1400  }
0x47: {  	[sflag:s14] =	ssyncset.done $0x0  }
0x48: {  	s18 =	sadd.s32 s19, s6;
	[sflag:s14] =	ssyncadd.s32 $0xFFFFEC00  }
0x49: {  	[hbm4b:s18+s3] =	stream.linear.scatter [tilespmem:s9], [sflag:$0x2], $0x1400, $0x38;
	[tilespmem:$0xA400] =	vst v63  }
0x4a: {  	_ =	swait.ge [sflag:s7], $0x1400  }
0x4b: {  	[sflag:s7] =	ssyncset.done $0x0  }
0x4c: {  	[sflag:s7] =	ssyncadd.s32 $0xFFFFEC00  }
0x4d: {  	_ =	swait.ge [sflag:s14], $0x1400  }
0x4e: {  	[sflag:s14] =	ssyncset.done $0x0  }
0x4f: {  	s19 =	sadd.s32 $0x280, s18;
	[sflag:s14] =	ssyncadd.s32 $0xFFFFEC00  }
0x50: {  	[hbm4b:s19+s3] =	stream.linear.scatter [tilespmem:s10], [sflag:$0x2], $0x1400, $0x38;
	[tilespmem:$0xA400] =	vst v63  }
0x51: {  	_ =	swait.ge [sflag:s7], $0x1400  }
0x52: {  	[sflag:s7] =	ssyncset.done $0x0  }
0x53: {  	[sflag:s7] =	ssyncadd.s32 $0xFFFFEC00  }
0x54: {  	_ =	swait.ge [sflag:s14], $0x1400  }
0x55: {  	[sflag:s14] =	ssyncset.done $0x0  }
0x56: {  	s19 =	sadd.s32 $0x500, s18;
	[sflag:s14] =	ssyncadd.s32 $0xFFFFEC00  }
0x57: {  	[hbm4b:s19+s3] =	stream.linear.scatter [tilespmem:s11], [sflag:$0x2], $0x1400, $0x38;
	[tilespmem:$0xA400] =	vst v63  }
0x58: {  	_ =	swait.ge [sflag:s7], $0x1400  }
0x59: {  	[sflag:s7] =	ssyncset.done $0x0  }
0x5a: {  	[sflag:s7] =	ssyncadd.s32 $0xFFFFEC00  }
0x5b: {  	_ =	swait.ge [sflag:s14], $0x1400  }
0x5c: {  	[sflag:s14] =	ssyncset.done $0x0  }
0x5d: {  	s19 =	sadd.s32 $0x780, s18;
	[sflag:s14] =	ssyncadd.s32 $0xFFFFEC00  }
0x5e: {  	[hbm4b:s19+s3] =	stream.linear.scatter [tilespmem:s12], [sflag:$0x2], $0x1400, $0x38;
	[tilespmem:$0xA400] =	vst v63  }
0x5f: {  	_ =	swait.ge [sflag:s7], $0x1400  }
0x60: {  	[sflag:s7] =	ssyncset.done $0x0  }
0x61: {  	[sflag:s7] =	ssyncadd.s32 $0xFFFFEC00  }
0x62: {  	_ =	swait.ge [sflag:s14], $0x1400  }
.Ltmp0:
0x63: {  	[sflag:s14] =	ssyncset.done $0x0;
	(pc) =	sbr.rel @p0 .LBB2_2-.Ltmp0, $4  }
0x64: {  	s18 =	sadd.s32 $0xA00, s18;
	[sflag:s14] =	ssyncadd.s32 $0xFFFFEC00  }
0x65: {  	[hbm4b:s18+s3] =	stream.linear.scatter [tilespmem:s13], [sflag:$0x2], $0x1400, $0x38;
	[tilespmem:$0xA400] =	vst v63  }
0x66: {  	_ =	swait.ge [sflag:s7], $0x1400  }
0x67: {  	[sflag:s7] =	ssyncset.done $0x0  }
0x68: {  	s15 =	sadd.s32 $0x1, s15  }
0x69: {  	p0 =	sne.s32 s15, s5  }
.Ltmp1:
0x6a: {  	_ = 	snop;
	(pc) =	sbr.rel @p0 .LBB2_1-.Ltmp1, $2  }
0x6b: {  	_ =	sdelay $0x2  }
0x6c: {  	[sflag:s7] =	ssyncadd.s32 $0xFFFFEC00  }
0x6d: {  	_ =	sfence.sel $0x180000  }
0x6e: {  	[bflag:$0x0] =	sbarrier.arrive $0xFFFF  }
0x6f: {  	p0 =	sne.s32 s2, $0x0;
	_ =	strace $0x9000004A  }
0x70: {  	s0 =	sadd.s32 @!p0 $0x100000, s0;
	[bflag:$0x2] =	sbarrier.arrive $0xFFFF  }
0x71: {  	[sflag:s0] =	ssyncadd.tile.s32 @!p0 $0x1;
	_ =	shalt  }
.Lfunc_end2:
_tile_overlayer_lowered:
.L_overlay_start_2:
0x72: {  	(tag) =	ssettag $0x2  }
0x73: {  	s0 =	rddreg [dreg:$0x0];
	s2 =	stileid.u32  }
0x74: {  	s1 =	rddreg [dreg:$0x1];
	p0 =	sne.s32 s2, $0x0  }
0x75: {  	s3 =	rddreg [dreg:$0x2];
	[bflag:$0x3] =	sbarrier.arrive $0xFFFF;
	s2 =	simm.s32 @!p0 $0x1C02  }
0x76: {  	[timem:s3], [sflag:s2] =	dma.local @!p0 [hbm:s0], s1  }
0x77: {  	s0 =	simm.s32 @!p0 $0x2  }
0x78: {  	_ =	swait.ge @!p0 [sflag:s0], s1  }
0x79: {  	s1 =	ssub.s32 @!p0 $0x0, s1;
	[sflag:s0] =	ssyncset.done @!p0 $0x0  }
0x7a: {  	[sflag:s0] =	ssyncadd.s32 @!p0 s1  }
0x7b: {  	[bflag:$0x3] =	sbarrier.arrive $0xFFFF  }
0x7c: {  	_ =	shalt  }

// kernel: kernel.16.cloned.1.call-start
scs
__scs_entry_jumppad:
0x0: {  	(pc) =	sbr.rel $0x88, $3  }
0x1: {  	(tag) =	ssettag $0x0;
	lr =	simm.s32 $0x1  }
0x2: {  	[smem:$0x3F89] =	sst lr;
	_ =	strace $0xD0000000  }
0x3: {  	_ = 	snop  }
0x4: {  	_ = 	snop  }
0x5: {  	_ = 	snop  }
0x6: {  	_ = 	snop  }
0x7: {  	_ = 	snop  }
__scs_overlays_trampoline_lowered:
0x8: {  	[smem:$0x3F98] =	sst s0  }
0x9: {  	[smem:$0x3F99] =	sst s1  }
0xa: {  	[smem:$0x3F9A] =	sst s2  }
0xb: {  	[smem:$0x3F9B] =	sst s3  }
0xc: {  	[smem:$0x3F9C] =	sst s4  }
0xd: {  	[smem:$0x3F9D] =	sst s5  }
0xe: {  	[smem:$0x3F9E] =	sst s6  }
0xf: {  	[smem:$0x3F9F] =	sst s7  }
0x10: {  	[smem:$0x3FA0] =	sst s8  }
0x11: {  	[smem:$0x3FA1] =	sst s9;
	s0 =	simm.s32 @!p0 $0x0  }
0x12: {  	s1 =	sld [smem:$0x3F87];
	s0 =	simm.s32 @p0 $0x1  }
0x13: {  	[smem:$0x3FA2] =	sst s0;
	s0 =	simm.s32 @!p1 $0x0  }
0x14: {  	s2 =	sld [smem:$0x3F86];
	s0 =	simm.s32 @p1 $0x1  }
0x15: {  	[smem:$0x3FA3] =	sst s0;
	s0 =	simm.s32 @!p2 $0x0  }
0x16: {  	s3 =	sld [smem:$0x3FDB];
	s0 =	simm.s32 @p2 $0x1  }
0x17: {  	s4 =	simm.s32 $0x1BF5;
	[smem:$0x3FA5] =	sst s0  }
0x18: {  	s0 =	sld [smem:$0x3F88];
	_ =	swait.ge [sflag:s4], $0x0  }
0x19: {  	s7 =	sld [smem:$0x3F89]  }
0x1a: {  	s8 =	sadd.s32 $0xFFFFE003, lr  }
0x1b: {  	s9 =	sadd.s32 $0xFFFFFEF7, lr;
	s5 =	simm.s32 $0xFFFFFFFF;
	p2 =	slt.u32 s8, $0xFFFFF086  }
0x1c: {  	p1 =	slt.u32 s9, $0xF7A;
	s5 =	simm.s32 @!p2 $0x0  }
0x1d: {  	s5 =	simm.s32 @p1 $0x1;
	p0 =	seq.s32 s7, s2  }
0x1e: {  	s7 =	smul.u32 @!p0 $0xF7A, s2;
	p2 =	seq.s32 @!p0 s5, $0x0  }
0x1f: {  	s9 =	smul.u32 $0xF7A, s1;
	s8 =	simm.s32 @!p0 $0x1BF5;
	p2 =	por !p2, p0  }
0x20: {  	[sflag:s8] =	ssyncset.s32 @!p0 $0xFFFFF086;
	s6 =	sadd.s32 @!p0 s3, s7;
	s7 =	simm.s32 @!p0 $0x108  }
0x21: {  	s3 =	sadd.s32 s3, s9;
	s6 =	sadd.s32 @!p0 $0x88, s6;
	s7 =	simm.s32 @p2 $0x1082  }
0x22: {  	[simem:s7], [sflag:s8] =	dma.local @!p0 [hbm:s6], $0xF7A  }
0x23: {  	s9 =	sor.u32 $0xD0000000, s2;
	s6 =	simm.s32 $0x108;
	_ =	swait.ge @!p0 [sflag:s8], $0x0  }
0x24: {  	s3 =	sadd.s32 $0x88, s3;
	s6 =	simm.s32 @!p1 $0x1082;
	[sflag:s4] =	ssyncset.s32 $0xFFFFF086  }
0x25: {  	[simem:s6], [sflag:s4] =	dma.local [hbm:s3], $0xF7A  }
0x26: {  	[smem:$0x3F89] =	sst s1;
	(tag) =	ssettag s2;
	_ =	strace s9  }
0x27: {  	s1 =	sld [smem:$0x3F99]  }
0x28: {  	s2 =	sld [smem:$0x3F9A]  }
0x29: {  	s4 =	sld [smem:$0x3F9C]  }
0x2a: {  	p0 =	seq.s32 s5, $0x0;
	s5 =	sld [smem:$0x3F9D]  }
0x2b: {  	s6 =	sld [smem:$0x3F9E]  }
0x2c: {  	s7 =	sld [smem:$0x3F9F]  }
0x2d: {  	s3 =	simm.s32 $0x108;
	s8 =	sld [smem:$0x3FA0]  }
0x2e: {  	s3 =	simm.s32 @!p0 $0x1082;
	s9 =	sld [smem:$0x3FA1]  }
0x2f: {  	lr =	sadd.s32 s0, s3;
	s0 =	sld [smem:$0x3F98]  }
0x30: {  	s3 =	sld [smem:$0x3F9B]  }
0x31: {  	[smem:$0x3FA4] =	sst s10  }
0x32: {  	s10 =	sld [smem:$0x3FA2];
	_ =	sdelay $0x3  }
0x33: {  	p0 =	seq.s32 s10, $0x1;
	s10 =	sld [smem:$0x3FA4];
	_ =	sdelay $0x3  }
0x34: {  	[smem:$0x3FA4] =	sst s10  }
0x35: {  	s10 =	sld [smem:$0x3FA3];
	_ =	sdelay $0x3  }
0x36: {  	p1 =	seq.s32 s10, $0x1;
	s10 =	sld [smem:$0x3FA4];
	_ =	sdelay $0x3  }
0x37: {  	[smem:$0x3FA4] =	sst s10  }
0x38: {  	s10 =	sld [smem:$0x3FA5]  }
0x39: {  	_ = 	snop;
	(pc) =	sbr.ind lr, $3  }
0x3a: {  	_ = 	snop  }
0x3b: {  	_ = 	snop  }
0x3c: {  	p2 =	seq.s32 s10, $0x1;
	s10 =	sld [smem:$0x3FA4]  }
0x3d: {  	_ =	shalt  }
0x3e: {  	_ =	shalt  }
0x3f: {  	_ =	shalt  }
0x40: {  	_ =	shalt  }
0x41: {  	_ =	shalt  }
0x42: {  	_ =	shalt  }
0x43: {  	_ =	shalt  }
0x44: {  	_ =	shalt  }
0x45: {  	_ =	shalt  }
0x46: {  	_ =	shalt  }
0x47: {  	_ =	shalt  }
0x48: {  	_ =	shalt  }
0x49: {  	_ =	shalt  }
0x4a: {  	_ =	shalt  }
0x4b: {  	_ =	shalt  }
0x4c: {  	_ =	shalt  }
0x4d: {  	_ =	shalt  }
0x4e: {  	_ =	shalt  }
0x4f: {  	_ =	shalt  }
0x50: {  	_ =	shalt  }
0x51: {  	_ =	shalt  }
0x52: {  	_ =	shalt  }
0x53: {  	_ =	shalt  }
0x54: {  	_ =	shalt  }
0x55: {  	_ =	shalt  }
0x56: {  	_ =	shalt  }
0x57: {  	_ =	shalt  }
0x58: {  	_ =	shalt  }
0x59: {  	_ =	shalt  }
0x5a: {  	_ =	shalt  }
0x5b: {  	_ =	shalt  }
0x5c: {  	_ =	shalt  }
0x5d: {  	_ =	shalt  }
0x5e: {  	_ =	shalt  }
0x5f: {  	_ =	shalt  }
0x60: {  	_ =	shalt  }
0x61: {  	_ =	shalt  }
0x62: {  	_ =	shalt  }
0x63: {  	_ =	shalt  }
0x64: {  	_ =	shalt  }
0x65: {  	_ =	shalt  }
0x66: {  	_ =	shalt  }
0x67: {  	_ =	shalt  }
0x68: {  	_ =	shalt  }
0x69: {  	_ =	shalt  }
0x6a: {  	_ =	shalt  }
0x6b: {  	_ =	shalt  }
0x6c: {  	_ =	shalt  }
0x6d: {  	_ =	shalt  }
0x6e: {  	_ =	shalt  }
0x6f: {  	_ =	shalt  }
0x70: {  	_ =	shalt  }
0x71: {  	_ =	shalt  }
0x72: {  	_ =	shalt  }
0x73: {  	_ =	shalt  }
0x74: {  	_ =	shalt  }
0x75: {  	_ =	shalt  }
0x76: {  	_ =	shalt  }
0x77: {  	_ =	shalt  }
0x78: {  	_ =	shalt  }
0x79: {  	_ =	shalt  }
0x7a: {  	_ =	shalt  }
0x7b: {  	_ =	shalt  }
0x7c: {  	_ =	shalt  }
0x7d: {  	_ =	shalt  }
0x7e: {  	_ =	shalt  }
0x7f: {  	_ =	shalt  }
0x80: {  	_ =	shalt  }
0x81: {  	_ =	shalt  }
0x82: {  	_ =	shalt  }
0x83: {  	_ =	shalt  }
0x84: {  	_ =	shalt  }
0x85: {  	_ =	shalt  }
0x86: {  	_ =	shalt  }
0x87: {  	_ =	shalt  }
.Lfunc_end0:
.L_simem_size_0:
called_computation.2_lowered:
.L_overlay_start_0:
0x88: {  	s2 =	sld [smem:$0x3FD9]  }
0x89: {  	s3 =	sld [smem:$0x3FFE];
	_ =	sdelay $0x1  }
0x8a: {  	s1 =	srdreg.scid  }
0x8b: {  	s0 =	sand.u32 $0x1, s1  }
0x8c: {  	s17 =	sshll.u32 s0, $0xA;
	s2 =	sadd.s32 s3, s2  }
0x8d: {  	s2 =	sadd.s32 s2, s17  }
0x8e: {  	[smem:$0x3FB0] =	sst s2  }
0x8f: {  	_ = 	snop  }
0x90: {  	(tm) =	ssettm $0x1  }
0x91: {  	s18 =	sld [smem:$0x3FFB];
	_ =	sdelay $0x3  }
0x92: {  	_ =	strace s18  }
0x93: {  	s2 =	sld [smem:$0x3FFC];
	_ =	sdelay $0x3  }
0x94: {  	_ =	strace s2  }
0x95: {  	s2 =	sld [smem:$0x3FFD];
	_ =	sdelay $0x3  }
0x96: {  	_ =	strace s2  }
0x97: {  	_ =	strace $0x8FFFFFFF  }
0x98: {  	s19 =	sld [smem:$0x3FDB];
	_ =	sdelay $0x1  }
0x99: {  	s20 =	simm.s32 $_scs_section_size  }
0x9a: {  	s4 =	simm.s32 $_size__tile_overlayer_lowered;
	s5 =	simm.s32 $_tile_overlayer_lowered  }
0x9b: {  	s6 =	simm.s32 $0x1BFF;
	s21 =	sshll.u32 s5, $0x1;
	s3 =	sadd.s32 s20, s19  }
0x9c: {  	s22 =	simm.s32 $0x0;
	s4 =	sshll.u32 s4, $0x1;
	s5 =	sadd.s32 s21, s3  }
0x9d: {  	[timem:s22], [sflag:s6] =	dma.local [hbm:s5], s4  }
0x9e: {  	_ =	swait.ge [sflag:s6], s4  }
0x9f: {  	s4 =	ssub.s32 $0x0, s4;
	[sflag:s6] =	ssyncset.done $0x0  }
0xa0: {  	[sflag:s6] =	ssyncadd.s32 s4;
	_ =	sdelay $0x1  }
0xa1: {  	s23 =	simm.s32 $0x1B8B  }
0xa2: {  	_ =	swait.ge [sflag:s23], $0x1  }
0xa3: {  	[sflag:s23] =	ssyncset.done $0x0  }
0xa4: {  	[sflag:s23] =	ssyncadd.s32 $0xFFFFFFFF  }
0xa5: {  	s4 =	sld [smem:$0x0]  }
0xa6: {  	s5 =	sand.u32 $0xFFFFFFFE, s1  }
0xa7: {  	p0 =	sne.s32 s1, s5  }
0xa8: {  	s5 =	sshll.u32 @p0 s5, $0xE  }
0xa9: {  	s5 =	sadd.s32 @p0 $0x11B8D, s5;
	s6 =	sshll.u32 @p0 s4, $0x11  }
0xaa: {  	s5 =	sor.u32 @p0 s6, s5  }
0xab: {  	[sflag:s5] =	ssyncadd.remote.s32 @p0 $0x1;
	_ =	sdelay $0x1  }
0xac: {  	s5 =	simm.s32 @p0 $0x1B8D  }
0xad: {  	_ =	swait.eq @p0 [sflag:s5], $0x1  }
0xae: {  	[sflag:s5] =	ssyncadd.s32 @p0 $0xFFFFFFFF  }
0xaf: {  	s6 =	sshll.u32 @!p0 s1, $0xE  }
0xb0: {  	s6 =	sor.u32 @!p0 $0x4000, s6;
	s5 =	simm.s32 @!p0 $0x1B8D  }
0xb1: {  	s4 =	sshll.u32 @!p0 s4, $0x11;
	s6 =	sadd.s32 @!p0 $0x11B8D, s6;
	_ =	swait.eq @!p0 [sflag:s5], $0x1  }
0xb2: {  	s4 =	sor.u32 @!p0 s4, s6;
	[sflag:s5] =	ssyncadd.s32 @!p0 $0xFFFFFFFF  }
0xb3: {  	s25 =	simm.s32 $0x1B8E;
	s24 =	sld [smem:$0x3FFE];
	[sflag:s4] =	ssyncadd.remote.s32 @!p0 $0x1  }
0xb4: {  	s26 =	simm.s32 $execute0_lowered;
	[smem:$0x3FD2] =	sst s25  }
0xb5: {  	s5 =	sshll.u32 s26, $0x1;
	_ =	strace $0x8000004C;
	[dreg:$0x1] =	wrdreg $0xFFFFFFFF  }
0xb6: {  	s28 =	simm.s32 $_size_execute0_lowered;
	s3 =	sadd.s32 s3, s5;
	[dreg:$0x0] =	wrdreg $0x0  }
0xb7: {  	s5 =	sshll.u32 s28, $0x1;
	[dreg:$0x2] =	wrdreg s3  }
0xb8: {  	[dreg:$0x3] =	wrdreg s5  }
0xb9: {  	[dreg:$0x4] =	wrdreg $0xC0  }
0xba: {  	_ =	task [dreg:s22], $0x5FFFF  }
0xbb: {  	[dreg:$0x1] =	wrdreg $0xFFFFFFFF  }
0xbc: {  	[dreg:$0x0] =	wrdreg $0x60  }
0xbd: {  	[dreg:$0x2] =	wrdreg s24  }
0xbe: {  	[dreg:$0x3] =	wrdreg $0x68000  }
0xbf: {  	[dreg:$0x4] =	wrdreg $0xA  }
0xc0: {  	_ =	task.clear_ibuf [dreg:s22], $0x5FFFF;
	_ =	strace $0x9000004C  }
0xc1: {  	s29 =	simm.s32 $0xA;
	_ =	strace $0x8000004E  }
0xc2: {  	_ =	swait.ge [sflag:s29], $0x1  }
0xc3: {  	[sflag:s29] =	ssyncadd.s32 $0xFFFFFFFF  }
0xc4: {  	_ =	strace $0x9000004E  }
0xc5: {  	_ =	sfence  }
0xc6: {  	s30 =	sld [smem:$0x0];
	_ =	sdelay $0x2  }
0xc7: {  	s31 =	sshll.u32 s1, $0xD;
	s1 =	sshrl.u32 s1, $0x2  }
0xc8: {  	s4 =	sand.u32 $0x4000, s31;
	s1 =	sadd.s32 s1, s30  }
0xc9: {  	s0 =	sor.u32 s4, s0;
	s1 =	sshll.u32 s1, $0x11  }
0xca: {  	s0 =	sor.u32 s1, s0  }
0xcb: {  	s0 =	sadd.s32 $0x8F2B, s0  }
0xcc: {  	[sflag:s0] =	ssyncadd.remote.s32 $0x1  }
0xcd: {  	_ =	sfence.sel $0xFFFF  }
0xce: {  	[dreg:$0x0] =	wrdreg $0xFFFFFFFF;
	(pc) =	sbr.abs _section_cstart, $3  }
0xcf: {  	[dreg:$0x1] =	wrdreg $0xFFFFFFFF  }
0xd0: {  	_ =	task.clear_ibuf [dreg:s22], $0x2FFFF;
	_ =	strace $0x9FFFFFFF  }
0xd1: {  	(tm) =	ssettm $0x7FFFFFFF  }
tec
execute0_lowered:
.L_overlay_start_1:
0x0: {  	(tag) =	ssettag $0x1  }
0x1: {  	s4 =	rddreg [dreg:$0x0]  }
0x2: {  	s0 =	srdreg.scid;
	s2 =	rddreg [dreg:$0x1]  }
0x3: {  	s1 =	rddreg [dreg:$0x2];
	s3 =	simm.s32 $0x0;
	s13 =	simm.s32 $0x1800  }
0x4: {  	s14 =	simm.s32 $0x2C00;
	s15 =	simm.s32 $0x4000;
	s5 =	sand.u32 $0x1, s0  }
0x5: {  	s16 =	simm.s32 $0x5400;
	s0 =	stileid.u32;
	s6 =	smul.u32 $0x64000, s5  }
0x6: {  	s17 =	simm.s32 $0x2;
	s18 =	simm.s32 $0x1;
	s7 =	smul.u32 $0x6400, s0  }
0x7: {  	s19 =	simm.s32 $0x28;
	s20 =	simm.s32 $0x80;
	s8 =	smul.u32 $0x138800, s5  }
0x8: {  	s21 =	simm.s32 $0x100;
	s22 =	simm.s32 $0x180;
	s24 =	smul.u32 $0x2800, s0  }
0x9: {  	s23 =	simm.s32 $0x200;
	[smem:$0x7FF] =	sst s3;
	s9 =	smul.u32 $0x28000, s5  }
0xa: {  	_ =	strace $0x8000004D;
	s5 =	ssub.s32 $0x2, s5;
	s26 =	smul.u32 $0x50000, s0  }
0xb: {  	s30 =	smul.u32 $0x13880, s0;
	s31 =	sshll.u32 s0, $0x6;
	s28 =	sshrl.u32 s5, $0x1  }
0xc: {  	s6 =	sadd.s32 s7, s6;
	s8 =	sadd.s32 s8, s4;
	s25 =	sadd.s32 s24, s9  }
0xd: {  	s7 =	sadd.s32 s24, s4;
	s11 =	ssub.s32 s5, s28;
	s29 =	sshrl.u32 s26, $0x2  }
0xe: {  	s5 =	sor.u32 $0x1C03, s31;
	s24 =	simm.s32 $0x0;
	s6 =	sshrl.u32 s6, $0x3  }
0xf: {  	s12 =	sadd.s32 s29, s2;
	s9 =	sadd.s32 s30, s8;
	s10 =	sadd.s32 s6, s4  }
0x10: {  	s6 =	sadd.s32 s25, s4;
	s4 =	sadd.s32 $0x5400, s7;
	s7 =	smax.u32 s11, $0x1  }
0x11: {  	s9 =	sadd.s32 $0x52F200, s9;
	s11 =	simm.s32 $0x3;
	s6 =	sadd.s32 $0x2D400, s6  }
0x12: {  	s8 =	sadd.s32 $0x516200, s10;
	s10 =	sshrl.u32 s12, $0x3;
	s12 =	simm.s32 $0x400  }
.LBB2_1:
0x13: {  	[spmem:s10], [sflag:s5] =	dma.local [hbm:s4], $0x2800  }
0x14: {  	_ =	swait.ge [sflag:s11], $0x2800  }
0x15: {  	[sflag:s11] =	ssyncset.done $0x0  }
0x16: {  	[sflag:s11] =	ssyncadd.s32 $0xFFFFD800  }
0x17: {  	[bflag:$0x0] =	sbarrier.arrive $0xFFFF  }
0x18: {  	[tilespmem:s3], [sflag:$0x2] =	stream.linear.gather [hbm4b:s8+s3], $0x280, $0x38;
	[tilespmem:$0x1A800] =	vst v63  }
0x19: {  	s25 =	sadd.s32 $0x0, s9  }
0x1a: {  	[tilespmem:s12], [sflag:$0x1] =	stream.linear.gather [hbm4b:s25+s3], $0x1400, $0x38;
	[tilespmem:$0x1A800] =	vst v63  }
0x1b: {  	s26 =	sadd.s32 $0x280, s25  }
0x1c: {  	[tilespmem:s13], [sflag:$0x1] =	stream.linear.gather [hbm4b:s26+s3], $0x1400, $0x38;
	[tilespmem:$0x1A800] =	vst v63  }
0x1d: {  	s30 =	sadd.s32 $0x500, s25  }
0x1e: {  	[tilespmem:s14], [sflag:$0x1] =	stream.linear.gather [hbm4b:s30+s3], $0x1400, $0x38;
	[tilespmem:$0x1A800] =	vst v63  }
0x1f: {  	s31 =	sadd.s32 $0x780, s25  }
0x20: {  	[tilespmem:s15], [sflag:$0x1] =	stream.linear.gather [hbm4b:s31+s3], $0x1400, $0x38;
	[tilespmem:$0x1A800] =	vst v63  }
0x21: {  	s25 =	sadd.s32 $0xA00, s25  }
0x22: {  	[tilespmem:s16], [sflag:$0x1] =	stream.linear.gather [hbm4b:s25+s3], $0x1400, $0x38;
	[tilespmem:$0x1A800] =	vst v63  }
0x23: {  	_ =	swait.ge [sflag:s17], $0x280  }
0x24: {  	[sflag:s17] =	ssyncset.done $0x0  }
0x25: {  	[sflag:s17] =	ssyncadd.s32 $0xFFFFFD80  }
0x26: {  	_ =	swait.ge [sflag:s18], $0x1400  }
0x27: {  	[sflag:s18] =	ssyncset.done $0x0  }
0x28: {  	[sflag:s18] =	ssyncadd.s32 $0xFFFFEC00  }
0x29: {  	[spmem:s2] =	stream.indirect.scatter.add.f32 [tilespmem:s12], [sflag:$0x3], $0x80, s3, s19, $0xb8;
	[tilespmem:$0x1A800] =	vst v63  }
0x2a: {  	_ =	swait.ge [sflag:s11], $0x1400  }
0x2b: {  	[sflag:s11] =	ssyncset.done $0x0  }
0x2c: {  	[sflag:s11] =	ssyncadd.s32 $0xFFFFEC00  }
0x2d: {  	_ =	swait.ge [sflag:s18], $0x1400  }
0x2e: {  	[sflag:s18] =	ssyncset.done $0x0  }
0x2f: {  	[sflag:s18] =	ssyncadd.s32 $0xFFFFEC00  }
0x30: {  	[spmem:s2] =	stream.indirect.scatter.add.f32 [tilespmem:s13], [sflag:$0x3], $0x80, s20, s19, $0xb8;
	[tilespmem:$0x1A800] =	vst v63  }
0x31: {  	_ =	swait.ge [sflag:s11], $0x1400  }
0x32: {  	[sflag:s11] =	ssyncset.done $0x0  }
0x33: {  	[sflag:s11] =	ssyncadd.s32 $0xFFFFEC00  }
0x34: {  	_ =	swait.ge [sflag:s18], $0x1400  }
0x35: {  	[sflag:s18] =	ssyncset.done $0x0  }
0x36: {  	[sflag:s18] =	ssyncadd.s32 $0xFFFFEC00  }
0x37: {  	[spmem:s2] =	stream.indirect.scatter.add.f32 [tilespmem:s14], [sflag:$0x3], $0x80, s21, s19, $0xb8;
	[tilespmem:$0x1A800] =	vst v63  }
0x38: {  	_ =	swait.ge [sflag:s11], $0x1400  }
0x39: {  	[sflag:s11] =	ssyncset.done $0x0  }
0x3a: {  	[sflag:s11] =	ssyncadd.s32 $0xFFFFEC00  }
0x3b: {  	_ =	swait.ge [sflag:s18], $0x1400  }
0x3c: {  	[sflag:s18] =	ssyncset.done $0x0  }
0x3d: {  	[sflag:s18] =	ssyncadd.s32 $0xFFFFEC00  }
0x3e: {  	[spmem:s2] =	stream.indirect.scatter.add.f32 [tilespmem:s15], [sflag:$0x3], $0x80, s22, s19, $0xb8;
	[tilespmem:$0x1A800] =	vst v63  }
0x3f: {  	_ =	swait.ge [sflag:s11], $0x1400  }
0x40: {  	[sflag:s11] =	ssyncset.done $0x0  }
0x41: {  	[sflag:s11] =	ssyncadd.s32 $0xFFFFEC00  }
0x42: {  	_ =	swait.ge [sflag:s18], $0x1400  }
0x43: {  	[sflag:s18] =	ssyncset.done $0x0  }
0x44: {  	[sflag:s18] =	ssyncadd.s32 $0xFFFFEC00  }
0x45: {  	[spmem:s2] =	stream.indirect.scatter.add.f32 [tilespmem:s16], [sflag:$0x3], $0x80, s23, s19, $0xb8;
	[tilespmem:$0x1A800] =	vst v63  }
0x46: {  	_ =	swait.ge [sflag:s11], $0x1400  }
0x47: {  	s26 =	smov.u32 s8;
	s25 =	simm.s32 $0xC80;
	[sflag:s11] =	ssyncset.done $0x0  }
.LBB2_2:
0x48: {  	p0 =	sne.s32 s25, $0x12C00;
	[sflag:s11] =	ssyncadd.s32 $0xFFFFEC00;
	s26 =	sadd.s32 $0x80, s26  }
0x49: {  	[tilespmem:s3], [sflag:$0x2] =	stream.linear.gather [hbm4b:s26+s3], $0x280, $0x38;
	[tilespmem:$0x1A800] =	vst v63  }
0x4a: {  	s28 =	sadd.s32 s25, s9;
	s25 =	sadd.s32 $0xC80, s25  }
0x4b: {  	[tilespmem:s12], [sflag:$0x1] =	stream.linear.gather [hbm4b:s28+s3], $0x1400, $0x38;
	[tilespmem:$0x1A800] =	vst v63  }
0x4c: {  	s29 =	sadd.s32 $0x280, s28  }
0x4d: {  	[tilespmem:s13], [sflag:$0x1] =	stream.linear.gather [hbm4b:s29+s3], $0x1400, $0x38;
	[tilespmem:$0x1A800] =	vst v63  }
0x4e: {  	s29 =	sadd.s32 $0x500, s28  }
0x4f: {  	[tilespmem:s14], [sflag:$0x1] =	stream.linear.gather [hbm4b:s29+s3], $0x1400, $0x38;
	[tilespmem:$0x1A800] =	vst v63  }
0x50: {  	s29 =	sadd.s32 $0x780, s28  }
0x51: {  	[tilespmem:s15], [sflag:$0x1] =	stream.linear.gather [hbm4b:s29+s3], $0x1400, $0x38;
	[tilespmem:$0x1A800] =	vst v63  }
0x52: {  	s28 =	sadd.s32 $0xA00, s28  }
0x53: {  	[tilespmem:s16], [sflag:$0x1] =	stream.linear.gather [hbm4b:s28+s3], $0x1400, $0x38;
	[tilespmem:$0x1A800] =	vst v63  }
0x54: {  	_ =	swait.ge [sflag:s17], $0x280  }
0x55: {  	[sflag:s17] =	ssyncset.done $0x0  }
0x56: {  	[sflag:s17] =	ssyncadd.s32 $0xFFFFFD80  }
0x57: {  	_ =	swait.ge [sflag:s18], $0x1400  }
0x58: {  	[sflag:s18] =	ssyncset.done $0x0  }
0x59: {  	[sflag:s18] =	ssyncadd.s32 $0xFFFFEC00  }
0x5a: {  	[spmem:s2] =	stream.indirect.scatter.add.f32 [tilespmem:s12], [sflag:$0x3], $0x80, s3, s19, $0xb8;
	[tilespmem:$0x1A800] =	vst v63  }
0x5b: {  	_ =	swait.ge [sflag:s11], $0x1400  }
0x5c: {  	[sflag:s11] =	ssyncset.done $0x0  }
0x5d: {  	[sflag:s11] =	ssyncadd.s32 $0xFFFFEC00  }
0x5e: {  	_ =	swait.ge [sflag:s18], $0x1400  }
0x5f: {  	[sflag:s18] =	ssyncset.done $0x0  }
0x60: {  	[sflag:s18] =	ssyncadd.s32 $0xFFFFEC00  }
0x61: {  	[spmem:s2] =	stream.indirect.scatter.add.f32 [tilespmem:s13], [sflag:$0x3], $0x80, s20, s19, $0xb8;
	[tilespmem:$0x1A800] =	vst v63  }
0x62: {  	_ =	swait.ge [sflag:s11], $0x1400  }
0x63: {  	[sflag:s11] =	ssyncset.done $0x0  }
0x64: {  	[sflag:s11] =	ssyncadd.s32 $0xFFFFEC00  }
0x65: {  	_ =	swait.ge [sflag:s18], $0x1400  }
0x66: {  	[sflag:s18] =	ssyncset.done $0x0  }
0x67: {  	[sflag:s18] =	ssyncadd.s32 $0xFFFFEC00  }
0x68: {  	[spmem:s2] =	stream.indirect.scatter.add.f32 [tilespmem:s14], [sflag:$0x3], $0x80, s21, s19, $0xb8;
	[tilespmem:$0x1A800] =	vst v63  }
0x69: {  	_ =	swait.ge [sflag:s11], $0x1400  }
0x6a: {  	[sflag:s11] =	ssyncset.done $0x0  }
0x6b: {  	[sflag:s11] =	ssyncadd.s32 $0xFFFFEC00  }
0x6c: {  	_ =	swait.ge [sflag:s18], $0x1400  }
0x6d: {  	[sflag:s18] =	ssyncset.done $0x0  }
0x6e: {  	[sflag:s18] =	ssyncadd.s32 $0xFFFFEC00  }
0x6f: {  	[spmem:s2] =	stream.indirect.scatter.add.f32 [tilespmem:s15], [sflag:$0x3], $0x80, s22, s19, $0xb8;
	[tilespmem:$0x1A800] =	vst v63  }
0x70: {  	_ =	swait.ge [sflag:s11], $0x1400  }
0x71: {  	[sflag:s11] =	ssyncset.done $0x0  }
0x72: {  	[sflag:s11] =	ssyncadd.s32 $0xFFFFEC00  }
0x73: {  	_ =	swait.ge [sflag:s18], $0x1400  }
.Ltmp0:
0x74: {  	[sflag:s18] =	ssyncset.done $0x0;
	(pc) =	sbr.rel @p0 .LBB2_2-.Ltmp0, $4  }
0x75: {  	[sflag:s18] =	ssyncadd.s32 $0xFFFFEC00  }
0x76: {  	[spmem:s2] =	stream.indirect.scatter.add.f32 [tilespmem:s16], [sflag:$0x3], $0x80, s23, s19, $0xb8;
	[tilespmem:$0x1A800] =	vst v63  }
0x77: {  	_ =	swait.ge [sflag:s11], $0x1400  }
0x78: {  	[sflag:s11] =	ssyncset.done $0x0  }
0x79: {  	s24 =	sadd.s32 $0x1, s24  }
0x7a: {  	[sflag:s11] =	ssyncadd.s32 $0xFFFFEC00;
	p0 =	sne.s32 s24, s7  }
.Ltmp1:
0x7b: {  	[bflag:$0x0] =	sbarrier.arrive $0xFFFF;
	(pc) =	sbr.rel @p0 .LBB2_1-.Ltmp1, $4  }
0x7c: {  	[hbm:s6], [sflag:s5] =	dma.local [spmem:s10], $0x2800  }
0x7d: {  	_ =	swait.ge [sflag:s11], $0x2800  }
0x7e: {  	[sflag:s11] =	ssyncset.done $0x0  }
0x7f: {  	[sflag:s11] =	ssyncadd.s32 $0xFFFFD800  }
0x80: {  	_ =	sfence.sel $0x180000  }
0x81: {  	[bflag:$0x0] =	sbarrier.arrive $0xFFFF  }
0x82: {  	p0 =	sne.s32 s0, $0x0;
	_ =	strace $0x9000004D  }
0x83: {  	s0 =	sadd.s32 @!p0 $0x100000, s1;
	[bflag:$0x2] =	sbarrier.arrive $0xFFFF  }
0x84: {  	[sflag:s0] =	ssyncadd.tile.s32 @!p0 $0x1;
	_ =	shalt  }
.Lfunc_end2:
_tile_overlayer_lowered:
.L_overlay_start_2:
0x85: {  	(tag) =	ssettag $0x2  }
0x86: {  	s0 =	rddreg [dreg:$0x0];
	s2 =	stileid.u32  }
0x87: {  	s1 =	rddreg [dreg:$0x1];
	p0 =	sne.s32 s2, $0x0  }
0x88: {  	s3 =	rddreg [dreg:$0x2];
	[bflag:$0x3] =	sbarrier.arrive $0xFFFF;
	s2 =	simm.s32 @!p0 $0x1C03  }
0x89: {  	[timem:s3], [sflag:s2] =	dma.local @!p0 [hbm:s0], s1  }
0x8a: {  	s0 =	simm.s32 @!p0 $0x3  }
0x8b: {  	_ =	swait.ge @!p0 [sflag:s0], s1  }
0x8c: {  	s1 =	ssub.s32 @!p0 $0x0, s1;
	[sflag:s0] =	ssyncset.done @!p0 $0x0  }
0x8d: {  	[sflag:s0] =	ssyncadd.s32 @!p0 s1  }
0x8e: {  	[bflag:$0x3] =	sbarrier.arrive $0xFFFF  }
0x8f: {  	_ =	shalt  }

// kernel: kernel.19.cloned.1.call-start
scs
__scs_entry_jumppad:
0x0: {  	(pc) =	sbr.rel $0x88, $3  }
0x1: {  	(tag) =	ssettag $0x0;
	lr =	simm.s32 $0x1  }
0x2: {  	[smem:$0x3F89] =	sst lr;
	_ =	strace $0xD0000000  }
0x3: {  	_ = 	snop  }
0x4: {  	_ = 	snop  }
0x5: {  	_ = 	snop  }
0x6: {  	_ = 	snop  }
0x7: {  	_ = 	snop  }
__scs_overlays_trampoline_lowered:
0x8: {  	[smem:$0x3F98] =	sst s0  }
0x9: {  	[smem:$0x3F99] =	sst s1  }
0xa: {  	[smem:$0x3F9A] =	sst s2  }
0xb: {  	[smem:$0x3F9B] =	sst s3  }
0xc: {  	[smem:$0x3F9C] =	sst s4  }
0xd: {  	[smem:$0x3F9D] =	sst s5  }
0xe: {  	[smem:$0x3F9E] =	sst s6  }
0xf: {  	[smem:$0x3F9F] =	sst s7  }
0x10: {  	[smem:$0x3FA0] =	sst s8  }
0x11: {  	[smem:$0x3FA1] =	sst s9;
	s0 =	simm.s32 @!p0 $0x0  }
0x12: {  	s1 =	sld [smem:$0x3F87];
	s0 =	simm.s32 @p0 $0x1  }
0x13: {  	[smem:$0x3FA2] =	sst s0;
	s0 =	simm.s32 @!p1 $0x0  }
0x14: {  	s2 =	sld [smem:$0x3F86];
	s0 =	simm.s32 @p1 $0x1  }
0x15: {  	[smem:$0x3FA3] =	sst s0;
	s0 =	simm.s32 @!p2 $0x0  }
0x16: {  	s3 =	sld [smem:$0x3FDB];
	s0 =	simm.s32 @p2 $0x1  }
0x17: {  	s4 =	simm.s32 $0x1BF5;
	[smem:$0x3FA5] =	sst s0  }
0x18: {  	s0 =	sld [smem:$0x3F88];
	_ =	swait.ge [sflag:s4], $0x0  }
0x19: {  	s7 =	sld [smem:$0x3F89]  }
0x1a: {  	s8 =	sadd.s32 $0xFFFFE003, lr  }
0x1b: {  	s9 =	sadd.s32 $0xFFFFFEF7, lr;
	s5 =	simm.s32 $0xFFFFFFFF;
	p2 =	slt.u32 s8, $0xFFFFF086  }
0x1c: {  	p1 =	slt.u32 s9, $0xF7A;
	s5 =	simm.s32 @!p2 $0x0  }
0x1d: {  	s5 =	simm.s32 @p1 $0x1;
	p0 =	seq.s32 s7, s2  }
0x1e: {  	s7 =	smul.u32 @!p0 $0xF7A, s2;
	p2 =	seq.s32 @!p0 s5, $0x0  }
0x1f: {  	s9 =	smul.u32 $0xF7A, s1;
	s8 =	simm.s32 @!p0 $0x1BF5;
	p2 =	por !p2, p0  }
0x20: {  	[sflag:s8] =	ssyncset.s32 @!p0 $0xFFFFF086;
	s6 =	sadd.s32 @!p0 s3, s7;
	s7 =	simm.s32 @!p0 $0x108  }
0x21: {  	s3 =	sadd.s32 s3, s9;
	s6 =	sadd.s32 @!p0 $0x88, s6;
	s7 =	simm.s32 @p2 $0x1082  }
0x22: {  	[simem:s7], [sflag:s8] =	dma.local @!p0 [hbm:s6], $0xF7A  }
0x23: {  	s9 =	sor.u32 $0xD0000000, s2;
	s6 =	simm.s32 $0x108;
	_ =	swait.ge @!p0 [sflag:s8], $0x0  }
0x24: {  	s3 =	sadd.s32 $0x88, s3;
	s6 =	simm.s32 @!p1 $0x1082;
	[sflag:s4] =	ssyncset.s32 $0xFFFFF086  }
0x25: {  	[simem:s6], [sflag:s4] =	dma.local [hbm:s3], $0xF7A  }
0x26: {  	[smem:$0x3F89] =	sst s1;
	(tag) =	ssettag s2;
	_ =	strace s9  }
0x27: {  	s1 =	sld [smem:$0x3F99]  }
0x28: {  	s2 =	sld [smem:$0x3F9A]  }
0x29: {  	s4 =	sld [smem:$0x3F9C]  }
0x2a: {  	p0 =	seq.s32 s5, $0x0;
	s5 =	sld [smem:$0x3F9D]  }
0x2b: {  	s6 =	sld [smem:$0x3F9E]  }
0x2c: {  	s7 =	sld [smem:$0x3F9F]  }
0x2d: {  	s3 =	simm.s32 $0x108;
	s8 =	sld [smem:$0x3FA0]  }
0x2e: {  	s3 =	simm.s32 @!p0 $0x1082;
	s9 =	sld [smem:$0x3FA1]  }
0x2f: {  	lr =	sadd.s32 s0, s3;
	s0 =	sld [smem:$0x3F98]  }
0x30: {  	s3 =	sld [smem:$0x3F9B]  }
0x31: {  	[smem:$0x3FA4] =	sst s10  }
0x32: {  	s10 =	sld [smem:$0x3FA2];
	_ =	sdelay $0x3  }
0x33: {  	p0 =	seq.s32 s10, $0x1;
	s10 =	sld [smem:$0x3FA4];
	_ =	sdelay $0x3  }
0x34: {  	[smem:$0x3FA4] =	sst s10  }
0x35: {  	s10 =	sld [smem:$0x3FA3];
	_ =	sdelay $0x3  }
0x36: {  	p1 =	seq.s32 s10, $0x1;
	s10 =	sld [smem:$0x3FA4];
	_ =	sdelay $0x3  }
0x37: {  	[smem:$0x3FA4] =	sst s10  }
0x38: {  	s10 =	sld [smem:$0x3FA5]  }
0x39: {  	_ = 	snop;
	(pc) =	sbr.ind lr, $3  }
0x3a: {  	_ = 	snop  }
0x3b: {  	_ = 	snop  }
0x3c: {  	p2 =	seq.s32 s10, $0x1;
	s10 =	sld [smem:$0x3FA4]  }
0x3d: {  	_ =	shalt  }
0x3e: {  	_ =	shalt  }
0x3f: {  	_ =	shalt  }
0x40: {  	_ =	shalt  }
0x41: {  	_ =	shalt  }
0x42: {  	_ =	shalt  }
0x43: {  	_ =	shalt  }
0x44: {  	_ =	shalt  }
0x45: {  	_ =	shalt  }
0x46: {  	_ =	shalt  }
0x47: {  	_ =	shalt  }
0x48: {  	_ =	shalt  }
0x49: {  	_ =	shalt  }
0x4a: {  	_ =	shalt  }
0x4b: {  	_ =	shalt  }
0x4c: {  	_ =	shalt  }
0x4d: {  	_ =	shalt  }
0x4e: {  	_ =	shalt  }
0x4f: {  	_ =	shalt  }
0x50: {  	_ =	shalt  }
0x51: {  	_ =	shalt  }
0x52: {  	_ =	shalt  }
0x53: {  	_ =	shalt  }
0x54: {  	_ =	shalt  }
0x55: {  	_ =	shalt  }
0x56: {  	_ =	shalt  }
0x57: {  	_ =	shalt  }
0x58: {  	_ =	shalt  }
0x59: {  	_ =	shalt  }
0x5a: {  	_ =	shalt  }
0x5b: {  	_ =	shalt  }
0x5c: {  	_ =	shalt  }
0x5d: {  	_ =	shalt  }
0x5e: {  	_ =	shalt  }
0x5f: {  	_ =	shalt  }
0x60: {  	_ =	shalt  }
0x61: {  	_ =	shalt  }
0x62: {  	_ =	shalt  }
0x63: {  	_ =	shalt  }
0x64: {  	_ =	shalt  }
0x65: {  	_ =	shalt  }
0x66: {  	_ =	shalt  }
0x67: {  	_ =	shalt  }
0x68: {  	_ =	shalt  }
0x69: {  	_ =	shalt  }
0x6a: {  	_ =	shalt  }
0x6b: {  	_ =	shalt  }
0x6c: {  	_ =	shalt  }
0x6d: {  	_ =	shalt  }
0x6e: {  	_ =	shalt  }
0x6f: {  	_ =	shalt  }
0x70: {  	_ =	shalt  }
0x71: {  	_ =	shalt  }
0x72: {  	_ =	shalt  }
0x73: {  	_ =	shalt  }
0x74: {  	_ =	shalt  }
0x75: {  	_ =	shalt  }
0x76: {  	_ =	shalt  }
0x77: {  	_ =	shalt  }
0x78: {  	_ =	shalt  }
0x79: {  	_ =	shalt  }
0x7a: {  	_ =	shalt  }
0x7b: {  	_ =	shalt  }
0x7c: {  	_ =	shalt  }
0x7d: {  	_ =	shalt  }
0x7e: {  	_ =	shalt  }
0x7f: {  	_ =	shalt  }
0x80: {  	_ =	shalt  }
0x81: {  	_ =	shalt  }
0x82: {  	_ =	shalt  }
0x83: {  	_ =	shalt  }
0x84: {  	_ =	shalt  }
0x85: {  	_ =	shalt  }
0x86: {  	_ =	shalt  }
0x87: {  	_ =	shalt  }
.Lfunc_end0:
.L_simem_size_0:
called_computation.3_lowered:
.L_overlay_start_0:
0x88: {  	s2 =	sld [smem:$0x3FD9]  }
0x89: {  	s3 =	sld [smem:$0x3FFE];
	_ =	sdelay $0x1  }
0x8a: {  	s1 =	srdreg.scid  }
0x8b: {  	s0 =	sand.u32 $0x1, s1  }
0x8c: {  	s17 =	sshll.u32 s0, $0xA;
	s2 =	sadd.s32 s3, s2  }
0x8d: {  	s2 =	sadd.s32 s2, s17  }
0x8e: {  	[smem:$0x3FB0] =	sst s2  }
0x8f: {  	_ = 	snop  }
0x90: {  	(tm) =	ssettm $0x1  }
0x91: {  	s18 =	sld [smem:$0x3FFB];
	_ =	sdelay $0x3  }
0x92: {  	_ =	strace s18  }
0x93: {  	s2 =	sld [smem:$0x3FFC];
	_ =	sdelay $0x3  }
0x94: {  	_ =	strace s2  }
0x95: {  	s2 =	sld [smem:$0x3FFD];
	_ =	sdelay $0x3  }
0x96: {  	_ =	strace s2  }
0x97: {  	_ =	strace $0x8FFFFFFF  }
0x98: {  	s19 =	sld [smem:$0x3FDB];
	_ =	sdelay $0x1  }
0x99: {  	s20 =	simm.s32 $_scs_section_size  }
0x9a: {  	s4 =	simm.s32 $_size__tile_overlayer_lowered;
	s5 =	simm.s32 $_tile_overlayer_lowered  }
0x9b: {  	s6 =	simm.s32 $0x1BFF;
	s21 =	sshll.u32 s5, $0x1;
	s3 =	sadd.s32 s20, s19  }
0x9c: {  	s22 =	simm.s32 $0x0;
	s4 =	sshll.u32 s4, $0x1;
	s5 =	sadd.s32 s21, s3  }
0x9d: {  	[timem:s22], [sflag:s6] =	dma.local [hbm:s5], s4  }
0x9e: {  	_ =	swait.ge [sflag:s6], s4  }
0x9f: {  	s4 =	ssub.s32 $0x0, s4;
	[sflag:s6] =	ssyncset.done $0x0  }
0xa0: {  	[sflag:s6] =	ssyncadd.s32 s4;
	_ =	sdelay $0x1  }
0xa1: {  	s23 =	simm.s32 $0x1B8B  }
0xa2: {  	_ =	swait.ge [sflag:s23], $0x1  }
0xa3: {  	[sflag:s23] =	ssyncset.done $0x0  }
0xa4: {  	[sflag:s23] =	ssyncadd.s32 $0xFFFFFFFF  }
0xa5: {  	s4 =	sld [smem:$0x0]  }
0xa6: {  	s5 =	sand.u32 $0xFFFFFFFE, s1  }
0xa7: {  	p0 =	sne.s32 s1, s5  }
0xa8: {  	s5 =	sshll.u32 @p0 s5, $0xE  }
0xa9: {  	s5 =	sadd.s32 @p0 $0x11B8D, s5;
	s6 =	sshll.u32 @p0 s4, $0x11  }
0xaa: {  	s5 =	sor.u32 @p0 s6, s5  }
0xab: {  	[sflag:s5] =	ssyncadd.remote.s32 @p0 $0x1;
	_ =	sdelay $0x1  }
0xac: {  	s5 =	simm.s32 @p0 $0x1B8D  }
0xad: {  	_ =	swait.eq @p0 [sflag:s5], $0x1  }
0xae: {  	[sflag:s5] =	ssyncadd.s32 @p0 $0xFFFFFFFF  }
0xaf: {  	s6 =	sshll.u32 @!p0 s1, $0xE  }
0xb0: {  	s6 =	sor.u32 @!p0 $0x4000, s6;
	s5 =	simm.s32 @!p0 $0x1B8D  }
0xb1: {  	s4 =	sshll.u32 @!p0 s4, $0x11;
	s6 =	sadd.s32 @!p0 $0x11B8D, s6;
	_ =	swait.eq @!p0 [sflag:s5], $0x1  }
0xb2: {  	s4 =	sor.u32 @!p0 s4, s6;
	[sflag:s5] =	ssyncadd.s32 @!p0 $0xFFFFFFFF  }
0xb3: {  	s25 =	simm.s32 $0x1B8E;
	s24 =	sld [smem:$0x3FFE];
	[sflag:s4] =	ssyncadd.remote.s32 @!p0 $0x1  }
0xb4: {  	s26 =	simm.s32 $execute0_lowered;
	[smem:$0x3FD2] =	sst s25  }
0xb5: {  	s5 =	sshll.u32 s26, $0x1;
	_ =	strace $0x8000004F;
	[dreg:$0x1] =	wrdreg $0xFFFFFFFF  }
0xb6: {  	s28 =	simm.s32 $_size_execute0_lowered;
	s3 =	sadd.s32 s3, s5;
	[dreg:$0x0] =	wrdreg $0x0  }
0xb7: {  	s5 =	sshll.u32 s28, $0x1;
	[dreg:$0x2] =	wrdreg s3  }
0xb8: {  	[dreg:$0x3] =	wrdreg s5  }
0xb9: {  	[dreg:$0x4] =	wrdreg $0xC0  }
0xba: {  	_ =	task [dreg:s22], $0x5FFFF  }
0xbb: {  	[dreg:$0x1] =	wrdreg $0xFFFFFFFF  }
0xbc: {  	[dreg:$0x0] =	wrdreg $0x60  }
0xbd: {  	[dreg:$0x2] =	wrdreg s24  }
0xbe: {  	[dreg:$0x3] =	wrdreg $0x68000  }
0xbf: {  	[dreg:$0x4] =	wrdreg $0x9  }
0xc0: {  	_ =	task.clear_ibuf [dreg:s22], $0x5FFFF;
	_ =	strace $0x9000004F  }
0xc1: {  	s29 =	simm.s32 $0x9;
	_ =	strace $0x80000051  }
0xc2: {  	_ =	swait.ge [sflag:s29], $0x1  }
0xc3: {  	[sflag:s29] =	ssyncadd.s32 $0xFFFFFFFF  }
0xc4: {  	_ =	strace $0x90000051  }
0xc5: {  	_ =	sfence  }
0xc6: {  	s30 =	sld [smem:$0x0];
	_ =	sdelay $0x2  }
0xc7: {  	s31 =	sshll.u32 s1, $0xD;
	s1 =	sshrl.u32 s1, $0x2  }
0xc8: {  	s4 =	sand.u32 $0x4000, s31;
	s1 =	sadd.s32 s1, s30  }
0xc9: {  	s0 =	sor.u32 s4, s0;
	s1 =	sshll.u32 s1, $0x11  }
0xca: {  	s0 =	sor.u32 s1, s0  }
0xcb: {  	s0 =	sadd.s32 $0x8F2B, s0  }
0xcc: {  	[sflag:s0] =	ssyncadd.remote.s32 $0x1  }
0xcd: {  	_ =	sfence.sel $0xFFFF  }
0xce: {  	[dreg:$0x0] =	wrdreg $0xFFFFFFFF;
	(pc) =	sbr.abs _section_cstart, $3  }
0xcf: {  	[dreg:$0x1] =	wrdreg $0xFFFFFFFF  }
0xd0: {  	_ =	task.clear_ibuf [dreg:s22], $0x2FFFF;
	_ =	strace $0x9FFFFFFF  }
0xd1: {  	(tm) =	ssettm $0x7FFFFFFF  }
tec
execute0_lowered:
.L_overlay_start_1:
0x0: {  	(tag) =	ssettag $0x1  }
0x1: {  	s4 =	rddreg [dreg:$0x0]  }
0x2: {  	s0 =	srdreg.scid;
	s2 =	rddreg [dreg:$0x1]  }
0x3: {  	s1 =	rddreg [dreg:$0x2];
	s3 =	simm.s32 $0x0;
	s13 =	simm.s32 $0x1800  }
0x4: {  	s14 =	simm.s32 $0x2C00;
	s15 =	simm.s32 $0x4000;
	s5 =	sand.u32 $0x1, s0  }
0x5: {  	s16 =	simm.s32 $0x5400;
	s0 =	stileid.u32;
	s6 =	smul.u32 $0x64000, s5  }
0x6: {  	s17 =	simm.s32 $0x2;
	s18 =	simm.s32 $0x1;
	s7 =	smul.u32 $0x6400, s0  }
0x7: {  	s19 =	simm.s32 $0x28;
	s20 =	simm.s32 $0x80;
	s8 =	smul.u32 $0x138800, s5  }
0x8: {  	s21 =	simm.s32 $0x100;
	s22 =	simm.s32 $0x180;
	s24 =	smul.u32 $0x2800, s0  }
0x9: {  	s23 =	simm.s32 $0x200;
	[smem:$0x7FF] =	sst s3;
	s9 =	smul.u32 $0x28000, s5  }
0xa: {  	_ =	strace $0x80000050;
	s5 =	ssub.s32 $0x2, s5;
	s26 =	smul.u32 $0x50000, s0  }
0xb: {  	s30 =	smul.u32 $0x13880, s0;
	s31 =	sshll.u32 s0, $0x6;
	s28 =	sshrl.u32 s5, $0x1  }
0xc: {  	s6 =	sadd.s32 s7, s6;
	s8 =	sadd.s32 s8, s4;
	s25 =	sadd.s32 s24, s9  }
0xd: {  	s7 =	sadd.s32 s24, s4;
	s11 =	ssub.s32 s5, s28;
	s29 =	sshrl.u32 s26, $0x2  }
0xe: {  	s5 =	sor.u32 $0x1C03, s31;
	s24 =	simm.s32 $0x0;
	s6 =	sshrl.u32 s6, $0x3  }
0xf: {  	s12 =	sadd.s32 s29, s2;
	s9 =	sadd.s32 s30, s8;
	s10 =	sadd.s32 s6, s4  }
0x10: {  	s6 =	sadd.s32 s25, s4;
	s4 =	sadd.s32 $0x5400, s7;
	s7 =	smax.u32 s11, $0x1  }
0x11: {  	s9 =	sadd.s32 $0x7A0200, s9;
	s11 =	simm.s32 $0x3;
	s6 =	sadd.s32 $0x96400, s6  }
0x12: {  	s8 =	sadd.s32 $0x7D400, s10;
	s10 =	sshrl.u32 s12, $0x3;
	s12 =	simm.s32 $0x400  }
.LBB2_1:
0x13: {  	[spmem:s10], [sflag:s5] =	dma.local [hbm:s4], $0x2800  }
0x14: {  	_ =	swait.ge [sflag:s11], $0x2800  }
0x15: {  	[sflag:s11] =	ssyncset.done $0x0  }
0x16: {  	[sflag:s11] =	ssyncadd.s32 $0xFFFFD800  }
0x17: {  	[bflag:$0x0] =	sbarrier.arrive $0xFFFF  }
0x18: {  	[tilespmem:s3], [sflag:$0x2] =	stream.linear.gather [hbm4b:s8+s3], $0x280, $0x38;
	[tilespmem:$0x1A800] =	vst v63  }
0x19: {  	s25 =	sadd.s32 $0x0, s9  }
0x1a: {  	[tilespmem:s12], [sflag:$0x1] =	stream.linear.gather [hbm4b:s25+s3], $0x1400, $0x38;
	[tilespmem:$0x1A800] =	vst v63  }
0x1b: {  	s26 =	sadd.s32 $0x280, s25  }
0x1c: {  	[tilespmem:s13], [sflag:$0x1] =	stream.linear.gather [hbm4b:s26+s3], $0x1400, $0x38;
	[tilespmem:$0x1A800] =	vst v63  }
0x1d: {  	s30 =	sadd.s32 $0x500, s25  }
0x1e: {  	[tilespmem:s14], [sflag:$0x1] =	stream.linear.gather [hbm4b:s30+s3], $0x1400, $0x38;
	[tilespmem:$0x1A800] =	vst v63  }
0x1f: {  	s31 =	sadd.s32 $0x780, s25  }
0x20: {  	[tilespmem:s15], [sflag:$0x1] =	stream.linear.gather [hbm4b:s31+s3], $0x1400, $0x38;
	[tilespmem:$0x1A800] =	vst v63  }
0x21: {  	s25 =	sadd.s32 $0xA00, s25  }
0x22: {  	[tilespmem:s16], [sflag:$0x1] =	stream.linear.gather [hbm4b:s25+s3], $0x1400, $0x38;
	[tilespmem:$0x1A800] =	vst v63  }
0x23: {  	_ =	swait.ge [sflag:s17], $0x280  }
0x24: {  	[sflag:s17] =	ssyncset.done $0x0  }
0x25: {  	[sflag:s17] =	ssyncadd.s32 $0xFFFFFD80  }
0x26: {  	_ =	swait.ge [sflag:s18], $0x1400  }
0x27: {  	[sflag:s18] =	ssyncset.done $0x0  }
0x28: {  	[sflag:s18] =	ssyncadd.s32 $0xFFFFEC00  }
0x29: {  	[spmem:s2] =	stream.indirect.scatter.add.f32 [tilespmem:s12], [sflag:$0x3], $0x80, s3, s19, $0xb8;
	[tilespmem:$0x1A800] =	vst v63  }
0x2a: {  	_ =	swait.ge [sflag:s11], $0x1400  }
0x2b: {  	[sflag:s11] =	ssyncset.done $0x0  }
0x2c: {  	[sflag:s11] =	ssyncadd.s32 $0xFFFFEC00  }
0x2d: {  	_ =	swait.ge [sflag:s18], $0x1400  }
0x2e: {  	[sflag:s18] =	ssyncset.done $0x0  }
0x2f: {  	[sflag:s18] =	ssyncadd.s32 $0xFFFFEC00  }
0x30: {  	[spmem:s2] =	stream.indirect.scatter.add.f32 [tilespmem:s13], [sflag:$0x3], $0x80, s20, s19, $0xb8;
	[tilespmem:$0x1A800] =	vst v63  }
0x31: {  	_ =	swait.ge [sflag:s11], $0x1400  }
0x32: {  	[sflag:s11] =	ssyncset.done $0x0  }
0x33: {  	[sflag:s11] =	ssyncadd.s32 $0xFFFFEC00  }
0x34: {  	_ =	swait.ge [sflag:s18], $0x1400  }
0x35: {  	[sflag:s18] =	ssyncset.done $0x0  }
0x36: {  	[sflag:s18] =	ssyncadd.s32 $0xFFFFEC00  }
0x37: {  	[spmem:s2] =	stream.indirect.scatter.add.f32 [tilespmem:s14], [sflag:$0x3], $0x80, s21, s19, $0xb8;
	[tilespmem:$0x1A800] =	vst v63  }
0x38: {  	_ =	swait.ge [sflag:s11], $0x1400  }
0x39: {  	[sflag:s11] =	ssyncset.done $0x0  }
0x3a: {  	[sflag:s11] =	ssyncadd.s32 $0xFFFFEC00  }
0x3b: {  	_ =	swait.ge [sflag:s18], $0x1400  }
0x3c: {  	[sflag:s18] =	ssyncset.done $0x0  }
0x3d: {  	[sflag:s18] =	ssyncadd.s32 $0xFFFFEC00  }
0x3e: {  	[spmem:s2] =	stream.indirect.scatter.add.f32 [tilespmem:s15], [sflag:$0x3], $0x80, s22, s19, $0xb8;
	[tilespmem:$0x1A800] =	vst v63  }
0x3f: {  	_ =	swait.ge [sflag:s11], $0x1400  }
0x40: {  	[sflag:s11] =	ssyncset.done $0x0  }
0x41: {  	[sflag:s11] =	ssyncadd.s32 $0xFFFFEC00  }
0x42: {  	_ =	swait.ge [sflag:s18], $0x1400  }
0x43: {  	[sflag:s18] =	ssyncset.done $0x0  }
0x44: {  	[sflag:s18] =	ssyncadd.s32 $0xFFFFEC00  }
0x45: {  	[spmem:s2] =	stream.indirect.scatter.add.f32 [tilespmem:s16], [sflag:$0x3], $0x80, s23, s19, $0xb8;
	[tilespmem:$0x1A800] =	vst v63  }
0x46: {  	_ =	swait.ge [sflag:s11], $0x1400  }
0x47: {  	s26 =	smov.u32 s8;
	s25 =	simm.s32 $0xC80;
	[sflag:s11] =	ssyncset.done $0x0  }
.LBB2_2:
0x48: {  	p0 =	sne.s32 s25, $0x12C00;
	[sflag:s11] =	ssyncadd.s32 $0xFFFFEC00;
	s26 =	sadd.s32 $0x80, s26  }
0x49: {  	[tilespmem:s3], [sflag:$0x2] =	stream.linear.gather [hbm4b:s26+s3], $0x280, $0x38;
	[tilespmem:$0x1A800] =	vst v63  }
0x4a: {  	s28 =	sadd.s32 s25, s9;
	s25 =	sadd.s32 $0xC80, s25  }
0x4b: {  	[tilespmem:s12], [sflag:$0x1] =	stream.linear.gather [hbm4b:s28+s3], $0x1400, $0x38;
	[tilespmem:$0x1A800] =	vst v63  }
0x4c: {  	s29 =	sadd.s32 $0x280, s28  }
0x4d: {  	[tilespmem:s13], [sflag:$0x1] =	stream.linear.gather [hbm4b:s29+s3], $0x1400, $0x38;
	[tilespmem:$0x1A800] =	vst v63  }
0x4e: {  	s29 =	sadd.s32 $0x500, s28  }
0x4f: {  	[tilespmem:s14], [sflag:$0x1] =	stream.linear.gather [hbm4b:s29+s3], $0x1400, $0x38;
	[tilespmem:$0x1A800] =	vst v63  }
0x50: {  	s29 =	sadd.s32 $0x780, s28  }
0x51: {  	[tilespmem:s15], [sflag:$0x1] =	stream.linear.gather [hbm4b:s29+s3], $0x1400, $0x38;
	[tilespmem:$0x1A800] =	vst v63  }
0x52: {  	s28 =	sadd.s32 $0xA00, s28  }
0x53: {  	[tilespmem:s16], [sflag:$0x1] =	stream.linear.gather [hbm4b:s28+s3], $0x1400, $0x38;
	[tilespmem:$0x1A800] =	vst v63  }
0x54: {  	_ =	swait.ge [sflag:s17], $0x280  }
0x55: {  	[sflag:s17] =	ssyncset.done $0x0  }
0x56: {  	[sflag:s17] =	ssyncadd.s32 $0xFFFFFD80  }
0x57: {  	_ =	swait.ge [sflag:s18], $0x1400  }
0x58: {  	[sflag:s18] =	ssyncset.done $0x0  }
0x59: {  	[sflag:s18] =	ssyncadd.s32 $0xFFFFEC00  }
0x5a: {  	[spmem:s2] =	stream.indirect.scatter.add.f32 [tilespmem:s12], [sflag:$0x3], $0x80, s3, s19, $0xb8;
	[tilespmem:$0x1A800] =	vst v63  }
0x5b: {  	_ =	swait.ge [sflag:s11], $0x1400  }
0x5c: {  	[sflag:s11] =	ssyncset.done $0x0  }
0x5d: {  	[sflag:s11] =	ssyncadd.s32 $0xFFFFEC00  }
0x5e: {  	_ =	swait.ge [sflag:s18], $0x1400  }
0x5f: {  	[sflag:s18] =	ssyncset.done $0x0  }
0x60: {  	[sflag:s18] =	ssyncadd.s32 $0xFFFFEC00  }
0x61: {  	[spmem:s2] =	stream.indirect.scatter.add.f32 [tilespmem:s13], [sflag:$0x3], $0x80, s20, s19, $0xb8;
	[tilespmem:$0x1A800] =	vst v63  }
0x62: {  	_ =	swait.ge [sflag:s11], $0x1400  }
0x63: {  	[sflag:s11] =	ssyncset.done $0x0  }
0x64: {  	[sflag:s11] =	ssyncadd.s32 $0xFFFFEC00  }
0x65: {  	_ =	swait.ge [sflag:s18], $0x1400  }
0x66: {  	[sflag:s18] =	ssyncset.done $0x0  }
0x67: {  	[sflag:s18] =	ssyncadd.s32 $0xFFFFEC00  }
0x68: {  	[spmem:s2] =	stream.indirect.scatter.add.f32 [tilespmem:s14], [sflag:$0x3], $0x80, s21, s19, $0xb8;
	[tilespmem:$0x1A800] =	vst v63  }
0x69: {  	_ =	swait.ge [sflag:s11], $0x1400  }
0x6a: {  	[sflag:s11] =	ssyncset.done $0x0  }
0x6b: {  	[sflag:s11] =	ssyncadd.s32 $0xFFFFEC00  }
0x6c: {  	_ =	swait.ge [sflag:s18], $0x1400  }
0x6d: {  	[sflag:s18] =	ssyncset.done $0x0  }
0x6e: {  	[sflag:s18] =	ssyncadd.s32 $0xFFFFEC00  }
0x6f: {  	[spmem:s2] =	stream.indirect.scatter.add.f32 [tilespmem:s15], [sflag:$0x3], $0x80, s22, s19, $0xb8;
	[tilespmem:$0x1A800] =	vst v63  }
0x70: {  	_ =	swait.ge [sflag:s11], $0x1400  }
0x71: {  	[sflag:s11] =	ssyncset.done $0x0  }
0x72: {  	[sflag:s11] =	ssyncadd.s32 $0xFFFFEC00  }
0x73: {  	_ =	swait.ge [sflag:s18], $0x1400  }
.Ltmp0:
0x74: {  	[sflag:s18] =	ssyncset.done $0x0;
	(pc) =	sbr.rel @p0 .LBB2_2-.Ltmp0, $4  }
0x75: {  	[sflag:s18] =	ssyncadd.s32 $0xFFFFEC00  }
0x76: {  	[spmem:s2] =	stream.indirect.scatter.add.f32 [tilespmem:s16], [sflag:$0x3], $0x80, s23, s19, $0xb8;
	[tilespmem:$0x1A800] =	vst v63  }
0x77: {  	_ =	swait.ge [sflag:s11], $0x1400  }
0x78: {  	[sflag:s11] =	ssyncset.done $0x0  }
0x79: {  	s24 =	sadd.s32 $0x1, s24  }
0x7a: {  	[sflag:s11] =	ssyncadd.s32 $0xFFFFEC00;
	p0 =	sne.s32 s24, s7  }
.Ltmp1:
0x7b: {  	[bflag:$0x0] =	sbarrier.arrive $0xFFFF;
	(pc) =	sbr.rel @p0 .LBB2_1-.Ltmp1, $4  }
0x7c: {  	[hbm:s6], [sflag:s5] =	dma.local [spmem:s10], $0x2800  }
0x7d: {  	_ =	swait.ge [sflag:s11], $0x2800  }
0x7e: {  	[sflag:s11] =	ssyncset.done $0x0  }
0x7f: {  	[sflag:s11] =	ssyncadd.s32 $0xFFFFD800  }
0x80: {  	_ =	sfence.sel $0x180000  }
0x81: {  	[bflag:$0x0] =	sbarrier.arrive $0xFFFF  }
0x82: {  	p0 =	sne.s32 s0, $0x0;
	_ =	strace $0x90000050  }
0x83: {  	s0 =	sadd.s32 @!p0 $0x100000, s1;
	[bflag:$0x2] =	sbarrier.arrive $0xFFFF  }
0x84: {  	[sflag:s0] =	ssyncadd.tile.s32 @!p0 $0x1;
	_ =	shalt  }
.Lfunc_end2:
_tile_overlayer_lowered:
.L_overlay_start_2:
0x85: {  	(tag) =	ssettag $0x2  }
0x86: {  	s0 =	rddreg [dreg:$0x0];
	s2 =	stileid.u32  }
0x87: {  	s1 =	rddreg [dreg:$0x1];
	p0 =	sne.s32 s2, $0x0  }
0x88: {  	s3 =	rddreg [dreg:$0x2];
	[bflag:$0x3] =	sbarrier.arrive $0xFFFF;
	s2 =	simm.s32 @!p0 $0x1C03  }
0x89: {  	[timem:s3], [sflag:s2] =	dma.local @!p0 [hbm:s0], s1  }
0x8a: {  	s0 =	simm.s32 @!p0 $0x3  }
0x8b: {  	_ =	swait.ge @!p0 [sflag:s0], s1  }
0x8c: {  	s1 =	ssub.s32 @!p0 $0x0, s1;
	[sflag:s0] =	ssyncset.done @!p0 $0x0  }
0x8d: {  	[sflag:s0] =	ssyncadd.s32 @!p0 s1  }
0x8e: {  	[bflag:$0x3] =	sbarrier.arrive $0xFFFF  }
0x8f: {  	_ =	shalt  }

</sc_bundles>
